<compile_context>
chip_gen: v7x
topology: tpu7x:2x2x1
jax: 0.10.2.dev20260603
libtpu: 0.0.44.dev20260713+nightly
codegen_flags: <defaults>
</compile_context>

<pallas_src>
import functools

import jax
import jax.numpy as jnp
from jax import lax
from jax.experimental import pallas as pl
from jax.experimental.pallas import tpu as pltpu
from jax.experimental.pallas import tpu_sc as plsc

D = 128
GATHER = 128
CHUNK = 128
NBUF = 7
LEAD = 6
NC, NS = 2, 16
NW = NC * NS


def _emb_body(idx_hbm, table_hbm, out_hbm, idx_v, bufs, gsem, ssem):
    n = idx_hbm.shape[0] // (NW * CHUNK)
    wid = lax.axis_index("s") * NC + lax.axis_index("c")
    base = wid * n
    pltpu.sync_copy(idx_hbm.at[pl.ds(base * CHUNK, n * CHUNK)], idx_v)

    def gather(j, b):
        for g in range(CHUNK // GATHER):
            pltpu.async_copy(
                table_hbm.at[idx_v.at[pl.ds(j * CHUNK + g * GATHER, GATHER)]],
                bufs.at[b].at[pl.ds(g * GATHER, GATHER)], gsem.at[b])

    def wait_g(b):
        pltpu.make_async_copy(
            table_hbm.at[pl.ds(0, CHUNK)], bufs.at[b], gsem.at[b]).wait()

    def scatter(j, b):
        pltpu.async_copy(
            bufs.at[b], out_hbm.at[pl.ds((base + j) * CHUNK, CHUNK)],
            ssem.at[b])

    def wait_s(b):
        pltpu.make_async_copy(
            bufs.at[b], out_hbm.at[pl.ds(0, CHUNK)], ssem.at[b]).wait()

    def visit(j, b, refill, swait):
        wait_g(b)
        scatter(j, b)
        if refill:
            bp = (b + LEAD) % NBUF
            if swait:
                wait_s(bp)
            gather(j + LEAD, bp)

    for c in range(LEAD):
        gather(c, c)
    for j in range(NBUF):
        visit(j, j, refill=True, swait=j >= NBUF - LEAD)

    def body(i, carry):
        for b in range(NBUF):
            visit(NBUF * i + b, b, refill=True, swait=True)
        return carry

    lax.fori_loop(1, (n - NBUF - n % NBUF) // NBUF, body, 0)

    for j in range(n - NBUF - n % NBUF, n):
        visit(j, j % NBUF, refill=j + LEAD < n, swait=True)
    for b in range(NBUF):
        wait_s(b)


@functools.partial(jax.jit, static_argnames=("total_rows",))
def _emb_call(idx1d, weight, total_rows):
    mesh = plsc.VectorSubcoreMesh(core_axis_name="c", subcore_axis_name="s")
    f = pl.kernel(
        _emb_body,
        out_type=jax.ShapeDtypeStruct((total_rows, D), jnp.float32),
        mesh=mesh,
        scratch_types=[
            pltpu.VMEM((total_rows // NW,), jnp.int32),
            pltpu.VMEM((NBUF, CHUNK, D), jnp.float32),
            pltpu.SemaphoreType.DMA((NBUF,)),
            pltpu.SemaphoreType.DMA((NBUF,)),
        ],
    )
    return f(idx1d, weight)


def kernel(token_ids, weight):
    b, s = token_ids.shape
    total = b * s
    idx1d = token_ids.astype(jnp.int32).T.reshape(total)
    out = _emb_call(idx1d, weight, total)
    return out.reshape(s, b, D).transpose(1, 0, 2)

# --- scband reference (transcript-rebuilt; emitter-appended) ---
"""Pipeline reference for scband-embedding-20212116095314 (READ-ONLY COPY).

The authoritative reference and input builder live on the scoring server;
editing this copy changes nothing except your own understanding.
"""

import jax, jax.numpy as jnp
import numpy as np

NUM_EMBEDDINGS = 100000
EMBEDDING_DIM = 128

def setup_inputs(seed: int = 0) -> dict:
    key = jax.random.key(seed)
    k_idx, k_w = jax.random.split(key)
    token_ids = jax.random.randint(k_idx, (4096, 50), 0, NUM_EMBEDDINGS, dtype=jnp.int64 if jax.config.jax_enable_x64 else jnp.int32)
    # trunc_normal init: std=1.0, truncated to [-3, 3]
    weight = jax.random.truncated_normal(k_w, -3.0, 3.0, (NUM_EMBEDDINGS, EMBEDDING_DIM), dtype=jnp.float32)
    return {"token_ids": token_ids, "weight": weight}

def reference(token_ids, weight):
    # weight[token_ids]: gather rows, output shape (..., embedding_dim)
    return jnp.take(weight, token_ids, axis=0)

if __name__ == "__main__":
    import jax
    _d = setup_inputs()
    print(jax.jit(kernel)(*tuple(_d.values())))

</pallas_src>

<mosaic_0001>
#map = affine_map<(d0, d1) -> (0)>
#map1 = affine_map<(d0, d1) -> (0, 0)>
module attributes {stable_mosaic.version = 14 : i64} {
  func.func @_emb_body(%arg0: i32, %arg1: i32, %arg2: memref<204800xi32, #tpu.memory_space<hbm>>, %arg3: memref<100000x128xf32, #tpu.memory_space<hbm>>, %arg4: memref<204800x128xf32, #tpu.memory_space<hbm>>, %arg5: memref<6400xi32, #tpu.memory_space<vmem>>, %arg6: memref<7x128x128xf32, #tpu.memory_space<vmem>>, %arg7: memref<7x!tpu.dma_semaphore, #tpu.memory_space<semaphore_mem>>, %arg8: memref<7x!tpu.dma_semaphore, #tpu.memory_space<semaphore_mem>>) attributes {dimension_semantics = [#tpu.dimension_semantics<core_parallel>, #tpu.dimension_semantics<subcore_parallel>], iteration_bounds = array<i64: 2, 16>, scalar_prefetch = 0 : i64, scratch_operands = 4 : i64, tpu.core_type = #tpu.core_type<sc_vector_subcore>, window_params = [{transform_indices = #map}, {transform_indices = #map1}, {transform_indices = #map1}]} {
    %mul3A = arith.constant 2 : i32
    %mul3A_0 = arith.muli %arg1, %mul3A : i32
    %add3A = arith.addi %mul3A_0, %arg0 : i32
    %mul3A_1 = arith.constant 50 : i32
    %mul3A_2 = arith.muli %add3A, %mul3A_1 : i32
    %mul3A_3 = arith.constant 128 : i32
    %mul3A_4 = arith.muli %mul3A_2, %mul3A_3 : i32
    "tpu.region"() ({
      %run_scoped3A = tpu.sem_alloc : memref<!tpu.dma_semaphore, #tpu.memory_space<semaphore_mem>>
      %dma_start3A_1088 = tpu.memref_slice %arg2[%mul3A_4] : memref<204800xi32, #tpu.memory_space<hbm>> -> memref<6400xi32, #tpu.memory_space<hbm>>
      %dma_start3A_1089 = tpu.memref_slice %arg2[%mul3A_4] : memref<204800xi32, #tpu.memory_space<hbm>> -> memref<6400xi32, #tpu.memory_space<hbm>>
      tpu.enqueue_dma source(%dma_start3A_1089 : memref<6400xi32, #tpu.memory_space<hbm>>) target(%arg5 : memref<6400xi32, #tpu.memory_space<vmem>>) target_semaphore(%run_scoped3A : memref<!tpu.dma_semaphore, #tpu.memory_space<semaphore_mem>>)
      %dma_wait3A_1090 = tpu.memref_slice %arg2[%mul3A_4] : memref<204800xi32, #tpu.memory_space<hbm>> -> memref<6400xi32, #tpu.memory_space<hbm>>
      %dma_wait3A_1091 = tpu.memref_slice %arg2[%mul3A_4] : memref<204800xi32, #tpu.memory_space<hbm>> -> memref<6400xi32, #tpu.memory_space<hbm>>
      tpu.wait_dma2 semaphore(%run_scoped3A : memref<!tpu.dma_semaphore, #tpu.memory_space<semaphore_mem>>) src(%dma_wait3A_1091 : memref<6400xi32, #tpu.memory_space<hbm>>) dst(%arg5 : memref<6400xi32, #tpu.memory_space<vmem>>)
      tpu.yield
    }) : () -> ()
    %dma_start3A = arith.constant 0 : i32
    %dma_start3A_5 = arith.constant 0 : i32
    %dma_start3A_6 = arith.constant 0 : i32
    %dma_start3A_7 = arith.constant 0 : i32
    %dma_start3A_8 = tpu.memref_slice %arg6[%dma_start3A, %dma_start3A_6, %dma_start3A_7] : memref<7x128x128xf32, #tpu.memory_space<vmem>> -> memref<1x128x128xf32, #tpu.memory_space<vmem>>
    %dma_start3A_9 = tpu.memref_squeeze %dma_start3A_8 : memref<1x128x128xf32, #tpu.memory_space<vmem>> -> memref<128x128xf32, #tpu.memory_space<vmem>>
    %dma_start3A_10 = arith.constant 0 : i32
    %dma_start3A_11 = arith.constant 0 : i32
    %dma_start3A_12 = tpu.memref_slice %dma_start3A_9[%dma_start3A_10, %dma_start3A_11] : memref<128x128xf32, #tpu.memory_space<vmem>> -> memref<128x128xf32, #tpu.memory_space<vmem>>
    %dma_start3A_13 = arith.constant 0 : i32
    %dma_start3A_14 = tpu.memref_slice %arg5[%dma_start3A_13] : memref<6400xi32, #tpu.memory_space<vmem>> -> memref<128xi32, #tpu.memory_space<vmem>>
    %dma_start3A_15 = arith.constant 0 : i32
    %dma_start3A_16 = arith.constant 0 : i32
    %dma_start3A_17 = tpu.memref_slice %arg3[%dma_start3A_15, %dma_start3A_16] : memref<100000x128xf32, #tpu.memory_space<hbm>> -> memref<100000x128xf32, #tpu.memory_space<hbm>>
    %dma_start3A_18 = tpu.memref_slice %arg7[%dma_start3A_5] : memref<7x!tpu.dma_semaphore, #tpu.memory_space<semaphore_mem>> -> memref<1x!tpu.dma_semaphore, #tpu.memory_space<semaphore_mem>>
    %dma_start3A_19 = tpu.memref_squeeze %dma_start3A_18 : memref<1x!tpu.dma_semaphore, #tpu.memory_space<semaphore_mem>> -> memref<!tpu.dma_semaphore, #tpu.memory_space<semaphore_mem>>
    tpu.enqueue_indirect_dma source(%dma_start3A_17 : memref<100000x128xf32, #tpu.memory_space<hbm>>) target(%dma_start3A_12 : memref<128x128xf32, #tpu.memory_space<vmem>>) offsets(%dma_start3A_14 : memref<128xi32, #tpu.memory_space<vmem>>) semaphore(%dma_start3A_19 : memref<!tpu.dma_semaphore, #tpu.memory_space<semaphore_mem>>)
    %dma_start3A_20 = arith.constant 1 : i32
    %dma_start3A_21 = arith.constant 1 : i32
    %dma_start3A_22 = arith.constant 0 : i32
    %dma_start3A_23 = arith.constant 0 : i32
    %dma_start3A_24 = tpu.memref_slice %arg6[%dma_start3A_20, %dma_start3A_22, %dma_start3A_23] : memref<7x128x128xf32, #tpu.memory_space<vmem>> -> memref<1x128x128xf32, #tpu.memory_space<vmem>>
    %dma_start3A_25 = tpu.memref_squeeze %dma_start3A_24 : memref<1x128x128xf32, #tpu.memory_space<vmem>> -> memref<128x128xf32, #tpu.memory_space<vmem>>
    %dma_start3A_26 = arith.constant 0 : i32
    %dma_start3A_27 = arith.constant 0 : i32
    %dma_start3A_28 = tpu.memref_slice %dma_start3A_25[%dma_start3A_26, %dma_start3A_27] : memref<128x128xf32, #tpu.memory_space<vmem>> -> memref<128x128xf32, #tpu.memory_space<vmem>>
    %dma_start3A_29 = arith.constant 128 : i32
    %dma_start3A_30 = tpu.memref_slice %arg5[%dma_start3A_29] : memref<6400xi32, #tpu.memory_space<vmem>> -> memref<128xi32, #tpu.memory_space<vmem>>
    %dma_start3A_31 = arith.constant 0 : i32
    %dma_start3A_32 = arith.constant 0 : i32
    %dma_start3A_33 = tpu.memref_slice %arg3[%dma_start3A_31, %dma_start3A_32] : memref<100000x128xf32, #tpu.memory_space<hbm>> -> memref<100000x128xf32, #tpu.memory_space<hbm>>
    %dma_start3A_34 = tpu.memref_slice %arg7[%dma_start3A_21] : memref<7x!tpu.dma_semaphore, #tpu.memory_space<semaphore_mem>> -> memref<1x!tpu.dma_semaphore, #tpu.memory_space<semaphore_mem>>
    %dma_start3A_35 = tpu.memref_squeeze %dma_start3A_34 : memref<1x!tpu.dma_semaphore, #tpu.memory_space<semaphore_mem>> -> memref<!tpu.dma_semaphore, #tpu.memory_space<semaphore_mem>>
    tpu.enqueue_indirect_dma source(%dma_start3A_33 : memref<100000x128xf32, #tpu.memory_space<hbm>>) target(%dma_start3A_28 : memref<128x128xf32, #tpu.memory_space<vmem>>) offsets(%dma_start3A_30 : memref<128xi32, #tpu.memory_space<vmem>>) semaphore(%dma_start3A_35 : memref<!tpu.dma_semaphore, #tpu.memory_space<semaphore_mem>>)
    %dma_start3A_36 = arith.constant 2 : i32
    %dma_start3A_37 = arith.constant 2 : i32
    %dma_start3A_38 = arith.constant 0 : i32
    %dma_start3A_39 = arith.constant 0 : i32
    %dma_start3A_40 = tpu.memref_slice %arg6[%dma_start3A_36, %dma_start3A_38, %dma_start3A_39] : memref<7x128x128xf32, #tpu.memory_space<vmem>> -> memref<1x128x128xf32, #tpu.memory_space<vmem>>
    %dma_start3A_41 = tpu.memref_squeeze %dma_start3A_40 : memref<1x128x128xf32, #tpu.memory_space<vmem>> -> memref<128x128xf32, #tpu.memory_space<vmem>>
    %dma_start3A_42 = arith.constant 0 : i32
    %dma_start3A_43 = arith.constant 0 : i32
    %dma_start3A_44 = tpu.memref_slice %dma_start3A_41[%dma_start3A_42, %dma_start3A_43] : memref<128x128xf32, #tpu.memory_space<vmem>> -> memref<128x128xf32, #tpu.memory_space<vmem>>
    %dma_start3A_45 = arith.constant 256 : i32
    %dma_start3A_46 = tpu.memref_slice %arg5[%dma_start3A_45] : memref<6400xi32, #tpu.memory_space<vmem>> -> memref<128xi32, #tpu.memory_space<vmem>>
    %dma_start3A_47 = arith.constant 0 : i32
    %dma_start3A_48 = arith.constant 0 : i32
    %dma_start3A_49 = tpu.memref_slice %arg3[%dma_start3A_47, %dma_start3A_48] : memref<100000x128xf32, #tpu.memory_space<hbm>> -> memref<100000x128xf32, #tpu.memory_space<hbm>>
    %dma_start3A_50 = tpu.memref_slice %arg7[%dma_start3A_37] : memref<7x!tpu.dma_semaphore, #tpu.memory_space<semaphore_mem>> -> memref<1x!tpu.dma_semaphore, #tpu.memory_space<semaphore_mem>>
    %dma_start3A_51 = tpu.memref_squeeze %dma_start3A_50 : memref<1x!tpu.dma_semaphore, #tpu.memory_space<semaphore_mem>> -> memref<!tpu.dma_semaphore, #tpu.memory_space<semaphore_mem>>
    tpu.enqueue_indirect_dma source(%dma_start3A_49 : memref<100000x128xf32, #tpu.memory_space<hbm>>) target(%dma_start3A_44 : memref<128x128xf32, #tpu.memory_space<vmem>>) offsets(%dma_start3A_46 : memref<128xi32, #tpu.memory_space<vmem>>) semaphore(%dma_start3A_51 : memref<!tpu.dma_semaphore, #tpu.memory_space<semaphore_mem>>)
    %dma_start3A_52 = arith.constant 3 : i32
    %dma_start3A_53 = arith.constant 3 : i32
    %dma_start3A_54 = arith.constant 0 : i32
    %dma_start3A_55 = arith.constant 0 : i32
    %dma_start3A_56 = tpu.memref_slice %arg6[%dma_start3A_52, %dma_start3A_54, %dma_start3A_55] : memref<7x128x128xf32, #tpu.memory_space<vmem>> -> memref<1x128x128xf32, #tpu.memory_space<vmem>>
    %dma_start3A_57 = tpu.memref_squeeze %dma_start3A_56 : memref<1x128x128xf32, #tpu.memory_space<vmem>> -> memref<128x128xf32, #tpu.memory_space<vmem>>
    %dma_start3A_58 = arith.constant 0 : i32
    %dma_start3A_59 = arith.constant 0 : i32
    %dma_start3A_60 = tpu.memref_slice %dma_start3A_57[%dma_start3A_58, %dma_start3A_59] : memref<128x128xf32, #tpu.memory_space<vmem>> -> memref<128x128xf32, #tpu.memory_space<vmem>>
    %dma_start3A_61 = arith.constant 384 : i32
    %dma_start3A_62 = tpu.memref_slice %arg5[%dma_start3A_61] : memref<6400xi32, #tpu.memory_space<vmem>> -> memref<128xi32, #tpu.memory_space<vmem>>
    %dma_start3A_63 = arith.constant 0 : i32
    %dma_start3A_64 = arith.constant 0 : i32
    %dma_start3A_65 = tpu.memref_slice %arg3[%dma_start3A_63, %dma_start3A_64] : memref<100000x128xf32, #tpu.memory_space<hbm>> -> memref<100000x128xf32, #tpu.memory_space<hbm>>
    %dma_start3A_66 = tpu.memref_slice %arg7[%dma_start3A_53] : memref<7x!tpu.dma_semaphore, #tpu.memory_space<semaphore_mem>> -> memref<1x!tpu.dma_semaphore, #tpu.memory_space<semaphore_mem>>
    %dma_start3A_67 = tpu.memref_squeeze %dma_start3A_66 : memref<1x!tpu.dma_semaphore, #tpu.memory_space<semaphore_mem>> -> memref<!tpu.dma_semaphore, #tpu.memory_space<semaphore_mem>>
    tpu.enqueue_indirect_dma source(%dma_start3A_65 : memref<100000x128xf32, #tpu.memory_space<hbm>>) target(%dma_start3A_60 : memref<128x128xf32, #tpu.memory_space<vmem>>) offsets(%dma_start3A_62 : memref<128xi32, #tpu.memory_space<vmem>>) semaphore(%dma_start3A_67 : memref<!tpu.dma_semaphore, #tpu.memory_space<semaphore_mem>>)
    %dma_start3A_68 = arith.constant 4 : i32
    %dma_start3A_69 = arith.constant 4 : i32
    %dma_start3A_70 = arith.constant 0 : i32
    %dma_start3A_71 = arith.constant 0 : i32
    %dma_start3A_72 = tpu.memref_slice %arg6[%dma_start3A_68, %dma_start3A_70, %dma_start3A_71] : memref<7x128x128xf32, #tpu.memory_space<vmem>> -> memref<1x128x128xf32, #tpu.memory_space<vmem>>
    %dma_start3A_73 = tpu.memref_squeeze %dma_start3A_72 : memref<1x128x128xf32, #tpu.memory_space<vmem>> -> memref<128x128xf32, #tpu.memory_space<vmem>>
    %dma_start3A_74 = arith.constant 0 : i32
    %dma_start3A_75 = arith.constant 0 : i32
    %dma_start3A_76 = tpu.memref_slice %dma_start3A_73[%dma_start3A_74, %dma_start3A_75] : memref<128x128xf32, #tpu.memory_space<vmem>> -> memref<128x128xf32, #tpu.memory_space<vmem>>
    %dma_start3A_77 = arith.constant 512 : i32
    %dma_start3A_78 = tpu.memref_slice %arg5[%dma_start3A_77] : memref<6400xi32, #tpu.memory_space<vmem>> -> memref<128xi32, #tpu.memory_space<vmem>>
    %dma_start3A_79 = arith.constant 0 : i32
    %dma_start3A_80 = arith.constant 0 : i32
    %dma_start3A_81 = tpu.memref_slice %arg3[%dma_start3A_79, %dma_start3A_80] : memref<100000x128xf32, #tpu.memory_space<hbm>> -> memref<100000x128xf32, #tpu.memory_space<hbm>>
    %dma_start3A_82 = tpu.memref_slice %arg7[%dma_start3A_69] : memref<7x!tpu.dma_semaphore, #tpu.memory_space<semaphore_mem>> -> memref<1x!tpu.dma_semaphore, #tpu.memory_space<semaphore_mem>>
    %dma_start3A_83 = tpu.memref_squeeze %dma_start3A_82 : memref<1x!tpu.dma_semaphore, #tpu.memory_space<semaphore_mem>> -> memref<!tpu.dma_semaphore, #tpu.memory_space<semaphore_mem>>
    tpu.enqueue_indirect_dma source(%dma_start3A_81 : memref<100000x128xf32, #tpu.memory_space<hbm>>) target(%dma_start3A_76 : memref<128x128xf32, #tpu.memory_space<vmem>>) offsets(%dma_start3A_78 : memref<128xi32, #tpu.memory_space<vmem>>) semaphore(%dma_start3A_83 : memref<!tpu.dma_semaphore, #tpu.memory_space<semaphore_mem>>)
    %dma_start3A_84 = arith.constant 5 : i32
    %dma_start3A_85 = arith.constant 5 : i32
    %dma_start3A_86 = arith.constant 0 : i32
    %dma_start3A_87 = arith.constant 0 : i32
    %dma_start3A_88 = tpu.memref_slice %arg6[%dma_start3A_84, %dma_start3A_86, %dma_start3A_87] : memref<7x128x128xf32, #tpu.memory_space<vmem>> -> memref<1x128x128xf32, #tpu.memory_space<vmem>>
    %dma_start3A_89 = tpu.memref_squeeze %dma_start3A_88 : memref<1x128x128xf32, #tpu.memory_space<vmem>> -> memref<128x128xf32, #tpu.memory_space<vmem>>
    %dma_start3A_90 = arith.constant 0 : i32
    %dma_start3A_91 = arith.constant 0 : i32
    %dma_start3A_92 = tpu.memref_slice %dma_start3A_89[%dma_start3A_90, %dma_start3A_91] : memref<128x128xf32, #tpu.memory_space<vmem>> -> memref<128x128xf32, #tpu.memory_space<vmem>>
    %dma_start3A_93 = arith.constant 640 : i32
    %dma_start3A_94 = tpu.memref_slice %arg5[%dma_start3A_93] : memref<6400xi32, #tpu.memory_space<vmem>> -> memref<128xi32, #tpu.memory_space<vmem>>
    %dma_start3A_95 = arith.constant 0 : i32
    %dma_start3A_96 = arith.constant 0 : i32
    %dma_start3A_97 = tpu.memref_slice %arg3[%dma_start3A_95, %dma_start3A_96] : memref<100000x128xf32, #tpu.memory_space<hbm>> -> memref<100000x128xf32, #tpu.memory_space<hbm>>
    %dma_start3A_98 = tpu.memref_slice %arg7[%dma_start3A_85] : memref<7x!tpu.dma_semaphore, #tpu.memory_space<semaphore_mem>> -> memref<1x!tpu.dma_semaphore, #tpu.memory_space<semaphore_mem>>
    %dma_start3A_99 = tpu.memref_squeeze %dma_start3A_98 : memref<1x!tpu.dma_semaphore, #tpu.memory_space<semaphore_mem>> -> memref<!tpu.dma_semaphore, #tpu.memory_space<semaphore_mem>>
    tpu.enqueue_indirect_dma source(%dma_start3A_97 : memref<100000x128xf32, #tpu.memory_space<hbm>>) target(%dma_start3A_92 : memref<128x128xf32, #tpu.memory_space<vmem>>) offsets(%dma_start3A_94 : memref<128xi32, #tpu.memory_space<vmem>>) semaphore(%dma_start3A_99 : memref<!tpu.dma_semaphore, #tpu.memory_space<semaphore_mem>>)
    %dma_wait3A = arith.constant 0 : i32
    %dma_wait3A_100 = arith.constant 0 : i32
    %dma_wait3A_101 = arith.constant 0 : i32
    %dma_wait3A_102 = arith.constant 0 : i32
    %dma_wait3A_103 = tpu.memref_slice %arg6[%dma_wait3A, %dma_wait3A_101, %dma_wait3A_102] : memref<7x128x128xf32, #tpu.memory_space<vmem>> -> memref<1x128x128xf32, #tpu.memory_space<vmem>>
    %dma_wait3A_104 = tpu.memref_squeeze %dma_wait3A_103 : memref<1x128x128xf32, #tpu.memory_space<vmem>> -> memref<128x128xf32, #tpu.memory_space<vmem>>
    %dma_wait3A_105 = arith.constant 0 : i32
    %dma_wait3A_106 = arith.constant 0 : i32
    %dma_wait3A_107 = tpu.memref_slice %arg3[%dma_wait3A_105, %dma_wait3A_106] : memref<100000x128xf32, #tpu.memory_space<hbm>> -> memref<128x128xf32, #tpu.memory_space<hbm>>
    %dma_wait3A_108 = tpu.memref_slice %arg7[%dma_wait3A_100] : memref<7x!tpu.dma_semaphore, #tpu.memory_space<semaphore_mem>> -> memref<1x!tpu.dma_semaphore, #tpu.memory_space<semaphore_mem>>
    %dma_wait3A_109 = tpu.memref_squeeze %dma_wait3A_108 : memref<1x!tpu.dma_semaphore, #tpu.memory_space<semaphore_mem>> -> memref<!tpu.dma_semaphore, #tpu.memory_space<semaphore_mem>>
    %dma_wait3A_110 = arith.constant 0 : i32
    %dma_wait3A_111 = arith.constant 0 : i32
    %dma_wait3A_112 = tpu.memref_slice %arg6[%dma_wait3A, %dma_wait3A_110, %dma_wait3A_111] : memref<7x128x128xf32, #tpu.memory_space<vmem>> -> memref<1x128x128xf32, #tpu.memory_space<vmem>>
    %dma_wait3A_113 = tpu.memref_squeeze %dma_wait3A_112 : memref<1x128x128xf32, #tpu.memory_space<vmem>> -> memref<128x128xf32, #tpu.memory_space<vmem>>
    %dma_wait3A_114 = arith.constant 0 : i32
    %dma_wait3A_115 = arith.constant 0 : i32
    %dma_wait3A_116 = tpu.memref_slice %arg3[%dma_wait3A_114, %dma_wait3A_115] : memref<100000x128xf32, #tpu.memory_space<hbm>> -> memref<128x128xf32, #tpu.memory_space<hbm>>
    tpu.wait_dma2 semaphore(%dma_wait3A_109 : memref<!tpu.dma_semaphore, #tpu.memory_space<semaphore_mem>>) src(%dma_wait3A_116 : memref<128x128xf32, #tpu.memory_space<hbm>>) dst(%dma_wait3A_113 : memref<128x128xf32, #tpu.memory_space<vmem>>)
    %add3A_117 = arith.constant 0 : i32
    %add3A_118 = arith.addi %mul3A_2, %add3A_117 : i32
    %mul3A_119 = arith.constant 128 : i32
    %mul3A_120 = arith.muli %add3A_118, %mul3A_119 : i32
    %dma_start3A_121 = arith.constant 0 : i32
    %dma_start3A_122 = arith.constant 0 : i32
    %dma_start3A_123 = arith.constant 0 : i32
    %dma_start3A_124 = arith.constant 0 : i32
    %dma_start3A_125 = tpu.memref_slice %arg6[%dma_start3A_121, %dma_start3A_123, %dma_start3A_124] : memref<7x128x128xf32, #tpu.memory_space<vmem>> -> memref<1x128x128xf32, #tpu.memory_space<vmem>>
    %dma_start3A_126 = tpu.memref_squeeze %dma_start3A_125 : memref<1x128x128xf32, #tpu.memory_space<vmem>> -> memref<128x128xf32, #tpu.memory_space<vmem>>
    %dma_start3A_127 = arith.constant 0 : i32
    %dma_start3A_128 = tpu.memref_slice %arg4[%mul3A_120, %dma_start3A_127] : memref<204800x128xf32, #tpu.memory_space<hbm>> -> memref<128x128xf32, #tpu.memory_space<hbm>>
    %dma_start3A_129 = tpu.memref_slice %arg8[%dma_start3A_122] : memref<7x!tpu.dma_semaphore, #tpu.memory_space<semaphore_mem>> -> memref<1x!tpu.dma_semaphore, #tpu.memory_space<semaphore_mem>>
    %dma_start3A_130 = tpu.memref_squeeze %dma_start3A_129 : memref<1x!tpu.dma_semaphore, #tpu.memory_space<semaphore_mem>> -> memref<!tpu.dma_semaphore, #tpu.memory_space<semaphore_mem>>
    %dma_start3A_131 = arith.constant 0 : i32
    %dma_start3A_132 = tpu.memref_slice %arg4[%mul3A_120, %dma_start3A_131] : memref<204800x128xf32, #tpu.memory_space<hbm>> -> memref<128x128xf32, #tpu.memory_space<hbm>>
    %dma_start3A_133 = arith.constant 0 : i32
    %dma_start3A_134 = arith.constant 0 : i32
    %dma_start3A_135 = tpu.memref_slice %arg6[%dma_start3A_121, %dma_start3A_133, %dma_start3A_134] : memref<7x128x128xf32, #tpu.memory_space<vmem>> -> memref<1x128x128xf32, #tpu.memory_space<vmem>>
    %dma_start3A_136 = tpu.memref_squeeze %dma_start3A_135 : memref<1x128x128xf32, #tpu.memory_space<vmem>> -> memref<128x128xf32, #tpu.memory_space<vmem>>
    tpu.enqueue_dma source(%dma_start3A_136 : memref<128x128xf32, #tpu.memory_space<vmem>>) target(%dma_start3A_132 : memref<128x128xf32, #tpu.memory_space<hbm>>) target_semaphore(%dma_start3A_130 : memref<!tpu.dma_semaphore, #tpu.memory_space<semaphore_mem>>)
    %dma_start3A_137 = arith.constant 6 : i32
    %dma_start3A_138 = arith.constant 6 : i32
    %dma_start3A_139 = arith.constant 0 : i32
    %dma_start3A_140 = arith.constant 0 : i32
    %dma_start3A_141 = tpu.memref_slice %arg6[%dma_start3A_137, %dma_start3A_139, %dma_start3A_140] : memref<7x128x128xf32, #tpu.memory_space<vmem>> -> memref<1x128x128xf32, #tpu.memory_space<vmem>>
    %dma_start3A_142 = tpu.memref_squeeze %dma_start3A_141 : memref<1x128x128xf32, #tpu.memory_space<vmem>> -> memref<128x128xf32, #tpu.memory_space<vmem>>
    %dma_start3A_143 = arith.constant 0 : i32
    %dma_start3A_144 = arith.constant 0 : i32
    %dma_start3A_145 = tpu.memref_slice %dma_start3A_142[%dma_start3A_143, %dma_start3A_144] : memref<128x128xf32, #tpu.memory_space<vmem>> -> memref<128x128xf32, #tpu.memory_space<vmem>>
    %dma_start3A_146 = arith.constant 768 : i32
    %dma_start3A_147 = tpu.memref_slice %arg5[%dma_start3A_146] : memref<6400xi32, #tpu.memory_space<vmem>> -> memref<128xi32, #tpu.memory_space<vmem>>
    %dma_start3A_148 = arith.constant 0 : i32
    %dma_start3A_149 = arith.constant 0 : i32
    %dma_start3A_150 = tpu.memref_slice %arg3[%dma_start3A_148, %dma_start3A_149] : memref<100000x128xf32, #tpu.memory_space<hbm>> -> memref<100000x128xf32, #tpu.memory_space<hbm>>
    %dma_start3A_151 = tpu.memref_slice %arg7[%dma_start3A_138] : memref<7x!tpu.dma_semaphore, #tpu.memory_space<semaphore_mem>> -> memref<1x!tpu.dma_semaphore, #tpu.memory_space<semaphore_mem>>
    %dma_start3A_152 = tpu.memref_squeeze %dma_start3A_151 : memref<1x!tpu.dma_semaphore, #tpu.memory_space<semaphore_mem>> -> memref<!tpu.dma_semaphore, #tpu.memory_space<semaphore_mem>>
    tpu.enqueue_indirect_dma source(%dma_start3A_150 : memref<100000x128xf32, #tpu.memory_space<hbm>>) target(%dma_start3A_145 : memref<128x128xf32, #tpu.memory_space<vmem>>) offsets(%dma_start3A_147 : memref<128xi32, #tpu.memory_space<vmem>>) semaphore(%dma_start3A_152 : memref<!tpu.dma_semaphore, #tpu.memory_space<semaphore_mem>>)
    %dma_wait3A_153 = arith.constant 1 : i32
    %dma_wait3A_154 = arith.constant 1 : i32
    %dma_wait3A_155 = arith.constant 0 : i32
    %dma_wait3A_156 = arith.constant 0 : i32
    %dma_wait3A_157 = tpu.memref_slice %arg6[%dma_wait3A_153, %dma_wait3A_155, %dma_wait3A_156] : memref<7x128x128xf32, #tpu.memory_space<vmem>> -> memref<1x128x128xf32, #tpu.memory_space<vmem>>
    %dma_wait3A_158 = tpu.memref_squeeze %dma_wait3A_157 : memref<1x128x128xf32, #tpu.memory_space<vmem>> -> memref<128x128xf32, #tpu.memory_space<vmem>>
    %dma_wait3A_159 = arith.constant 0 : i32
    %dma_wait3A_160 = arith.constant 0 : i32
    %dma_wait3A_161 = tpu.memref_slice %arg3[%dma_wait3A_159, %dma_wait3A_160] : memref<100000x128xf32, #tpu.memory_space<hbm>> -> memref<128x128xf32, #tpu.memory_space<hbm>>
    %dma_wait3A_162 = tpu.memref_slice %arg7[%dma_wait3A_154] : memref<7x!tpu.dma_semaphore, #tpu.memory_space<semaphore_mem>> -> memref<1x!tpu.dma_semaphore, #tpu.memory_space<semaphore_mem>>
    %dma_wait3A_163 = tpu.memref_squeeze %dma_wait3A_162 : memref<1x!tpu.dma_semaphore, #tpu.memory_space<semaphore_mem>> -> memref<!tpu.dma_semaphore, #tpu.memory_space<semaphore_mem>>
    %dma_wait3A_164 = arith.constant 0 : i32
    %dma_wait3A_165 = arith.constant 0 : i32
    %dma_wait3A_166 = tpu.memref_slice %arg6[%dma_wait3A_153, %dma_wait3A_164, %dma_wait3A_165] : memref<7x128x128xf32, #tpu.memory_space<vmem>> -> memref<1x128x128xf32, #tpu.memory_space<vmem>>
    %dma_wait3A_167 = tpu.memref_squeeze %dma_wait3A_166 : memref<1x128x128xf32, #tpu.memory_space<vmem>> -> memref<128x128xf32, #tpu.memory_space<vmem>>
    %dma_wait3A_168 = arith.constant 0 : i32
    %dma_wait3A_169 = arith.constant 0 : i32
    %dma_wait3A_170 = tpu.memref_slice %arg3[%dma_wait3A_168, %dma_wait3A_169] : memref<100000x128xf32, #tpu.memory_space<hbm>> -> memref<128x128xf32, #tpu.memory_space<hbm>>
    tpu.wait_dma2 semaphore(%dma_wait3A_163 : memref<!tpu.dma_semaphore, #tpu.memory_space<semaphore_mem>>) src(%dma_wait3A_170 : memref<128x128xf32, #tpu.memory_space<hbm>>) dst(%dma_wait3A_167 : memref<128x128xf32, #tpu.memory_space<vmem>>)
    %add3A_171 = arith.constant 1 : i32
    %add3A_172 = arith.addi %mul3A_2, %add3A_171 : i32
    %mul3A_173 = arith.constant 128 : i32
    %mul3A_174 = arith.muli %add3A_172, %mul3A_173 : i32
    %dma_start3A_175 = arith.constant 1 : i32
    %dma_start3A_176 = arith.constant 1 : i32
    %dma_start3A_177 = arith.constant 0 : i32
    %dma_start3A_178 = arith.constant 0 : i32
    %dma_start3A_179 = tpu.memref_slice %arg6[%dma_start3A_175, %dma_start3A_177, %dma_start3A_178] : memref<7x128x128xf32, #tpu.memory_space<vmem>> -> memref<1x128x128xf32, #tpu.memory_space<vmem>>
    %dma_start3A_180 = tpu.memref_squeeze %dma_start3A_179 : memref<1x128x128xf32, #tpu.memory_space<vmem>> -> memref<128x128xf32, #tpu.memory_space<vmem>>
    %dma_start3A_181 = arith.constant 0 : i32
    %dma_start3A_182 = tpu.memref_slice %arg4[%mul3A_174, %dma_start3A_181] : memref<204800x128xf32, #tpu.memory_space<hbm>> -> memref<128x128xf32, #tpu.memory_space<hbm>>
    %dma_start3A_183 = tpu.memref_slice %arg8[%dma_start3A_176] : memref<7x!tpu.dma_semaphore, #tpu.memory_space<semaphore_mem>> -> memref<1x!tpu.dma_semaphore, #tpu.memory_space<semaphore_mem>>
    %dma_start3A_184 = tpu.memref_squeeze %dma_start3A_183 : memref<1x!tpu.dma_semaphore, #tpu.memory_space<semaphore_mem>> -> memref<!tpu.dma_semaphore, #tpu.memory_space<semaphore_mem>>
    %dma_start3A_185 = arith.constant 0 : i32
    %dma_start3A_186 = tpu.memref_slice %arg4[%mul3A_174, %dma_start3A_185] : memref<204800x128xf32, #tpu.memory_space<hbm>> -> memref<128x128xf32, #tpu.memory_space<hbm>>
    %dma_start3A_187 = arith.constant 0 : i32
    %dma_start3A_188 = arith.constant 0 : i32
    %dma_start3A_189 = tpu.memref_slice %arg6[%dma_start3A_175, %dma_start3A_187, %dma_start3A_188] : memref<7x128x128xf32, #tpu.memory_space<vmem>> -> memref<1x128x128xf32, #tpu.memory_space<vmem>>
    %dma_start3A_190 = tpu.memref_squeeze %dma_start3A_189 : memref<1x128x128xf32, #tpu.memory_space<vmem>> -> memref<128x128xf32, #tpu.memory_space<vmem>>
    tpu.enqueue_dma source(%dma_start3A_190 : memref<128x128xf32, #tpu.memory_space<vmem>>) target(%dma_start3A_186 : memref<128x128xf32, #tpu.memory_space<hbm>>) target_semaphore(%dma_start3A_184 : memref<!tpu.dma_semaphore, #tpu.memory_space<semaphore_mem>>)
    %dma_wait3A_191 = arith.constant 0 : i32
    %dma_wait3A_192 = arith.constant 0 : i32
    %dma_wait3A_193 = arith.constant 0 : i32
    %dma_wait3A_194 = arith.constant 0 : i32
    %dma_wait3A_195 = tpu.memref_slice %arg6[%dma_wait3A_191, %dma_wait3A_193, %dma_wait3A_194] : memref<7x128x128xf32, #tpu.memory_space<vmem>> -> memref<1x128x128xf32, #tpu.memory_space<vmem>>
    %dma_wait3A_196 = tpu.memref_squeeze %dma_wait3A_195 : memref<1x128x128xf32, #tpu.memory_space<vmem>> -> memref<128x128xf32, #tpu.memory_space<vmem>>
    %dma_wait3A_197 = arith.constant 0 : i32
    %dma_wait3A_198 = arith.constant 0 : i32
    %dma_wait3A_199 = tpu.memref_slice %arg4[%dma_wait3A_197, %dma_wait3A_198] : memref<204800x128xf32, #tpu.memory_space<hbm>> -> memref<128x128xf32, #tpu.memory_space<hbm>>
    %dma_wait3A_200 = tpu.memref_slice %arg8[%dma_wait3A_192] : memref<7x!tpu.dma_semaphore, #tpu.memory_space<semaphore_mem>> -> memref<1x!tpu.dma_semaphore, #tpu.memory_space<semaphore_mem>>
    %dma_wait3A_201 = tpu.memref_squeeze %dma_wait3A_200 : memref<1x!tpu.dma_semaphore, #tpu.memory_space<semaphore_mem>> -> memref<!tpu.dma_semaphore, #tpu.memory_space<semaphore_mem>>
    %dma_wait3A_202 = arith.constant 0 : i32
    %dma_wait3A_203 = arith.constant 0 : i32
    %dma_wait3A_204 = tpu.memref_slice %arg4[%dma_wait3A_202, %dma_wait3A_203] : memref<204800x128xf32, #tpu.memory_space<hbm>> -> memref<128x128xf32, #tpu.memory_space<hbm>>
    %dma_wait3A_205 = arith.constant 0 : i32
    %dma_wait3A_206 = arith.constant 0 : i32
    %dma_wait3A_207 = tpu.memref_slice %arg6[%dma_wait3A_191, %dma_wait3A_205, %dma_wait3A_206] : memref<7x128x128xf32, #tpu.memory_space<vmem>> -> memref<1x128x128xf32, #tpu.memory_space<vmem>>
    %dma_wait3A_208 = tpu.memref_squeeze %dma_wait3A_207 : memref<1x128x128xf32, #tpu.memory_space<vmem>> -> memref<128x128xf32, #tpu.memory_space<vmem>>
    tpu.wait_dma2 semaphore(%dma_wait3A_201 : memref<!tpu.dma_semaphore, #tpu.memory_space<semaphore_mem>>) src(%dma_wait3A_208 : memref<128x128xf32, #tpu.memory_space<vmem>>) dst(%dma_wait3A_204 : memref<128x128xf32, #tpu.memory_space<hbm>>)
    %dma_start3A_209 = arith.constant 0 : i32
    %dma_start3A_210 = arith.constant 0 : i32
    %dma_start3A_211 = arith.constant 0 : i32
    %dma_start3A_212 = arith.constant 0 : i32
    %dma_start3A_213 = tpu.memref_slice %arg6[%dma_start3A_209, %dma_start3A_211, %dma_start3A_212] : memref<7x128x128xf32, #tpu.memory_space<vmem>> -> memref<1x128x128xf32, #tpu.memory_space<vmem>>
    %dma_start3A_214 = tpu.memref_squeeze %dma_start3A_213 : memref<1x128x128xf32, #tpu.memory_space<vmem>> -> memref<128x128xf32, #tpu.memory_space<vmem>>
    %dma_start3A_215 = arith.constant 0 : i32
    %dma_start3A_216 = arith.constant 0 : i32
    %dma_start3A_217 = tpu.memref_slice %dma_start3A_214[%dma_start3A_215, %dma_start3A_216] : memref<128x128xf32, #tpu.memory_space<vmem>> -> memref<128x128xf32, #tpu.memory_space<vmem>>
    %dma_start3A_218 = arith.constant 896 : i32
    %dma_start3A_219 = tpu.memref_slice %arg5[%dma_start3A_218] : memref<6400xi32, #tpu.memory_space<vmem>> -> memref<128xi32, #tpu.memory_space<vmem>>
    %dma_start3A_220 = arith.constant 0 : i32
    %dma_start3A_221 = arith.constant 0 : i32
    %dma_start3A_222 = tpu.memref_slice %arg3[%dma_start3A_220, %dma_start3A_221] : memref<100000x128xf32, #tpu.memory_space<hbm>> -> memref<100000x128xf32, #tpu.memory_space<hbm>>
    %dma_start3A_223 = tpu.memref_slice %arg7[%dma_start3A_210] : memref<7x!tpu.dma_semaphore, #tpu.memory_space<semaphore_mem>> -> memref<1x!tpu.dma_semaphore, #tpu.memory_space<semaphore_mem>>
    %dma_start3A_224 = tpu.memref_squeeze %dma_start3A_223 : memref<1x!tpu.dma_semaphore, #tpu.memory_space<semaphore_mem>> -> memref<!tpu.dma_semaphore, #tpu.memory_space<semaphore_mem>>
    tpu.enqueue_indirect_dma source(%dma_start3A_222 : memref<100000x128xf32, #tpu.memory_space<hbm>>) target(%dma_start3A_217 : memref<128x128xf32, #tpu.memory_space<vmem>>) offsets(%dma_start3A_219 : memref<128xi32, #tpu.memory_space<vmem>>) semaphore(%dma_start3A_224 : memref<!tpu.dma_semaphore, #tpu.memory_space<semaphore_mem>>)
    %dma_wait3A_225 = arith.constant 2 : i32
    %dma_wait3A_226 = arith.constant 2 : i32
    %dma_wait3A_227 = arith.constant 0 : i32
    %dma_wait3A_228 = arith.constant 0 : i32
    %dma_wait3A_229 = tpu.memref_slice %arg6[%dma_wait3A_225, %dma_wait3A_227, %dma_wait3A_228] : memref<7x128x128xf32, #tpu.memory_space<vmem>> -> memref<1x128x128xf32, #tpu.memory_space<vmem>>
    %dma_wait3A_230 = tpu.memref_squeeze %dma_wait3A_229 : memref<1x128x128xf32, #tpu.memory_space<vmem>> -> memref<128x128xf32, #tpu.memory_space<vmem>>
    %dma_wait3A_231 = arith.constant 0 : i32
    %dma_wait3A_232 = arith.constant 0 : i32
    %dma_wait3A_233 = tpu.memref_slice %arg3[%dma_wait3A_231, %dma_wait3A_232] : memref<100000x128xf32, #tpu.memory_space<hbm>> -> memref<128x128xf32, #tpu.memory_space<hbm>>
    %dma_wait3A_234 = tpu.memref_slice %arg7[%dma_wait3A_226] : memref<7x!tpu.dma_semaphore, #tpu.memory_space<semaphore_mem>> -> memref<1x!tpu.dma_semaphore, #tpu.memory_space<semaphore_mem>>
    %dma_wait3A_235 = tpu.memref_squeeze %dma_wait3A_234 : memref<1x!tpu.dma_semaphore, #tpu.memory_space<semaphore_mem>> -> memref<!tpu.dma_semaphore, #tpu.memory_space<semaphore_mem>>
    %dma_wait3A_236 = arith.constant 0 : i32
    %dma_wait3A_237 = arith.constant 0 : i32
    %dma_wait3A_238 = tpu.memref_slice %arg6[%dma_wait3A_225, %dma_wait3A_236, %dma_wait3A_237] : memref<7x128x128xf32, #tpu.memory_space<vmem>> -> memref<1x128x128xf32, #tpu.memory_space<vmem>>
    %dma_wait3A_239 = tpu.memref_squeeze %dma_wait3A_238 : memref<1x128x128xf32, #tpu.memory_space<vmem>> -> memref<128x128xf32, #tpu.memory_space<vmem>>
    %dma_wait3A_240 = arith.constant 0 : i32
    %dma_wait3A_241 = arith.constant 0 : i32
    %dma_wait3A_242 = tpu.memref_slice %arg3[%dma_wait3A_240, %dma_wait3A_241] : memref<100000x128xf32, #tpu.memory_space<hbm>> -> memref<128x128xf32, #tpu.memory_space<hbm>>
    tpu.wait_dma2 semaphore(%dma_wait3A_235 : memref<!tpu.dma_semaphore, #tpu.memory_space<semaphore_mem>>) src(%dma_wait3A_242 : memref<128x128xf32, #tpu.memory_space<hbm>>) dst(%dma_wait3A_239 : memref<128x128xf32, #tpu.memory_space<vmem>>)
    %add3A_243 = arith.constant 2 : i32
    %add3A_244 = arith.addi %mul3A_2, %add3A_243 : i32
    %mul3A_245 = arith.constant 128 : i32
    %mul3A_246 = arith.muli %add3A_244, %mul3A_245 : i32
    %dma_start3A_247 = arith.constant 2 : i32
    %dma_start3A_248 = arith.constant 2 : i32
    %dma_start3A_249 = arith.constant 0 : i32
    %dma_start3A_250 = arith.constant 0 : i32
    %dma_start3A_251 = tpu.memref_slice %arg6[%dma_start3A_247, %dma_start3A_249, %dma_start3A_250] : memref<7x128x128xf32, #tpu.memory_space<vmem>> -> memref<1x128x128xf32, #tpu.memory_space<vmem>>
    %dma_start3A_252 = tpu.memref_squeeze %dma_start3A_251 : memref<1x128x128xf32, #tpu.memory_space<vmem>> -> memref<128x128xf32, #tpu.memory_space<vmem>>
    %dma_start3A_253 = arith.constant 0 : i32
    %dma_start3A_254 = tpu.memref_slice %arg4[%mul3A_246, %dma_start3A_253] : memref<204800x128xf32, #tpu.memory_space<hbm>> -> memref<128x128xf32, #tpu.memory_space<hbm>>
    %dma_start3A_255 = tpu.memref_slice %arg8[%dma_start3A_248] : memref<7x!tpu.dma_semaphore, #tpu.memory_space<semaphore_mem>> -> memref<1x!tpu.dma_semaphore, #tpu.memory_space<semaphore_mem>>
    %dma_start3A_256 = tpu.memref_squeeze %dma_start3A_255 : memref<1x!tpu.dma_semaphore, #tpu.memory_space<semaphore_mem>> -> memref<!tpu.dma_semaphore, #tpu.memory_space<semaphore_mem>>
    %dma_start3A_257 = arith.constant 0 : i32
    %dma_start3A_258 = tpu.memref_slice %arg4[%mul3A_246, %dma_start3A_257] : memref<204800x128xf32, #tpu.memory_space<hbm>> -> memref<128x128xf32, #tpu.memory_space<hbm>>
    %dma_start3A_259 = arith.constant 0 : i32
    %dma_start3A_260 = arith.constant 0 : i32
    %dma_start3A_261 = tpu.memref_slice %arg6[%dma_start3A_247, %dma_start3A_259, %dma_start3A_260] : memref<7x128x128xf32, #tpu.memory_space<vmem>> -> memref<1x128x128xf32, #tpu.memory_space<vmem>>
    %dma_start3A_262 = tpu.memref_squeeze %dma_start3A_261 : memref<1x128x128xf32, #tpu.memory_space<vmem>> -> memref<128x128xf32, #tpu.memory_space<vmem>>
    tpu.enqueue_dma source(%dma_start3A_262 : memref<128x128xf32, #tpu.memory_space<vmem>>) target(%dma_start3A_258 : memref<128x128xf32, #tpu.memory_space<hbm>>) target_semaphore(%dma_start3A_256 : memref<!tpu.dma_semaphore, #tpu.memory_space<semaphore_mem>>)
    %dma_wait3A_263 = arith.constant 1 : i32
    %dma_wait3A_264 = arith.constant 1 : i32
    %dma_wait3A_265 = arith.constant 0 : i32
    %dma_wait3A_266 = arith.constant 0 : i32
    %dma_wait3A_267 = tpu.memref_slice %arg6[%dma_wait3A_263, %dma_wait3A_265, %dma_wait3A_266] : memref<7x128x128xf32, #tpu.memory_space<vmem>> -> memref<1x128x128xf32, #tpu.memory_space<vmem>>
    %dma_wait3A_268 = tpu.memref_squeeze %dma_wait3A_267 : memref<1x128x128xf32, #tpu.memory_space<vmem>> -> memref<128x128xf32, #tpu.memory_space<vmem>>
    %dma_wait3A_269 = arith.constant 0 : i32
    %dma_wait3A_270 = arith.constant 0 : i32
    %dma_wait3A_271 = tpu.memref_slice %arg4[%dma_wait3A_269, %dma_wait3A_270] : memref<204800x128xf32, #tpu.memory_space<hbm>> -> memref<128x128xf32, #tpu.memory_space<hbm>>
    %dma_wait3A_272 = tpu.memref_slice %arg8[%dma_wait3A_264] : memref<7x!tpu.dma_semaphore, #tpu.memory_space<semaphore_mem>> -> memref<1x!tpu.dma_semaphore, #tpu.memory_space<semaphore_mem>>
    %dma_wait3A_273 = tpu.memref_squeeze %dma_wait3A_272 : memref<1x!tpu.dma_semaphore, #tpu.memory_space<semaphore_mem>> -> memref<!tpu.dma_semaphore, #tpu.memory_space<semaphore_mem>>
    %dma_wait3A_274 = arith.constant 0 : i32
    %dma_wait3A_275 = arith.constant 0 : i32
    %dma_wait3A_276 = tpu.memref_slice %arg4[%dma_wait3A_274, %dma_wait3A_275] : memref<204800x128xf32, #tpu.memory_space<hbm>> -> memref<128x128xf32, #tpu.memory_space<hbm>>
    %dma_wait3A_277 = arith.constant 0 : i32
    %dma_wait3A_278 = arith.constant 0 : i32
    %dma_wait3A_279 = tpu.memref_slice %arg6[%dma_wait3A_263, %dma_wait3A_277, %dma_wait3A_278] : memref<7x128x128xf32, #tpu.memory_space<vmem>> -> memref<1x128x128xf32, #tpu.memory_space<vmem>>
    %dma_wait3A_280 = tpu.memref_squeeze %dma_wait3A_279 : memref<1x128x128xf32, #tpu.memory_space<vmem>> -> memref<128x128xf32, #tpu.memory_space<vmem>>
    tpu.wait_dma2 semaphore(%dma_wait3A_273 : memref<!tpu.dma_semaphore, #tpu.memory_space<semaphore_mem>>) src(%dma_wait3A_280 : memref<128x128xf32, #tpu.memory_space<vmem>>) dst(%dma_wait3A_276 : memref<128x128xf32, #tpu.memory_space<hbm>>)
    %dma_start3A_281 = arith.constant 1 : i32
    %dma_start3A_282 = arith.constant 1 : i32
    %dma_start3A_283 = arith.constant 0 : i32
    %dma_start3A_284 = arith.constant 0 : i32
    %dma_start3A_285 = tpu.memref_slice %arg6[%dma_start3A_281, %dma_start3A_283, %dma_start3A_284] : memref<7x128x128xf32, #tpu.memory_space<vmem>> -> memref<1x128x128xf32, #tpu.memory_space<vmem>>
    %dma_start3A_286 = tpu.memref_squeeze %dma_start3A_285 : memref<1x128x128xf32, #tpu.memory_space<vmem>> -> memref<128x128xf32, #tpu.memory_space<vmem>>
    %dma_start3A_287 = arith.constant 0 : i32
    %dma_start3A_288 = arith.constant 0 : i32
    %dma_start3A_289 = tpu.memref_slice %dma_start3A_286[%dma_start3A_287, %dma_start3A_288] : memref<128x128xf32, #tpu.memory_space<vmem>> -> memref<128x128xf32, #tpu.memory_space<vmem>>
    %dma_start3A_290 = arith.constant 1024 : i32
    %dma_start3A_291 = tpu.memref_slice %arg5[%dma_start3A_290] : memref<6400xi32, #tpu.memory_space<vmem>> -> memref<128xi32, #tpu.memory_space<vmem>>
    %dma_start3A_292 = arith.constant 0 : i32
    %dma_start3A_293 = arith.constant 0 : i32
    %dma_start3A_294 = tpu.memref_slice %arg3[%dma_start3A_292, %dma_start3A_293] : memref<100000x128xf32, #tpu.memory_space<hbm>> -> memref<100000x128xf32, #tpu.memory_space<hbm>>
    %dma_start3A_295 = tpu.memref_slice %arg7[%dma_start3A_282] : memref<7x!tpu.dma_semaphore, #tpu.memory_space<semaphore_mem>> -> memref<1x!tpu.dma_semaphore, #tpu.memory_space<semaphore_mem>>
    %dma_start3A_296 = tpu.memref_squeeze %dma_start3A_295 : memref<1x!tpu.dma_semaphore, #tpu.memory_space<semaphore_mem>> -> memref<!tpu.dma_semaphore, #tpu.memory_space<semaphore_mem>>
    tpu.enqueue_indirect_dma source(%dma_start3A_294 : memref<100000x128xf32, #tpu.memory_space<hbm>>) target(%dma_start3A_289 : memref<128x128xf32, #tpu.memory_space<vmem>>) offsets(%dma_start3A_291 : memref<128xi32, #tpu.memory_space<vmem>>) semaphore(%dma_start3A_296 : memref<!tpu.dma_semaphore, #tpu.memory_space<semaphore_mem>>)
    %dma_wait3A_297 = arith.constant 3 : i32
    %dma_wait3A_298 = arith.constant 3 : i32
    %dma_wait3A_299 = arith.constant 0 : i32
    %dma_wait3A_300 = arith.constant 0 : i32
    %dma_wait3A_301 = tpu.memref_slice %arg6[%dma_wait3A_297, %dma_wait3A_299, %dma_wait3A_300] : memref<7x128x128xf32, #tpu.memory_space<vmem>> -> memref<1x128x128xf32, #tpu.memory_space<vmem>>
    %dma_wait3A_302 = tpu.memref_squeeze %dma_wait3A_301 : memref<1x128x128xf32, #tpu.memory_space<vmem>> -> memref<128x128xf32, #tpu.memory_space<vmem>>
    %dma_wait3A_303 = arith.constant 0 : i32
    %dma_wait3A_304 = arith.constant 0 : i32
    %dma_wait3A_305 = tpu.memref_slice %arg3[%dma_wait3A_303, %dma_wait3A_304] : memref<100000x128xf32, #tpu.memory_space<hbm>> -> memref<128x128xf32, #tpu.memory_space<hbm>>
    %dma_wait3A_306 = tpu.memref_slice %arg7[%dma_wait3A_298] : memref<7x!tpu.dma_semaphore, #tpu.memory_space<semaphore_mem>> -> memref<1x!tpu.dma_semaphore, #tpu.memory_space<semaphore_mem>>
    %dma_wait3A_307 = tpu.memref_squeeze %dma_wait3A_306 : memref<1x!tpu.dma_semaphore, #tpu.memory_space<semaphore_mem>> -> memref<!tpu.dma_semaphore, #tpu.memory_space<semaphore_mem>>
    %dma_wait3A_308 = arith.constant 0 : i32
    %dma_wait3A_309 = arith.constant 0 : i32
    %dma_wait3A_310 = tpu.memref_slice %arg6[%dma_wait3A_297, %dma_wait3A_308, %dma_wait3A_309] : memref<7x128x128xf32, #tpu.memory_space<vmem>> -> memref<1x128x128xf32, #tpu.memory_space<vmem>>
    %dma_wait3A_311 = tpu.memref_squeeze %dma_wait3A_310 : memref<1x128x128xf32, #tpu.memory_space<vmem>> -> memref<128x128xf32, #tpu.memory_space<vmem>>
    %dma_wait3A_312 = arith.constant 0 : i32
    %dma_wait3A_313 = arith.constant 0 : i32
    %dma_wait3A_314 = tpu.memref_slice %arg3[%dma_wait3A_312, %dma_wait3A_313] : memref<100000x128xf32, #tpu.memory_space<hbm>> -> memref<128x128xf32, #tpu.memory_space<hbm>>
    tpu.wait_dma2 semaphore(%dma_wait3A_307 : memref<!tpu.dma_semaphore, #tpu.memory_space<semaphore_mem>>) src(%dma_wait3A_314 : memref<128x128xf32, #tpu.memory_space<hbm>>) dst(%dma_wait3A_311 : memref<128x128xf32, #tpu.memory_space<vmem>>)
    %add3A_315 = arith.constant 3 : i32
    %add3A_316 = arith.addi %mul3A_2, %add3A_315 : i32
    %mul3A_317 = arith.constant 128 : i32
    %mul3A_318 = arith.muli %add3A_316, %mul3A_317 : i32
    %dma_start3A_319 = arith.constant 3 : i32
    %dma_start3A_320 = arith.constant 3 : i32
    %dma_start3A_321 = arith.constant 0 : i32
    %dma_start3A_322 = arith.constant 0 : i32
    %dma_start3A_323 = tpu.memref_slice %arg6[%dma_start3A_319, %dma_start3A_321, %dma_start3A_322] : memref<7x128x128xf32, #tpu.memory_space<vmem>> -> memref<1x128x128xf32, #tpu.memory_space<vmem>>
    %dma_start3A_324 = tpu.memref_squeeze %dma_start3A_323 : memref<1x128x128xf32, #tpu.memory_space<vmem>> -> memref<128x128xf32, #tpu.memory_space<vmem>>
    %dma_start3A_325 = arith.constant 0 : i32
    %dma_start3A_326 = tpu.memref_slice %arg4[%mul3A_318, %dma_start3A_325] : memref<204800x128xf32, #tpu.memory_space<hbm>> -> memref<128x128xf32, #tpu.memory_space<hbm>>
    %dma_start3A_327 = tpu.memref_slice %arg8[%dma_start3A_320] : memref<7x!tpu.dma_semaphore, #tpu.memory_space<semaphore_mem>> -> memref<1x!tpu.dma_semaphore, #tpu.memory_space<semaphore_mem>>
    %dma_start3A_328 = tpu.memref_squeeze %dma_start3A_327 : memref<1x!tpu.dma_semaphore, #tpu.memory_space<semaphore_mem>> -> memref<!tpu.dma_semaphore, #tpu.memory_space<semaphore_mem>>
    %dma_start3A_329 = arith.constant 0 : i32
    %dma_start3A_330 = tpu.memref_slice %arg4[%mul3A_318, %dma_start3A_329] : memref<204800x128xf32, #tpu.memory_space<hbm>> -> memref<128x128xf32, #tpu.memory_space<hbm>>
    %dma_start3A_331 = arith.constant 0 : i32
    %dma_start3A_332 = arith.constant 0 : i32
    %dma_start3A_333 = tpu.memref_slice %arg6[%dma_start3A_319, %dma_start3A_331, %dma_start3A_332] : memref<7x128x128xf32, #tpu.memory_space<vmem>> -> memref<1x128x128xf32, #tpu.memory_space<vmem>>
    %dma_start3A_334 = tpu.memref_squeeze %dma_start3A_333 : memref<1x128x128xf32, #tpu.memory_space<vmem>> -> memref<128x128xf32, #tpu.memory_space<vmem>>
    tpu.enqueue_dma source(%dma_start3A_334 : memref<128x128xf32, #tpu.memory_space<vmem>>) target(%dma_start3A_330 : memref<128x128xf32, #tpu.memory_space<hbm>>) target_semaphore(%dma_start3A_328 : memref<!tpu.dma_semaphore, #tpu.memory_space<semaphore_mem>>)
    %dma_wait3A_335 = arith.constant 2 : i32
    %dma_wait3A_336 = arith.constant 2 : i32
    %dma_wait3A_337 = arith.constant 0 : i32
    %dma_wait3A_338 = arith.constant 0 : i32
    %dma_wait3A_339 = tpu.memref_slice %arg6[%dma_wait3A_335, %dma_wait3A_337, %dma_wait3A_338] : memref<7x128x128xf32, #tpu.memory_space<vmem>> -> memref<1x128x128xf32, #tpu.memory_space<vmem>>
    %dma_wait3A_340 = tpu.memref_squeeze %dma_wait3A_339 : memref<1x128x128xf32, #tpu.memory_space<vmem>> -> memref<128x128xf32, #tpu.memory_space<vmem>>
    %dma_wait3A_341 = arith.constant 0 : i32
    %dma_wait3A_342 = arith.constant 0 : i32
    %dma_wait3A_343 = tpu.memref_slice %arg4[%dma_wait3A_341, %dma_wait3A_342] : memref<204800x128xf32, #tpu.memory_space<hbm>> -> memref<128x128xf32, #tpu.memory_space<hbm>>
    %dma_wait3A_344 = tpu.memref_slice %arg8[%dma_wait3A_336] : memref<7x!tpu.dma_semaphore, #tpu.memory_space<semaphore_mem>> -> memref<1x!tpu.dma_semaphore, #tpu.memory_space<semaphore_mem>>
    %dma_wait3A_345 = tpu.memref_squeeze %dma_wait3A_344 : memref<1x!tpu.dma_semaphore, #tpu.memory_space<semaphore_mem>> -> memref<!tpu.dma_semaphore, #tpu.memory_space<semaphore_mem>>
    %dma_wait3A_346 = arith.constant 0 : i32
    %dma_wait3A_347 = arith.constant 0 : i32
    %dma_wait3A_348 = tpu.memref_slice %arg4[%dma_wait3A_346, %dma_wait3A_347] : memref<204800x128xf32, #tpu.memory_space<hbm>> -> memref<128x128xf32, #tpu.memory_space<hbm>>
    %dma_wait3A_349 = arith.constant 0 : i32
    %dma_wait3A_350 = arith.constant 0 : i32
    %dma_wait3A_351 = tpu.memref_slice %arg6[%dma_wait3A_335, %dma_wait3A_349, %dma_wait3A_350] : memref<7x128x128xf32, #tpu.memory_space<vmem>> -> memref<1x128x128xf32, #tpu.memory_space<vmem>>
    %dma_wait3A_352 = tpu.memref_squeeze %dma_wait3A_351 : memref<1x128x128xf32, #tpu.memory_space<vmem>> -> memref<128x128xf32, #tpu.memory_space<vmem>>
    tpu.wait_dma2 semaphore(%dma_wait3A_345 : memref<!tpu.dma_semaphore, #tpu.memory_space<semaphore_mem>>) src(%dma_wait3A_352 : memref<128x128xf32, #tpu.memory_space<vmem>>) dst(%dma_wait3A_348 : memref<128x128xf32, #tpu.memory_space<hbm>>)
    %dma_start3A_353 = arith.constant 2 : i32
    %dma_start3A_354 = arith.constant 2 : i32
    %dma_start3A_355 = arith.constant 0 : i32
    %dma_start3A_356 = arith.constant 0 : i32
    %dma_start3A_357 = tpu.memref_slice %arg6[%dma_start3A_353, %dma_start3A_355, %dma_start3A_356] : memref<7x128x128xf32, #tpu.memory_space<vmem>> -> memref<1x128x128xf32, #tpu.memory_space<vmem>>
    %dma_start3A_358 = tpu.memref_squeeze %dma_start3A_357 : memref<1x128x128xf32, #tpu.memory_space<vmem>> -> memref<128x128xf32, #tpu.memory_space<vmem>>
    %dma_start3A_359 = arith.constant 0 : i32
    %dma_start3A_360 = arith.constant 0 : i32
    %dma_start3A_361 = tpu.memref_slice %dma_start3A_358[%dma_start3A_359, %dma_start3A_360] : memref<128x128xf32, #tpu.memory_space<vmem>> -> memref<128x128xf32, #tpu.memory_space<vmem>>
    %dma_start3A_362 = arith.constant 1152 : i32
    %dma_start3A_363 = tpu.memref_slice %arg5[%dma_start3A_362] : memref<6400xi32, #tpu.memory_space<vmem>> -> memref<128xi32, #tpu.memory_space<vmem>>
    %dma_start3A_364 = arith.constant 0 : i32
    %dma_start3A_365 = arith.constant 0 : i32
    %dma_start3A_366 = tpu.memref_slice %arg3[%dma_start3A_364, %dma_start3A_365] : memref<100000x128xf32, #tpu.memory_space<hbm>> -> memref<100000x128xf32, #tpu.memory_space<hbm>>
    %dma_start3A_367 = tpu.memref_slice %arg7[%dma_start3A_354] : memref<7x!tpu.dma_semaphore, #tpu.memory_space<semaphore_mem>> -> memref<1x!tpu.dma_semaphore, #tpu.memory_space<semaphore_mem>>
    %dma_start3A_368 = tpu.memref_squeeze %dma_start3A_367 : memref<1x!tpu.dma_semaphore, #tpu.memory_space<semaphore_mem>> -> memref<!tpu.dma_semaphore, #tpu.memory_space<semaphore_mem>>
    tpu.enqueue_indirect_dma source(%dma_start3A_366 : memref<100000x128xf32, #tpu.memory_space<hbm>>) target(%dma_start3A_361 : memref<128x128xf32, #tpu.memory_space<vmem>>) offsets(%dma_start3A_363 : memref<128xi32, #tpu.memory_space<vmem>>) semaphore(%dma_start3A_368 : memref<!tpu.dma_semaphore, #tpu.memory_space<semaphore_mem>>)
    %dma_wait3A_369 = arith.constant 4 : i32
    %dma_wait3A_370 = arith.constant 4 : i32
    %dma_wait3A_371 = arith.constant 0 : i32
    %dma_wait3A_372 = arith.constant 0 : i32
    %dma_wait3A_373 = tpu.memref_slice %arg6[%dma_wait3A_369, %dma_wait3A_371, %dma_wait3A_372] : memref<7x128x128xf32, #tpu.memory_space<vmem>> -> memref<1x128x128xf32, #tpu.memory_space<vmem>>
    %dma_wait3A_374 = tpu.memref_squeeze %dma_wait3A_373 : memref<1x128x128xf32, #tpu.memory_space<vmem>> -> memref<128x128xf32, #tpu.memory_space<vmem>>
    %dma_wait3A_375 = arith.constant 0 : i32
    %dma_wait3A_376 = arith.constant 0 : i32
    %dma_wait3A_377 = tpu.memref_slice %arg3[%dma_wait3A_375, %dma_wait3A_376] : memref<100000x128xf32, #tpu.memory_space<hbm>> -> memref<128x128xf32, #tpu.memory_space<hbm>>
    %dma_wait3A_378 = tpu.memref_slice %arg7[%dma_wait3A_370] : memref<7x!tpu.dma_semaphore, #tpu.memory_space<semaphore_mem>> -> memref<1x!tpu.dma_semaphore, #tpu.memory_space<semaphore_mem>>
    %dma_wait3A_379 = tpu.memref_squeeze %dma_wait3A_378 : memref<1x!tpu.dma_semaphore, #tpu.memory_space<semaphore_mem>> -> memref<!tpu.dma_semaphore, #tpu.memory_space<semaphore_mem>>
    %dma_wait3A_380 = arith.constant 0 : i32
    %dma_wait3A_381 = arith.constant 0 : i32
    %dma_wait3A_382 = tpu.memref_slice %arg6[%dma_wait3A_369, %dma_wait3A_380, %dma_wait3A_381] : memref<7x128x128xf32, #tpu.memory_space<vmem>> -> memref<1x128x128xf32, #tpu.memory_space<vmem>>
    %dma_wait3A_383 = tpu.memref_squeeze %dma_wait3A_382 : memref<1x128x128xf32, #tpu.memory_space<vmem>> -> memref<128x128xf32, #tpu.memory_space<vmem>>
    %dma_wait3A_384 = arith.constant 0 : i32
    %dma_wait3A_385 = arith.constant 0 : i32
    %dma_wait3A_386 = tpu.memref_slice %arg3[%dma_wait3A_384, %dma_wait3A_385] : memref<100000x128xf32, #tpu.memory_space<hbm>> -> memref<128x128xf32, #tpu.memory_space<hbm>>
    tpu.wait_dma2 semaphore(%dma_wait3A_379 : memref<!tpu.dma_semaphore, #tpu.memory_space<semaphore_mem>>) src(%dma_wait3A_386 : memref<128x128xf32, #tpu.memory_space<hbm>>) dst(%dma_wait3A_383 : memref<128x128xf32, #tpu.memory_space<vmem>>)
    %add3A_387 = arith.constant 4 : i32
    %add3A_388 = arith.addi %mul3A_2, %add3A_387 : i32
    %mul3A_389 = arith.constant 128 : i32
    %mul3A_390 = arith.muli %add3A_388, %mul3A_389 : i32
    %dma_start3A_391 = arith.constant 4 : i32
    %dma_start3A_392 = arith.constant 4 : i32
    %dma_start3A_393 = arith.constant 0 : i32
    %dma_start3A_394 = arith.constant 0 : i32
    %dma_start3A_395 = tpu.memref_slice %arg6[%dma_start3A_391, %dma_start3A_393, %dma_start3A_394] : memref<7x128x128xf32, #tpu.memory_space<vmem>> -> memref<1x128x128xf32, #tpu.memory_space<vmem>>
    %dma_start3A_396 = tpu.memref_squeeze %dma_start3A_395 : memref<1x128x128xf32, #tpu.memory_space<vmem>> -> memref<128x128xf32, #tpu.memory_space<vmem>>
    %dma_start3A_397 = arith.constant 0 : i32
    %dma_start3A_398 = tpu.memref_slice %arg4[%mul3A_390, %dma_start3A_397] : memref<204800x128xf32, #tpu.memory_space<hbm>> -> memref<128x128xf32, #tpu.memory_space<hbm>>
    %dma_start3A_399 = tpu.memref_slice %arg8[%dma_start3A_392] : memref<7x!tpu.dma_semaphore, #tpu.memory_space<semaphore_mem>> -> memref<1x!tpu.dma_semaphore, #tpu.memory_space<semaphore_mem>>
    %dma_start3A_400 = tpu.memref_squeeze %dma_start3A_399 : memref<1x!tpu.dma_semaphore, #tpu.memory_space<semaphore_mem>> -> memref<!tpu.dma_semaphore, #tpu.memory_space<semaphore_mem>>
    %dma_start3A_401 = arith.constant 0 : i32
    %dma_start3A_402 = tpu.memref_slice %arg4[%mul3A_390, %dma_start3A_401] : memref<204800x128xf32, #tpu.memory_space<hbm>> -> memref<128x128xf32, #tpu.memory_space<hbm>>
    %dma_start3A_403 = arith.constant 0 : i32
    %dma_start3A_404 = arith.constant 0 : i32
    %dma_start3A_405 = tpu.memref_slice %arg6[%dma_start3A_391, %dma_start3A_403, %dma_start3A_404] : memref<7x128x128xf32, #tpu.memory_space<vmem>> -> memref<1x128x128xf32, #tpu.memory_space<vmem>>
    %dma_start3A_406 = tpu.memref_squeeze %dma_start3A_405 : memref<1x128x128xf32, #tpu.memory_space<vmem>> -> memref<128x128xf32, #tpu.memory_space<vmem>>
    tpu.enqueue_dma source(%dma_start3A_406 : memref<128x128xf32, #tpu.memory_space<vmem>>) target(%dma_start3A_402 : memref<128x128xf32, #tpu.memory_space<hbm>>) target_semaphore(%dma_start3A_400 : memref<!tpu.dma_semaphore, #tpu.memory_space<semaphore_mem>>)
    %dma_wait3A_407 = arith.constant 3 : i32
    %dma_wait3A_408 = arith.constant 3 : i32
    %dma_wait3A_409 = arith.constant 0 : i32
    %dma_wait3A_410 = arith.constant 0 : i32
    %dma_wait3A_411 = tpu.memref_slice %arg6[%dma_wait3A_407, %dma_wait3A_409, %dma_wait3A_410] : memref<7x128x128xf32, #tpu.memory_space<vmem>> -> memref<1x128x128xf32, #tpu.memory_space<vmem>>
    %dma_wait3A_412 = tpu.memref_squeeze %dma_wait3A_411 : memref<1x128x128xf32, #tpu.memory_space<vmem>> -> memref<128x128xf32, #tpu.memory_space<vmem>>
    %dma_wait3A_413 = arith.constant 0 : i32
    %dma_wait3A_414 = arith.constant 0 : i32
    %dma_wait3A_415 = tpu.memref_slice %arg4[%dma_wait3A_413, %dma_wait3A_414] : memref<204800x128xf32, #tpu.memory_space<hbm>> -> memref<128x128xf32, #tpu.memory_space<hbm>>
    %dma_wait3A_416 = tpu.memref_slice %arg8[%dma_wait3A_408] : memref<7x!tpu.dma_semaphore, #tpu.memory_space<semaphore_mem>> -> memref<1x!tpu.dma_semaphore, #tpu.memory_space<semaphore_mem>>
    %dma_wait3A_417 = tpu.memref_squeeze %dma_wait3A_416 : memref<1x!tpu.dma_semaphore, #tpu.memory_space<semaphore_mem>> -> memref<!tpu.dma_semaphore, #tpu.memory_space<semaphore_mem>>
    %dma_wait3A_418 = arith.constant 0 : i32
    %dma_wait3A_419 = arith.constant 0 : i32
    %dma_wait3A_420 = tpu.memref_slice %arg4[%dma_wait3A_418, %dma_wait3A_419] : memref<204800x128xf32, #tpu.memory_space<hbm>> -> memref<128x128xf32, #tpu.memory_space<hbm>>
    %dma_wait3A_421 = arith.constant 0 : i32
    %dma_wait3A_422 = arith.constant 0 : i32
    %dma_wait3A_423 = tpu.memref_slice %arg6[%dma_wait3A_407, %dma_wait3A_421, %dma_wait3A_422] : memref<7x128x128xf32, #tpu.memory_space<vmem>> -> memref<1x128x128xf32, #tpu.memory_space<vmem>>
    %dma_wait3A_424 = tpu.memref_squeeze %dma_wait3A_423 : memref<1x128x128xf32, #tpu.memory_space<vmem>> -> memref<128x128xf32, #tpu.memory_space<vmem>>
    tpu.wait_dma2 semaphore(%dma_wait3A_417 : memref<!tpu.dma_semaphore, #tpu.memory_space<semaphore_mem>>) src(%dma_wait3A_424 : memref<128x128xf32, #tpu.memory_space<vmem>>) dst(%dma_wait3A_420 : memref<128x128xf32, #tpu.memory_space<hbm>>)
    %dma_start3A_425 = arith.constant 3 : i32
    %dma_start3A_426 = arith.constant 3 : i32
    %dma_start3A_427 = arith.constant 0 : i32
    %dma_start3A_428 = arith.constant 0 : i32
    %dma_start3A_429 = tpu.memref_slice %arg6[%dma_start3A_425, %dma_start3A_427, %dma_start3A_428] : memref<7x128x128xf32, #tpu.memory_space<vmem>> -> memref<1x128x128xf32, #tpu.memory_space<vmem>>
    %dma_start3A_430 = tpu.memref_squeeze %dma_start3A_429 : memref<1x128x128xf32, #tpu.memory_space<vmem>> -> memref<128x128xf32, #tpu.memory_space<vmem>>
    %dma_start3A_431 = arith.constant 0 : i32
    %dma_start3A_432 = arith.constant 0 : i32
    %dma_start3A_433 = tpu.memref_slice %dma_start3A_430[%dma_start3A_431, %dma_start3A_432] : memref<128x128xf32, #tpu.memory_space<vmem>> -> memref<128x128xf32, #tpu.memory_space<vmem>>
    %dma_start3A_434 = arith.constant 1280 : i32
    %dma_start3A_435 = tpu.memref_slice %arg5[%dma_start3A_434] : memref<6400xi32, #tpu.memory_space<vmem>> -> memref<128xi32, #tpu.memory_space<vmem>>
    %dma_start3A_436 = arith.constant 0 : i32
    %dma_start3A_437 = arith.constant 0 : i32
    %dma_start3A_438 = tpu.memref_slice %arg3[%dma_start3A_436, %dma_start3A_437] : memref<100000x128xf32, #tpu.memory_space<hbm>> -> memref<100000x128xf32, #tpu.memory_space<hbm>>
    %dma_start3A_439 = tpu.memref_slice %arg7[%dma_start3A_426] : memref<7x!tpu.dma_semaphore, #tpu.memory_space<semaphore_mem>> -> memref<1x!tpu.dma_semaphore, #tpu.memory_space<semaphore_mem>>
    %dma_start3A_440 = tpu.memref_squeeze %dma_start3A_439 : memref<1x!tpu.dma_semaphore, #tpu.memory_space<semaphore_mem>> -> memref<!tpu.dma_semaphore, #tpu.memory_space<semaphore_mem>>
    tpu.enqueue_indirect_dma source(%dma_start3A_438 : memref<100000x128xf32, #tpu.memory_space<hbm>>) target(%dma_start3A_433 : memref<128x128xf32, #tpu.memory_space<vmem>>) offsets(%dma_start3A_435 : memref<128xi32, #tpu.memory_space<vmem>>) semaphore(%dma_start3A_440 : memref<!tpu.dma_semaphore, #tpu.memory_space<semaphore_mem>>)
    %dma_wait3A_441 = arith.constant 5 : i32
    %dma_wait3A_442 = arith.constant 5 : i32
    %dma_wait3A_443 = arith.constant 0 : i32
    %dma_wait3A_444 = arith.constant 0 : i32
    %dma_wait3A_445 = tpu.memref_slice %arg6[%dma_wait3A_441, %dma_wait3A_443, %dma_wait3A_444] : memref<7x128x128xf32, #tpu.memory_space<vmem>> -> memref<1x128x128xf32, #tpu.memory_space<vmem>>
    %dma_wait3A_446 = tpu.memref_squeeze %dma_wait3A_445 : memref<1x128x128xf32, #tpu.memory_space<vmem>> -> memref<128x128xf32, #tpu.memory_space<vmem>>
    %dma_wait3A_447 = arith.constant 0 : i32
    %dma_wait3A_448 = arith.constant 0 : i32
    %dma_wait3A_449 = tpu.memref_slice %arg3[%dma_wait3A_447, %dma_wait3A_448] : memref<100000x128xf32, #tpu.memory_space<hbm>> -> memref<128x128xf32, #tpu.memory_space<hbm>>
    %dma_wait3A_450 = tpu.memref_slice %arg7[%dma_wait3A_442] : memref<7x!tpu.dma_semaphore, #tpu.memory_space<semaphore_mem>> -> memref<1x!tpu.dma_semaphore, #tpu.memory_space<semaphore_mem>>
    %dma_wait3A_451 = tpu.memref_squeeze %dma_wait3A_450 : memref<1x!tpu.dma_semaphore, #tpu.memory_space<semaphore_mem>> -> memref<!tpu.dma_semaphore, #tpu.memory_space<semaphore_mem>>
    %dma_wait3A_452 = arith.constant 0 : i32
    %dma_wait3A_453 = arith.constant 0 : i32
    %dma_wait3A_454 = tpu.memref_slice %arg6[%dma_wait3A_441, %dma_wait3A_452, %dma_wait3A_453] : memref<7x128x128xf32, #tpu.memory_space<vmem>> -> memref<1x128x128xf32, #tpu.memory_space<vmem>>
    %dma_wait3A_455 = tpu.memref_squeeze %dma_wait3A_454 : memref<1x128x128xf32, #tpu.memory_space<vmem>> -> memref<128x128xf32, #tpu.memory_space<vmem>>
    %dma_wait3A_456 = arith.constant 0 : i32
    %dma_wait3A_457 = arith.constant 0 : i32
    %dma_wait3A_458 = tpu.memref_slice %arg3[%dma_wait3A_456, %dma_wait3A_457] : memref<100000x128xf32, #tpu.memory_space<hbm>> -> memref<128x128xf32, #tpu.memory_space<hbm>>
    tpu.wait_dma2 semaphore(%dma_wait3A_451 : memref<!tpu.dma_semaphore, #tpu.memory_space<semaphore_mem>>) src(%dma_wait3A_458 : memref<128x128xf32, #tpu.memory_space<hbm>>) dst(%dma_wait3A_455 : memref<128x128xf32, #tpu.memory_space<vmem>>)
    %add3A_459 = arith.constant 5 : i32
    %add3A_460 = arith.addi %mul3A_2, %add3A_459 : i32
    %mul3A_461 = arith.constant 128 : i32
    %mul3A_462 = arith.muli %add3A_460, %mul3A_461 : i32
    %dma_start3A_463 = arith.constant 5 : i32
    %dma_start3A_464 = arith.constant 5 : i32
    %dma_start3A_465 = arith.constant 0 : i32
    %dma_start3A_466 = arith.constant 0 : i32
    %dma_start3A_467 = tpu.memref_slice %arg6[%dma_start3A_463, %dma_start3A_465, %dma_start3A_466] : memref<7x128x128xf32, #tpu.memory_space<vmem>> -> memref<1x128x128xf32, #tpu.memory_space<vmem>>
    %dma_start3A_468 = tpu.memref_squeeze %dma_start3A_467 : memref<1x128x128xf32, #tpu.memory_space<vmem>> -> memref<128x128xf32, #tpu.memory_space<vmem>>
    %dma_start3A_469 = arith.constant 0 : i32
    %dma_start3A_470 = tpu.memref_slice %arg4[%mul3A_462, %dma_start3A_469] : memref<204800x128xf32, #tpu.memory_space<hbm>> -> memref<128x128xf32, #tpu.memory_space<hbm>>
    %dma_start3A_471 = tpu.memref_slice %arg8[%dma_start3A_464] : memref<7x!tpu.dma_semaphore, #tpu.memory_space<semaphore_mem>> -> memref<1x!tpu.dma_semaphore, #tpu.memory_space<semaphore_mem>>
    %dma_start3A_472 = tpu.memref_squeeze %dma_start3A_471 : memref<1x!tpu.dma_semaphore, #tpu.memory_space<semaphore_mem>> -> memref<!tpu.dma_semaphore, #tpu.memory_space<semaphore_mem>>
    %dma_start3A_473 = arith.constant 0 : i32
    %dma_start3A_474 = tpu.memref_slice %arg4[%mul3A_462, %dma_start3A_473] : memref<204800x128xf32, #tpu.memory_space<hbm>> -> memref<128x128xf32, #tpu.memory_space<hbm>>
    %dma_start3A_475 = arith.constant 0 : i32
    %dma_start3A_476 = arith.constant 0 : i32
    %dma_start3A_477 = tpu.memref_slice %arg6[%dma_start3A_463, %dma_start3A_475, %dma_start3A_476] : memref<7x128x128xf32, #tpu.memory_space<vmem>> -> memref<1x128x128xf32, #tpu.memory_space<vmem>>
    %dma_start3A_478 = tpu.memref_squeeze %dma_start3A_477 : memref<1x128x128xf32, #tpu.memory_space<vmem>> -> memref<128x128xf32, #tpu.memory_space<vmem>>
    tpu.enqueue_dma source(%dma_start3A_478 : memref<128x128xf32, #tpu.memory_space<vmem>>) target(%dma_start3A_474 : memref<128x128xf32, #tpu.memory_space<hbm>>) target_semaphore(%dma_start3A_472 : memref<!tpu.dma_semaphore, #tpu.memory_space<semaphore_mem>>)
    %dma_wait3A_479 = arith.constant 4 : i32
    %dma_wait3A_480 = arith.constant 4 : i32
    %dma_wait3A_481 = arith.constant 0 : i32
    %dma_wait3A_482 = arith.constant 0 : i32
    %dma_wait3A_483 = tpu.memref_slice %arg6[%dma_wait3A_479, %dma_wait3A_481, %dma_wait3A_482] : memref<7x128x128xf32, #tpu.memory_space<vmem>> -> memref<1x128x128xf32, #tpu.memory_space<vmem>>
    %dma_wait3A_484 = tpu.memref_squeeze %dma_wait3A_483 : memref<1x128x128xf32, #tpu.memory_space<vmem>> -> memref<128x128xf32, #tpu.memory_space<vmem>>
    %dma_wait3A_485 = arith.constant 0 : i32
    %dma_wait3A_486 = arith.constant 0 : i32
    %dma_wait3A_487 = tpu.memref_slice %arg4[%dma_wait3A_485, %dma_wait3A_486] : memref<204800x128xf32, #tpu.memory_space<hbm>> -> memref<128x128xf32, #tpu.memory_space<hbm>>
    %dma_wait3A_488 = tpu.memref_slice %arg8[%dma_wait3A_480] : memref<7x!tpu.dma_semaphore, #tpu.memory_space<semaphore_mem>> -> memref<1x!tpu.dma_semaphore, #tpu.memory_space<semaphore_mem>>
    %dma_wait3A_489 = tpu.memref_squeeze %dma_wait3A_488 : memref<1x!tpu.dma_semaphore, #tpu.memory_space<semaphore_mem>> -> memref<!tpu.dma_semaphore, #tpu.memory_space<semaphore_mem>>
    %dma_wait3A_490 = arith.constant 0 : i32
    %dma_wait3A_491 = arith.constant 0 : i32
    %dma_wait3A_492 = tpu.memref_slice %arg4[%dma_wait3A_490, %dma_wait3A_491] : memref<204800x128xf32, #tpu.memory_space<hbm>> -> memref<128x128xf32, #tpu.memory_space<hbm>>
    %dma_wait3A_493 = arith.constant 0 : i32
    %dma_wait3A_494 = arith.constant 0 : i32
    %dma_wait3A_495 = tpu.memref_slice %arg6[%dma_wait3A_479, %dma_wait3A_493, %dma_wait3A_494] : memref<7x128x128xf32, #tpu.memory_space<vmem>> -> memref<1x128x128xf32, #tpu.memory_space<vmem>>
    %dma_wait3A_496 = tpu.memref_squeeze %dma_wait3A_495 : memref<1x128x128xf32, #tpu.memory_space<vmem>> -> memref<128x128xf32, #tpu.memory_space<vmem>>
    tpu.wait_dma2 semaphore(%dma_wait3A_489 : memref<!tpu.dma_semaphore, #tpu.memory_space<semaphore_mem>>) src(%dma_wait3A_496 : memref<128x128xf32, #tpu.memory_space<vmem>>) dst(%dma_wait3A_492 : memref<128x128xf32, #tpu.memory_space<hbm>>)
    %dma_start3A_497 = arith.constant 4 : i32
    %dma_start3A_498 = arith.constant 4 : i32
    %dma_start3A_499 = arith.constant 0 : i32
    %dma_start3A_500 = arith.constant 0 : i32
    %dma_start3A_501 = tpu.memref_slice %arg6[%dma_start3A_497, %dma_start3A_499, %dma_start3A_500] : memref<7x128x128xf32, #tpu.memory_space<vmem>> -> memref<1x128x128xf32, #tpu.memory_space<vmem>>
    %dma_start3A_502 = tpu.memref_squeeze %dma_start3A_501 : memref<1x128x128xf32, #tpu.memory_space<vmem>> -> memref<128x128xf32, #tpu.memory_space<vmem>>
    %dma_start3A_503 = arith.constant 0 : i32
    %dma_start3A_504 = arith.constant 0 : i32
    %dma_start3A_505 = tpu.memref_slice %dma_start3A_502[%dma_start3A_503, %dma_start3A_504] : memref<128x128xf32, #tpu.memory_space<vmem>> -> memref<128x128xf32, #tpu.memory_space<vmem>>
    %dma_start3A_506 = arith.constant 1408 : i32
    %dma_start3A_507 = tpu.memref_slice %arg5[%dma_start3A_506] : memref<6400xi32, #tpu.memory_space<vmem>> -> memref<128xi32, #tpu.memory_space<vmem>>
    %dma_start3A_508 = arith.constant 0 : i32
    %dma_start3A_509 = arith.constant 0 : i32
    %dma_start3A_510 = tpu.memref_slice %arg3[%dma_start3A_508, %dma_start3A_509] : memref<100000x128xf32, #tpu.memory_space<hbm>> -> memref<100000x128xf32, #tpu.memory_space<hbm>>
    %dma_start3A_511 = tpu.memref_slice %arg7[%dma_start3A_498] : memref<7x!tpu.dma_semaphore, #tpu.memory_space<semaphore_mem>> -> memref<1x!tpu.dma_semaphore, #tpu.memory_space<semaphore_mem>>
    %dma_start3A_512 = tpu.memref_squeeze %dma_start3A_511 : memref<1x!tpu.dma_semaphore, #tpu.memory_space<semaphore_mem>> -> memref<!tpu.dma_semaphore, #tpu.memory_space<semaphore_mem>>
    tpu.enqueue_indirect_dma source(%dma_start3A_510 : memref<100000x128xf32, #tpu.memory_space<hbm>>) target(%dma_start3A_505 : memref<128x128xf32, #tpu.memory_space<vmem>>) offsets(%dma_start3A_507 : memref<128xi32, #tpu.memory_space<vmem>>) semaphore(%dma_start3A_512 : memref<!tpu.dma_semaphore, #tpu.memory_space<semaphore_mem>>)
    %dma_wait3A_513 = arith.constant 6 : i32
    %dma_wait3A_514 = arith.constant 6 : i32
    %dma_wait3A_515 = arith.constant 0 : i32
    %dma_wait3A_516 = arith.constant 0 : i32
    %dma_wait3A_517 = tpu.memref_slice %arg6[%dma_wait3A_513, %dma_wait3A_515, %dma_wait3A_516] : memref<7x128x128xf32, #tpu.memory_space<vmem>> -> memref<1x128x128xf32, #tpu.memory_space<vmem>>
    %dma_wait3A_518 = tpu.memref_squeeze %dma_wait3A_517 : memref<1x128x128xf32, #tpu.memory_space<vmem>> -> memref<128x128xf32, #tpu.memory_space<vmem>>
    %dma_wait3A_519 = arith.constant 0 : i32
    %dma_wait3A_520 = arith.constant 0 : i32
    %dma_wait3A_521 = tpu.memref_slice %arg3[%dma_wait3A_519, %dma_wait3A_520] : memref<100000x128xf32, #tpu.memory_space<hbm>> -> memref<128x128xf32, #tpu.memory_space<hbm>>
    %dma_wait3A_522 = tpu.memref_slice %arg7[%dma_wait3A_514] : memref<7x!tpu.dma_semaphore, #tpu.memory_space<semaphore_mem>> -> memref<1x!tpu.dma_semaphore, #tpu.memory_space<semaphore_mem>>
    %dma_wait3A_523 = tpu.memref_squeeze %dma_wait3A_522 : memref<1x!tpu.dma_semaphore, #tpu.memory_space<semaphore_mem>> -> memref<!tpu.dma_semaphore, #tpu.memory_space<semaphore_mem>>
    %dma_wait3A_524 = arith.constant 0 : i32
    %dma_wait3A_525 = arith.constant 0 : i32
    %dma_wait3A_526 = tpu.memref_slice %arg6[%dma_wait3A_513, %dma_wait3A_524, %dma_wait3A_525] : memref<7x128x128xf32, #tpu.memory_space<vmem>> -> memref<1x128x128xf32, #tpu.memory_space<vmem>>
    %dma_wait3A_527 = tpu.memref_squeeze %dma_wait3A_526 : memref<1x128x128xf32, #tpu.memory_space<vmem>> -> memref<128x128xf32, #tpu.memory_space<vmem>>
    %dma_wait3A_528 = arith.constant 0 : i32
    %dma_wait3A_529 = arith.constant 0 : i32
    %dma_wait3A_530 = tpu.memref_slice %arg3[%dma_wait3A_528, %dma_wait3A_529] : memref<100000x128xf32, #tpu.memory_space<hbm>> -> memref<128x128xf32, #tpu.memory_space<hbm>>
    tpu.wait_dma2 semaphore(%dma_wait3A_523 : memref<!tpu.dma_semaphore, #tpu.memory_space<semaphore_mem>>) src(%dma_wait3A_530 : memref<128x128xf32, #tpu.memory_space<hbm>>) dst(%dma_wait3A_527 : memref<128x128xf32, #tpu.memory_space<vmem>>)
    %add3A_531 = arith.constant 6 : i32
    %add3A_532 = arith.addi %mul3A_2, %add3A_531 : i32
    %mul3A_533 = arith.constant 128 : i32
    %mul3A_534 = arith.muli %add3A_532, %mul3A_533 : i32
    %dma_start3A_535 = arith.constant 6 : i32
    %dma_start3A_536 = arith.constant 6 : i32
    %dma_start3A_537 = arith.constant 0 : i32
    %dma_start3A_538 = arith.constant 0 : i32
    %dma_start3A_539 = tpu.memref_slice %arg6[%dma_start3A_535, %dma_start3A_537, %dma_start3A_538] : memref<7x128x128xf32, #tpu.memory_space<vmem>> -> memref<1x128x128xf32, #tpu.memory_space<vmem>>
    %dma_start3A_540 = tpu.memref_squeeze %dma_start3A_539 : memref<1x128x128xf32, #tpu.memory_space<vmem>> -> memref<128x128xf32, #tpu.memory_space<vmem>>
    %dma_start3A_541 = arith.constant 0 : i32
    %dma_start3A_542 = tpu.memref_slice %arg4[%mul3A_534, %dma_start3A_541] : memref<204800x128xf32, #tpu.memory_space<hbm>> -> memref<128x128xf32, #tpu.memory_space<hbm>>
    %dma_start3A_543 = tpu.memref_slice %arg8[%dma_start3A_536] : memref<7x!tpu.dma_semaphore, #tpu.memory_space<semaphore_mem>> -> memref<1x!tpu.dma_semaphore, #tpu.memory_space<semaphore_mem>>
    %dma_start3A_544 = tpu.memref_squeeze %dma_start3A_543 : memref<1x!tpu.dma_semaphore, #tpu.memory_space<semaphore_mem>> -> memref<!tpu.dma_semaphore, #tpu.memory_space<semaphore_mem>>
    %dma_start3A_545 = arith.constant 0 : i32
    %dma_start3A_546 = tpu.memref_slice %arg4[%mul3A_534, %dma_start3A_545] : memref<204800x128xf32, #tpu.memory_space<hbm>> -> memref<128x128xf32, #tpu.memory_space<hbm>>
    %dma_start3A_547 = arith.constant 0 : i32
    %dma_start3A_548 = arith.constant 0 : i32
    %dma_start3A_549 = tpu.memref_slice %arg6[%dma_start3A_535, %dma_start3A_547, %dma_start3A_548] : memref<7x128x128xf32, #tpu.memory_space<vmem>> -> memref<1x128x128xf32, #tpu.memory_space<vmem>>
    %dma_start3A_550 = tpu.memref_squeeze %dma_start3A_549 : memref<1x128x128xf32, #tpu.memory_space<vmem>> -> memref<128x128xf32, #tpu.memory_space<vmem>>
    tpu.enqueue_dma source(%dma_start3A_550 : memref<128x128xf32, #tpu.memory_space<vmem>>) target(%dma_start3A_546 : memref<128x128xf32, #tpu.memory_space<hbm>>) target_semaphore(%dma_start3A_544 : memref<!tpu.dma_semaphore, #tpu.memory_space<semaphore_mem>>)
    %dma_wait3A_551 = arith.constant 5 : i32
    %dma_wait3A_552 = arith.constant 5 : i32
    %dma_wait3A_553 = arith.constant 0 : i32
    %dma_wait3A_554 = arith.constant 0 : i32
    %dma_wait3A_555 = tpu.memref_slice %arg6[%dma_wait3A_551, %dma_wait3A_553, %dma_wait3A_554] : memref<7x128x128xf32, #tpu.memory_space<vmem>> -> memref<1x128x128xf32, #tpu.memory_space<vmem>>
    %dma_wait3A_556 = tpu.memref_squeeze %dma_wait3A_555 : memref<1x128x128xf32, #tpu.memory_space<vmem>> -> memref<128x128xf32, #tpu.memory_space<vmem>>
    %dma_wait3A_557 = arith.constant 0 : i32
    %dma_wait3A_558 = arith.constant 0 : i32
    %dma_wait3A_559 = tpu.memref_slice %arg4[%dma_wait3A_557, %dma_wait3A_558] : memref<204800x128xf32, #tpu.memory_space<hbm>> -> memref<128x128xf32, #tpu.memory_space<hbm>>
    %dma_wait3A_560 = tpu.memref_slice %arg8[%dma_wait3A_552] : memref<7x!tpu.dma_semaphore, #tpu.memory_space<semaphore_mem>> -> memref<1x!tpu.dma_semaphore, #tpu.memory_space<semaphore_mem>>
    %dma_wait3A_561 = tpu.memref_squeeze %dma_wait3A_560 : memref<1x!tpu.dma_semaphore, #tpu.memory_space<semaphore_mem>> -> memref<!tpu.dma_semaphore, #tpu.memory_space<semaphore_mem>>
    %dma_wait3A_562 = arith.constant 0 : i32
    %dma_wait3A_563 = arith.constant 0 : i32
    %dma_wait3A_564 = tpu.memref_slice %arg4[%dma_wait3A_562, %dma_wait3A_563] : memref<204800x128xf32, #tpu.memory_space<hbm>> -> memref<128x128xf32, #tpu.memory_space<hbm>>
    %dma_wait3A_565 = arith.constant 0 : i32
    %dma_wait3A_566 = arith.constant 0 : i32
    %dma_wait3A_567 = tpu.memref_slice %arg6[%dma_wait3A_551, %dma_wait3A_565, %dma_wait3A_566] : memref<7x128x128xf32, #tpu.memory_space<vmem>> -> memref<1x128x128xf32, #tpu.memory_space<vmem>>
    %dma_wait3A_568 = tpu.memref_squeeze %dma_wait3A_567 : memref<1x128x128xf32, #tpu.memory_space<vmem>> -> memref<128x128xf32, #tpu.memory_space<vmem>>
    tpu.wait_dma2 semaphore(%dma_wait3A_561 : memref<!tpu.dma_semaphore, #tpu.memory_space<semaphore_mem>>) src(%dma_wait3A_568 : memref<128x128xf32, #tpu.memory_space<vmem>>) dst(%dma_wait3A_564 : memref<128x128xf32, #tpu.memory_space<hbm>>)
    %dma_start3A_569 = arith.constant 5 : i32
    %dma_start3A_570 = arith.constant 5 : i32
    %dma_start3A_571 = arith.constant 0 : i32
    %dma_start3A_572 = arith.constant 0 : i32
    %dma_start3A_573 = tpu.memref_slice %arg6[%dma_start3A_569, %dma_start3A_571, %dma_start3A_572] : memref<7x128x128xf32, #tpu.memory_space<vmem>> -> memref<1x128x128xf32, #tpu.memory_space<vmem>>
    %dma_start3A_574 = tpu.memref_squeeze %dma_start3A_573 : memref<1x128x128xf32, #tpu.memory_space<vmem>> -> memref<128x128xf32, #tpu.memory_space<vmem>>
    %dma_start3A_575 = arith.constant 0 : i32
    %dma_start3A_576 = arith.constant 0 : i32
    %dma_start3A_577 = tpu.memref_slice %dma_start3A_574[%dma_start3A_575, %dma_start3A_576] : memref<128x128xf32, #tpu.memory_space<vmem>> -> memref<128x128xf32, #tpu.memory_space<vmem>>
    %dma_start3A_578 = arith.constant 1536 : i32
    %dma_start3A_579 = tpu.memref_slice %arg5[%dma_start3A_578] : memref<6400xi32, #tpu.memory_space<vmem>> -> memref<128xi32, #tpu.memory_space<vmem>>
    %dma_start3A_580 = arith.constant 0 : i32
    %dma_start3A_581 = arith.constant 0 : i32
    %dma_start3A_582 = tpu.memref_slice %arg3[%dma_start3A_580, %dma_start3A_581] : memref<100000x128xf32, #tpu.memory_space<hbm>> -> memref<100000x128xf32, #tpu.memory_space<hbm>>
    %dma_start3A_583 = tpu.memref_slice %arg7[%dma_start3A_570] : memref<7x!tpu.dma_semaphore, #tpu.memory_space<semaphore_mem>> -> memref<1x!tpu.dma_semaphore, #tpu.memory_space<semaphore_mem>>
    %dma_start3A_584 = tpu.memref_squeeze %dma_start3A_583 : memref<1x!tpu.dma_semaphore, #tpu.memory_space<semaphore_mem>> -> memref<!tpu.dma_semaphore, #tpu.memory_space<semaphore_mem>>
    tpu.enqueue_indirect_dma source(%dma_start3A_582 : memref<100000x128xf32, #tpu.memory_space<hbm>>) target(%dma_start3A_577 : memref<128x128xf32, #tpu.memory_space<vmem>>) offsets(%dma_start3A_579 : memref<128xi32, #tpu.memory_space<vmem>>) semaphore(%dma_start3A_584 : memref<!tpu.dma_semaphore, #tpu.memory_space<semaphore_mem>>)
    %scan3A = arith.constant 0 : i32
    %scan3A_585 = arith.constant 1 : i32
    %scan3A_586 = arith.constant 5 : i32
    %scan3A_587 = arith.addi %scan3A_585, %scan3A_586 : i32
    %scan3A_588 = arith.constant 1 : i32
    scf.for %scan3A_1088 = %scan3A_585 to %scan3A_587 step %scan3A_588  : i32 {
      %mul3A_1089 = arith.constant 7 : i32
      %mul3A_1090 = arith.muli %mul3A_1089, %scan3A_1088 : i32
      %add3A_1091 = arith.constant 0 : i32
      %add3A_1092 = arith.addi %mul3A_1090, %add3A_1091 : i32
      %dma_wait3A_1093 = arith.constant 0 : i32
      %dma_wait3A_1094 = arith.constant 0 : i32
      %dma_wait3A_1095 = arith.constant 0 : i32
      %dma_wait3A_1096 = arith.constant 0 : i32
      %dma_wait3A_1097 = tpu.memref_slice %arg6[%dma_wait3A_1093, %dma_wait3A_1095, %dma_wait3A_1096] : memref<7x128x128xf32, #tpu.memory_space<vmem>> -> memref<1x128x128xf32, #tpu.memory_space<vmem>>
      %dma_wait3A_1098 = tpu.memref_squeeze %dma_wait3A_1097 : memref<1x128x128xf32, #tpu.memory_space<vmem>> -> memref<128x128xf32, #tpu.memory_space<vmem>>
      %dma_wait3A_1099 = arith.constant 0 : i32
      %dma_wait3A_1100 = arith.constant 0 : i32
      %dma_wait3A_1101 = tpu.memref_slice %arg3[%dma_wait3A_1099, %dma_wait3A_1100] : memref<100000x128xf32, #tpu.memory_space<hbm>> -> memref<128x128xf32, #tpu.memory_space<hbm>>
      %dma_wait3A_1102 = tpu.memref_slice %arg7[%dma_wait3A_1094] : memref<7x!tpu.dma_semaphore, #tpu.memory_space<semaphore_mem>> -> memref<1x!tpu.dma_semaphore, #tpu.memory_space<semaphore_mem>>
      %dma_wait3A_1103 = tpu.memref_squeeze %dma_wait3A_1102 : memref<1x!tpu.dma_semaphore, #tpu.memory_space<semaphore_mem>> -> memref<!tpu.dma_semaphore, #tpu.memory_space<semaphore_mem>>
      %dma_wait3A_1104 = arith.constant 0 : i32
      %dma_wait3A_1105 = arith.constant 0 : i32
      %dma_wait3A_1106 = tpu.memref_slice %arg6[%dma_wait3A_1093, %dma_wait3A_1104, %dma_wait3A_1105] : memref<7x128x128xf32, #tpu.memory_space<vmem>> -> memref<1x128x128xf32, #tpu.memory_space<vmem>>
      %dma_wait3A_1107 = tpu.memref_squeeze %dma_wait3A_1106 : memref<1x128x128xf32, #tpu.memory_space<vmem>> -> memref<128x128xf32, #tpu.memory_space<vmem>>
      %dma_wait3A_1108 = arith.constant 0 : i32
      %dma_wait3A_1109 = arith.constant 0 : i32
      %dma_wait3A_1110 = tpu.memref_slice %arg3[%dma_wait3A_1108, %dma_wait3A_1109] : memref<100000x128xf32, #tpu.memory_space<hbm>> -> memref<128x128xf32, #tpu.memory_space<hbm>>
      tpu.wait_dma2 semaphore(%dma_wait3A_1103 : memref<!tpu.dma_semaphore, #tpu.memory_space<semaphore_mem>>) src(%dma_wait3A_1110 : memref<128x128xf32, #tpu.memory_space<hbm>>) dst(%dma_wait3A_1107 : memref<128x128xf32, #tpu.memory_space<vmem>>)
      %add3A_1111 = arith.addi %mul3A_2, %add3A_1092 : i32
      %mul3A_1112 = arith.constant 128 : i32
      %mul3A_1113 = arith.muli %add3A_1111, %mul3A_1112 : i32
      %dma_start3A_1114 = arith.constant 0 : i32
      %dma_start3A_1115 = arith.constant 0 : i32
      %dma_start3A_1116 = arith.constant 0 : i32
      %dma_start3A_1117 = arith.constant 0 : i32
      %dma_start3A_1118 = tpu.memref_slice %arg6[%dma_start3A_1114, %dma_start3A_1116, %dma_start3A_1117] : memref<7x128x128xf32, #tpu.memory_space<vmem>> -> memref<1x128x128xf32, #tpu.memory_space<vmem>>
      %dma_start3A_1119 = tpu.memref_squeeze %dma_start3A_1118 : memref<1x128x128xf32, #tpu.memory_space<vmem>> -> memref<128x128xf32, #tpu.memory_space<vmem>>
      %dma_start3A_1120 = arith.constant 0 : i32
      %dma_start3A_1121 = tpu.memref_slice %arg4[%mul3A_1113, %dma_start3A_1120] : memref<204800x128xf32, #tpu.memory_space<hbm>> -> memref<128x128xf32, #tpu.memory_space<hbm>>
      %dma_start3A_1122 = tpu.memref_slice %arg8[%dma_start3A_1115] : memref<7x!tpu.dma_semaphore, #tpu.memory_space<semaphore_mem>> -> memref<1x!tpu.dma_semaphore, #tpu.memory_space<semaphore_mem>>
      %dma_start3A_1123 = tpu.memref_squeeze %dma_start3A_1122 : memref<1x!tpu.dma_semaphore, #tpu.memory_space<semaphore_mem>> -> memref<!tpu.dma_semaphore, #tpu.memory_space<semaphore_mem>>
      %dma_start3A_1124 = arith.constant 0 : i32
      %dma_start3A_1125 = tpu.memref_slice %arg4[%mul3A_1113, %dma_start3A_1124] : memref<204800x128xf32, #tpu.memory_space<hbm>> -> memref<128x128xf32, #tpu.memory_space<hbm>>
      %dma_start3A_1126 = arith.constant 0 : i32
      %dma_start3A_1127 = arith.constant 0 : i32
      %dma_start3A_1128 = tpu.memref_slice %arg6[%dma_start3A_1114, %dma_start3A_1126, %dma_start3A_1127] : memref<7x128x128xf32, #tpu.memory_space<vmem>> -> memref<1x128x128xf32, #tpu.memory_space<vmem>>
      %dma_start3A_1129 = tpu.memref_squeeze %dma_start3A_1128 : memref<1x128x128xf32, #tpu.memory_space<vmem>> -> memref<128x128xf32, #tpu.memory_space<vmem>>
      tpu.enqueue_dma source(%dma_start3A_1129 : memref<128x128xf32, #tpu.memory_space<vmem>>) target(%dma_start3A_1125 : memref<128x128xf32, #tpu.memory_space<hbm>>) target_semaphore(%dma_start3A_1123 : memref<!tpu.dma_semaphore, #tpu.memory_space<semaphore_mem>>)
      %dma_wait3A_1130 = arith.constant 6 : i32
      %dma_wait3A_1131 = arith.constant 6 : i32
      %dma_wait3A_1132 = arith.constant 0 : i32
      %dma_wait3A_1133 = arith.constant 0 : i32
      %dma_wait3A_1134 = tpu.memref_slice %arg6[%dma_wait3A_1130, %dma_wait3A_1132, %dma_wait3A_1133] : memref<7x128x128xf32, #tpu.memory_space<vmem>> -> memref<1x128x128xf32, #tpu.memory_space<vmem>>
      %dma_wait3A_1135 = tpu.memref_squeeze %dma_wait3A_1134 : memref<1x128x128xf32, #tpu.memory_space<vmem>> -> memref<128x128xf32, #tpu.memory_space<vmem>>
      %dma_wait3A_1136 = arith.constant 0 : i32
      %dma_wait3A_1137 = arith.constant 0 : i32
      %dma_wait3A_1138 = tpu.memref_slice %arg4[%dma_wait3A_1136, %dma_wait3A_1137] : memref<204800x128xf32, #tpu.memory_space<hbm>> -> memref<128x128xf32, #tpu.memory_space<hbm>>
      %dma_wait3A_1139 = tpu.memref_slice %arg8[%dma_wait3A_1131] : memref<7x!tpu.dma_semaphore, #tpu.memory_space<semaphore_mem>> -> memref<1x!tpu.dma_semaphore, #tpu.memory_space<semaphore_mem>>
      %dma_wait3A_1140 = tpu.memref_squeeze %dma_wait3A_1139 : memref<1x!tpu.dma_semaphore, #tpu.memory_space<semaphore_mem>> -> memref<!tpu.dma_semaphore, #tpu.memory_space<semaphore_mem>>
      %dma_wait3A_1141 = arith.constant 0 : i32
      %dma_wait3A_1142 = arith.constant 0 : i32
      %dma_wait3A_1143 = tpu.memref_slice %arg4[%dma_wait3A_1141, %dma_wait3A_1142] : memref<204800x128xf32, #tpu.memory_space<hbm>> -> memref<128x128xf32, #tpu.memory_space<hbm>>
      %dma_wait3A_1144 = arith.constant 0 : i32
      %dma_wait3A_1145 = arith.constant 0 : i32
      %dma_wait3A_1146 = tpu.memref_slice %arg6[%dma_wait3A_1130, %dma_wait3A_1144, %dma_wait3A_1145] : memref<7x128x128xf32, #tpu.memory_space<vmem>> -> memref<1x128x128xf32, #tpu.memory_space<vmem>>
      %dma_wait3A_1147 = tpu.memref_squeeze %dma_wait3A_1146 : memref<1x128x128xf32, #tpu.memory_space<vmem>> -> memref<128x128xf32, #tpu.memory_space<vmem>>
      tpu.wait_dma2 semaphore(%dma_wait3A_1140 : memref<!tpu.dma_semaphore, #tpu.memory_space<semaphore_mem>>) src(%dma_wait3A_1147 : memref<128x128xf32, #tpu.memory_space<vmem>>) dst(%dma_wait3A_1143 : memref<128x128xf32, #tpu.memory_space<hbm>>)
      %add3A_1148 = arith.constant 6 : i32
      %add3A_1149 = arith.addi %add3A_1092, %add3A_1148 : i32
      %mul3A_1150 = arith.constant 128 : i32
      %mul3A_1151 = arith.muli %add3A_1149, %mul3A_1150 : i32
      %add3A_1152 = arith.constant 0 : i32
      %add3A_1153 = arith.addi %mul3A_1151, %add3A_1152 : i32
      %dma_start3A_1154 = arith.constant 6 : i32
      %dma_start3A_1155 = arith.constant 6 : i32
      %dma_start3A_1156 = arith.constant 0 : i32
      %dma_start3A_1157 = arith.constant 0 : i32
      %dma_start3A_1158 = tpu.memref_slice %arg6[%dma_start3A_1154, %dma_start3A_1156, %dma_start3A_1157] : memref<7x128x128xf32, #tpu.memory_space<vmem>> -> memref<1x128x128xf32, #tpu.memory_space<vmem>>
      %dma_start3A_1159 = tpu.memref_squeeze %dma_start3A_1158 : memref<1x128x128xf32, #tpu.memory_space<vmem>> -> memref<128x128xf32, #tpu.memory_space<vmem>>
      %dma_start3A_1160 = arith.constant 0 : i32
      %dma_start3A_1161 = arith.constant 0 : i32
      %dma_start3A_1162 = tpu.memref_slice %dma_start3A_1159[%dma_start3A_1160, %dma_start3A_1161] : memref<128x128xf32, #tpu.memory_space<vmem>> -> memref<128x128xf32, #tpu.memory_space<vmem>>
      %dma_start3A_1163 = tpu.memref_slice %arg5[%add3A_1153] : memref<6400xi32, #tpu.memory_space<vmem>> -> memref<128xi32, #tpu.memory_space<vmem>>
      %dma_start3A_1164 = arith.constant 0 : i32
      %dma_start3A_1165 = arith.constant 0 : i32
      %dma_start3A_1166 = tpu.memref_slice %arg3[%dma_start3A_1164, %dma_start3A_1165] : memref<100000x128xf32, #tpu.memory_space<hbm>> -> memref<100000x128xf32, #tpu.memory_space<hbm>>
      %dma_start3A_1167 = tpu.memref_slice %arg7[%dma_start3A_1155] : memref<7x!tpu.dma_semaphore, #tpu.memory_space<semaphore_mem>> -> memref<1x!tpu.dma_semaphore, #tpu.memory_space<semaphore_mem>>
      %dma_start3A_1168 = tpu.memref_squeeze %dma_start3A_1167 : memref<1x!tpu.dma_semaphore, #tpu.memory_space<semaphore_mem>> -> memref<!tpu.dma_semaphore, #tpu.memory_space<semaphore_mem>>
      tpu.enqueue_indirect_dma source(%dma_start3A_1166 : memref<100000x128xf32, #tpu.memory_space<hbm>>) target(%dma_start3A_1162 : memref<128x128xf32, #tpu.memory_space<vmem>>) offsets(%dma_start3A_1163 : memref<128xi32, #tpu.memory_space<vmem>>) semaphore(%dma_start3A_1168 : memref<!tpu.dma_semaphore, #tpu.memory_space<semaphore_mem>>)
      %mul3A_1169 = arith.constant 7 : i32
      %mul3A_1170 = arith.muli %mul3A_1169, %scan3A_1088 : i32
      %add3A_1171 = arith.constant 1 : i32
      %add3A_1172 = arith.addi %mul3A_1170, %add3A_1171 : i32
      %dma_wait3A_1173 = arith.constant 1 : i32
      %dma_wait3A_1174 = arith.constant 1 : i32
      %dma_wait3A_1175 = arith.constant 0 : i32
      %dma_wait3A_1176 = arith.constant 0 : i32
      %dma_wait3A_1177 = tpu.memref_slice %arg6[%dma_wait3A_1173, %dma_wait3A_1175, %dma_wait3A_1176] : memref<7x128x128xf32, #tpu.memory_space<vmem>> -> memref<1x128x128xf32, #tpu.memory_space<vmem>>
      %dma_wait3A_1178 = tpu.memref_squeeze %dma_wait3A_1177 : memref<1x128x128xf32, #tpu.memory_space<vmem>> -> memref<128x128xf32, #tpu.memory_space<vmem>>
      %dma_wait3A_1179 = arith.constant 0 : i32
      %dma_wait3A_1180 = arith.constant 0 : i32
      %dma_wait3A_1181 = tpu.memref_slice %arg3[%dma_wait3A_1179, %dma_wait3A_1180] : memref<100000x128xf32, #tpu.memory_space<hbm>> -> memref<128x128xf32, #tpu.memory_space<hbm>>
      %dma_wait3A_1182 = tpu.memref_slice %arg7[%dma_wait3A_1174] : memref<7x!tpu.dma_semaphore, #tpu.memory_space<semaphore_mem>> -> memref<1x!tpu.dma_semaphore, #tpu.memory_space<semaphore_mem>>
      %dma_wait3A_1183 = tpu.memref_squeeze %dma_wait3A_1182 : memref<1x!tpu.dma_semaphore, #tpu.memory_space<semaphore_mem>> -> memref<!tpu.dma_semaphore, #tpu.memory_space<semaphore_mem>>
      %dma_wait3A_1184 = arith.constant 0 : i32
      %dma_wait3A_1185 = arith.constant 0 : i32
      %dma_wait3A_1186 = tpu.memref_slice %arg6[%dma_wait3A_1173, %dma_wait3A_1184, %dma_wait3A_1185] : memref<7x128x128xf32, #tpu.memory_space<vmem>> -> memref<1x128x128xf32, #tpu.memory_space<vmem>>
      %dma_wait3A_1187 = tpu.memref_squeeze %dma_wait3A_1186 : memref<1x128x128xf32, #tpu.memory_space<vmem>> -> memref<128x128xf32, #tpu.memory_space<vmem>>
      %dma_wait3A_1188 = arith.constant 0 : i32
      %dma_wait3A_1189 = arith.constant 0 : i32
      %dma_wait3A_1190 = tpu.memref_slice %arg3[%dma_wait3A_1188, %dma_wait3A_1189] : memref<100000x128xf32, #tpu.memory_space<hbm>> -> memref<128x128xf32, #tpu.memory_space<hbm>>
      tpu.wait_dma2 semaphore(%dma_wait3A_1183 : memref<!tpu.dma_semaphore, #tpu.memory_space<semaphore_mem>>) src(%dma_wait3A_1190 : memref<128x128xf32, #tpu.memory_space<hbm>>) dst(%dma_wait3A_1187 : memref<128x128xf32, #tpu.memory_space<vmem>>)
      %add3A_1191 = arith.addi %mul3A_2, %add3A_1172 : i32
      %mul3A_1192 = arith.constant 128 : i32
      %mul3A_1193 = arith.muli %add3A_1191, %mul3A_1192 : i32
      %dma_start3A_1194 = arith.constant 1 : i32
      %dma_start3A_1195 = arith.constant 1 : i32
      %dma_start3A_1196 = arith.constant 0 : i32
      %dma_start3A_1197 = arith.constant 0 : i32
      %dma_start3A_1198 = tpu.memref_slice %arg6[%dma_start3A_1194, %dma_start3A_1196, %dma_start3A_1197] : memref<7x128x128xf32, #tpu.memory_space<vmem>> -> memref<1x128x128xf32, #tpu.memory_space<vmem>>
      %dma_start3A_1199 = tpu.memref_squeeze %dma_start3A_1198 : memref<1x128x128xf32, #tpu.memory_space<vmem>> -> memref<128x128xf32, #tpu.memory_space<vmem>>
      %dma_start3A_1200 = arith.constant 0 : i32
      %dma_start3A_1201 = tpu.memref_slice %arg4[%mul3A_1193, %dma_start3A_1200] : memref<204800x128xf32, #tpu.memory_space<hbm>> -> memref<128x128xf32, #tpu.memory_space<hbm>>
      %dma_start3A_1202 = tpu.memref_slice %arg8[%dma_start3A_1195] : memref<7x!tpu.dma_semaphore, #tpu.memory_space<semaphore_mem>> -> memref<1x!tpu.dma_semaphore, #tpu.memory_space<semaphore_mem>>
      %dma_start3A_1203 = tpu.memref_squeeze %dma_start3A_1202 : memref<1x!tpu.dma_semaphore, #tpu.memory_space<semaphore_mem>> -> memref<!tpu.dma_semaphore, #tpu.memory_space<semaphore_mem>>
      %dma_start3A_1204 = arith.constant 0 : i32
      %dma_start3A_1205 = tpu.memref_slice %arg4[%mul3A_1193, %dma_start3A_1204] : memref<204800x128xf32, #tpu.memory_space<hbm>> -> memref<128x128xf32, #tpu.memory_space<hbm>>
      %dma_start3A_1206 = arith.constant 0 : i32
      %dma_start3A_1207 = arith.constant 0 : i32
      %dma_start3A_1208 = tpu.memref_slice %arg6[%dma_start3A_1194, %dma_start3A_1206, %dma_start3A_1207] : memref<7x128x128xf32, #tpu.memory_space<vmem>> -> memref<1x128x128xf32, #tpu.memory_space<vmem>>
      %dma_start3A_1209 = tpu.memref_squeeze %dma_start3A_1208 : memref<1x128x128xf32, #tpu.memory_space<vmem>> -> memref<128x128xf32, #tpu.memory_space<vmem>>
      tpu.enqueue_dma source(%dma_start3A_1209 : memref<128x128xf32, #tpu.memory_space<vmem>>) target(%dma_start3A_1205 : memref<128x128xf32, #tpu.memory_space<hbm>>) target_semaphore(%dma_start3A_1203 : memref<!tpu.dma_semaphore, #tpu.memory_space<semaphore_mem>>)
      %dma_wait3A_1210 = arith.constant 0 : i32
      %dma_wait3A_1211 = arith.constant 0 : i32
      %dma_wait3A_1212 = arith.constant 0 : i32
      %dma_wait3A_1213 = arith.constant 0 : i32
      %dma_wait3A_1214 = tpu.memref_slice %arg6[%dma_wait3A_1210, %dma_wait3A_1212, %dma_wait3A_1213] : memref<7x128x128xf32, #tpu.memory_space<vmem>> -> memref<1x128x128xf32, #tpu.memory_space<vmem>>
      %dma_wait3A_1215 = tpu.memref_squeeze %dma_wait3A_1214 : memref<1x128x128xf32, #tpu.memory_space<vmem>> -> memref<128x128xf32, #tpu.memory_space<vmem>>
      %dma_wait3A_1216 = arith.constant 0 : i32
      %dma_wait3A_1217 = arith.constant 0 : i32
      %dma_wait3A_1218 = tpu.memref_slice %arg4[%dma_wait3A_1216, %dma_wait3A_1217] : memref<204800x128xf32, #tpu.memory_space<hbm>> -> memref<128x128xf32, #tpu.memory_space<hbm>>
      %dma_wait3A_1219 = tpu.memref_slice %arg8[%dma_wait3A_1211] : memref<7x!tpu.dma_semaphore, #tpu.memory_space<semaphore_mem>> -> memref<1x!tpu.dma_semaphore, #tpu.memory_space<semaphore_mem>>
      %dma_wait3A_1220 = tpu.memref_squeeze %dma_wait3A_1219 : memref<1x!tpu.dma_semaphore, #tpu.memory_space<semaphore_mem>> -> memref<!tpu.dma_semaphore, #tpu.memory_space<semaphore_mem>>
      %dma_wait3A_1221 = arith.constant 0 : i32
      %dma_wait3A_1222 = arith.constant 0 : i32
      %dma_wait3A_1223 = tpu.memref_slice %arg4[%dma_wait3A_1221, %dma_wait3A_1222] : memref<204800x128xf32, #tpu.memory_space<hbm>> -> memref<128x128xf32, #tpu.memory_space<hbm>>
      %dma_wait3A_1224 = arith.constant 0 : i32
      %dma_wait3A_1225 = arith.constant 0 : i32
      %dma_wait3A_1226 = tpu.memref_slice %arg6[%dma_wait3A_1210, %dma_wait3A_1224, %dma_wait3A_1225] : memref<7x128x128xf32, #tpu.memory_space<vmem>> -> memref<1x128x128xf32, #tpu.memory_space<vmem>>
      %dma_wait3A_1227 = tpu.memref_squeeze %dma_wait3A_1226 : memref<1x128x128xf32, #tpu.memory_space<vmem>> -> memref<128x128xf32, #tpu.memory_space<vmem>>
      tpu.wait_dma2 semaphore(%dma_wait3A_1220 : memref<!tpu.dma_semaphore, #tpu.memory_space<semaphore_mem>>) src(%dma_wait3A_1227 : memref<128x128xf32, #tpu.memory_space<vmem>>) dst(%dma_wait3A_1223 : memref<128x128xf32, #tpu.memory_space<hbm>>)
      %add3A_1228 = arith.constant 6 : i32
      %add3A_1229 = arith.addi %add3A_1172, %add3A_1228 : i32
      %mul3A_1230 = arith.constant 128 : i32
      %mul3A_1231 = arith.muli %add3A_1229, %mul3A_1230 : i32
      %add3A_1232 = arith.constant 0 : i32
      %add3A_1233 = arith.addi %mul3A_1231, %add3A_1232 : i32
      %dma_start3A_1234 = arith.constant 0 : i32
      %dma_start3A_1235 = arith.constant 0 : i32
      %dma_start3A_1236 = arith.constant 0 : i32
      %dma_start3A_1237 = arith.constant 0 : i32
      %dma_start3A_1238 = tpu.memref_slice %arg6[%dma_start3A_1234, %dma_start3A_1236, %dma_start3A_1237] : memref<7x128x128xf32, #tpu.memory_space<vmem>> -> memref<1x128x128xf32, #tpu.memory_space<vmem>>
      %dma_start3A_1239 = tpu.memref_squeeze %dma_start3A_1238 : memref<1x128x128xf32, #tpu.memory_space<vmem>> -> memref<128x128xf32, #tpu.memory_space<vmem>>
      %dma_start3A_1240 = arith.constant 0 : i32
      %dma_start3A_1241 = arith.constant 0 : i32
      %dma_start3A_1242 = tpu.memref_slice %dma_start3A_1239[%dma_start3A_1240, %dma_start3A_1241] : memref<128x128xf32, #tpu.memory_space<vmem>> -> memref<128x128xf32, #tpu.memory_space<vmem>>
      %dma_start3A_1243 = tpu.memref_slice %arg5[%add3A_1233] : memref<6400xi32, #tpu.memory_space<vmem>> -> memref<128xi32, #tpu.memory_space<vmem>>
      %dma_start3A_1244 = arith.constant 0 : i32
      %dma_start3A_1245 = arith.constant 0 : i32
      %dma_start3A_1246 = tpu.memref_slice %arg3[%dma_start3A_1244, %dma_start3A_1245] : memref<100000x128xf32, #tpu.memory_space<hbm>> -> memref<100000x128xf32, #tpu.memory_space<hbm>>
      %dma_start3A_1247 = tpu.memref_slice %arg7[%dma_start3A_1235] : memref<7x!tpu.dma_semaphore, #tpu.memory_space<semaphore_mem>> -> memref<1x!tpu.dma_semaphore, #tpu.memory_space<semaphore_mem>>
      %dma_start3A_1248 = tpu.memref_squeeze %dma_start3A_1247 : memref<1x!tpu.dma_semaphore, #tpu.memory_space<semaphore_mem>> -> memref<!tpu.dma_semaphore, #tpu.memory_space<semaphore_mem>>
      tpu.enqueue_indirect_dma source(%dma_start3A_1246 : memref<100000x128xf32, #tpu.memory_space<hbm>>) target(%dma_start3A_1242 : memref<128x128xf32, #tpu.memory_space<vmem>>) offsets(%dma_start3A_1243 : memref<128xi32, #tpu.memory_space<vmem>>) semaphore(%dma_start3A_1248 : memref<!tpu.dma_semaphore, #tpu.memory_space<semaphore_mem>>)
      %mul3A_1249 = arith.constant 7 : i32
      %mul3A_1250 = arith.muli %mul3A_1249, %scan3A_1088 : i32
      %add3A_1251 = arith.constant 2 : i32
      %add3A_1252 = arith.addi %mul3A_1250, %add3A_1251 : i32
      %dma_wait3A_1253 = arith.constant 2 : i32
      %dma_wait3A_1254 = arith.constant 2 : i32
      %dma_wait3A_1255 = arith.constant 0 : i32
      %dma_wait3A_1256 = arith.constant 0 : i32
      %dma_wait3A_1257 = tpu.memref_slice %arg6[%dma_wait3A_1253, %dma_wait3A_1255, %dma_wait3A_1256] : memref<7x128x128xf32, #tpu.memory_space<vmem>> -> memref<1x128x128xf32, #tpu.memory_space<vmem>>
      %dma_wait3A_1258 = tpu.memref_squeeze %dma_wait3A_1257 : memref<1x128x128xf32, #tpu.memory_space<vmem>> -> memref<128x128xf32, #tpu.memory_space<vmem>>
      %dma_wait3A_1259 = arith.constant 0 : i32
      %dma_wait3A_1260 = arith.constant 0 : i32
      %dma_wait3A_1261 = tpu.memref_slice %arg3[%dma_wait3A_1259, %dma_wait3A_1260] : memref<100000x128xf32, #tpu.memory_space<hbm>> -> memref<128x128xf32, #tpu.memory_space<hbm>>
      %dma_wait3A_1262 = tpu.memref_slice %arg7[%dma_wait3A_1254] : memref<7x!tpu.dma_semaphore, #tpu.memory_space<semaphore_mem>> -> memref<1x!tpu.dma_semaphore, #tpu.memory_space<semaphore_mem>>
      %dma_wait3A_1263 = tpu.memref_squeeze %dma_wait3A_1262 : memref<1x!tpu.dma_semaphore, #tpu.memory_space<semaphore_mem>> -> memref<!tpu.dma_semaphore, #tpu.memory_space<semaphore_mem>>
      %dma_wait3A_1264 = arith.constant 0 : i32
      %dma_wait3A_1265 = arith.constant 0 : i32
      %dma_wait3A_1266 = tpu.memref_slice %arg6[%dma_wait3A_1253, %dma_wait3A_1264, %dma_wait3A_1265] : memref<7x128x128xf32, #tpu.memory_space<vmem>> -> memref<1x128x128xf32, #tpu.memory_space<vmem>>
      %dma_wait3A_1267 = tpu.memref_squeeze %dma_wait3A_1266 : memref<1x128x128xf32, #tpu.memory_space<vmem>> -> memref<128x128xf32, #tpu.memory_space<vmem>>
      %dma_wait3A_1268 = arith.constant 0 : i32
      %dma_wait3A_1269 = arith.constant 0 : i32
      %dma_wait3A_1270 = tpu.memref_slice %arg3[%dma_wait3A_1268, %dma_wait3A_1269] : memref<100000x128xf32, #tpu.memory_space<hbm>> -> memref<128x128xf32, #tpu.memory_space<hbm>>
      tpu.wait_dma2 semaphore(%dma_wait3A_1263 : memref<!tpu.dma_semaphore, #tpu.memory_space<semaphore_mem>>) src(%dma_wait3A_1270 : memref<128x128xf32, #tpu.memory_space<hbm>>) dst(%dma_wait3A_1267 : memref<128x128xf32, #tpu.memory_space<vmem>>)
      %add3A_1271 = arith.addi %mul3A_2, %add3A_1252 : i32
      %mul3A_1272 = arith.constant 128 : i32
      %mul3A_1273 = arith.muli %add3A_1271, %mul3A_1272 : i32
      %dma_start3A_1274 = arith.constant 2 : i32
      %dma_start3A_1275 = arith.constant 2 : i32
      %dma_start3A_1276 = arith.constant 0 : i32
      %dma_start3A_1277 = arith.constant 0 : i32
      %dma_start3A_1278 = tpu.memref_slice %arg6[%dma_start3A_1274, %dma_start3A_1276, %dma_start3A_1277] : memref<7x128x128xf32, #tpu.memory_space<vmem>> -> memref<1x128x128xf32, #tpu.memory_space<vmem>>
      %dma_start3A_1279 = tpu.memref_squeeze %dma_start3A_1278 : memref<1x128x128xf32, #tpu.memory_space<vmem>> -> memref<128x128xf32, #tpu.memory_space<vmem>>
      %dma_start3A_1280 = arith.constant 0 : i32
      %dma_start3A_1281 = tpu.memref_slice %arg4[%mul3A_1273, %dma_start3A_1280] : memref<204800x128xf32, #tpu.memory_space<hbm>> -> memref<128x128xf32, #tpu.memory_space<hbm>>
      %dma_start3A_1282 = tpu.memref_slice %arg8[%dma_start3A_1275] : memref<7x!tpu.dma_semaphore, #tpu.memory_space<semaphore_mem>> -> memref<1x!tpu.dma_semaphore, #tpu.memory_space<semaphore_mem>>
      %dma_start3A_1283 = tpu.memref_squeeze %dma_start3A_1282 : memref<1x!tpu.dma_semaphore, #tpu.memory_space<semaphore_mem>> -> memref<!tpu.dma_semaphore, #tpu.memory_space<semaphore_mem>>
      %dma_start3A_1284 = arith.constant 0 : i32
      %dma_start3A_1285 = tpu.memref_slice %arg4[%mul3A_1273, %dma_start3A_1284] : memref<204800x128xf32, #tpu.memory_space<hbm>> -> memref<128x128xf32, #tpu.memory_space<hbm>>
      %dma_start3A_1286 = arith.constant 0 : i32
      %dma_start3A_1287 = arith.constant 0 : i32
      %dma_start3A_1288 = tpu.memref_slice %arg6[%dma_start3A_1274, %dma_start3A_1286, %dma_start3A_1287] : memref<7x128x128xf32, #tpu.memory_space<vmem>> -> memref<1x128x128xf32, #tpu.memory_space<vmem>>
      %dma_start3A_1289 = tpu.memref_squeeze %dma_start3A_1288 : memref<1x128x128xf32, #tpu.memory_space<vmem>> -> memref<128x128xf32, #tpu.memory_space<vmem>>
      tpu.enqueue_dma source(%dma_start3A_1289 : memref<128x128xf32, #tpu.memory_space<vmem>>) target(%dma_start3A_1285 : memref<128x128xf32, #tpu.memory_space<hbm>>) target_semaphore(%dma_start3A_1283 : memref<!tpu.dma_semaphore, #tpu.memory_space<semaphore_mem>>)
      %dma_wait3A_1290 = arith.constant 1 : i32
      %dma_wait3A_1291 = arith.constant 1 : i32
      %dma_wait3A_1292 = arith.constant 0 : i32
      %dma_wait3A_1293 = arith.constant 0 : i32
      %dma_wait3A_1294 = tpu.memref_slice %arg6[%dma_wait3A_1290, %dma_wait3A_1292, %dma_wait3A_1293] : memref<7x128x128xf32, #tpu.memory_space<vmem>> -> memref<1x128x128xf32, #tpu.memory_space<vmem>>
      %dma_wait3A_1295 = tpu.memref_squeeze %dma_wait3A_1294 : memref<1x128x128xf32, #tpu.memory_space<vmem>> -> memref<128x128xf32, #tpu.memory_space<vmem>>
      %dma_wait3A_1296 = arith.constant 0 : i32
      %dma_wait3A_1297 = arith.constant 0 : i32
      %dma_wait3A_1298 = tpu.memref_slice %arg4[%dma_wait3A_1296, %dma_wait3A_1297] : memref<204800x128xf32, #tpu.memory_space<hbm>> -> memref<128x128xf32, #tpu.memory_space<hbm>>
      %dma_wait3A_1299 = tpu.memref_slice %arg8[%dma_wait3A_1291] : memref<7x!tpu.dma_semaphore, #tpu.memory_space<semaphore_mem>> -> memref<1x!tpu.dma_semaphore, #tpu.memory_space<semaphore_mem>>
      %dma_wait3A_1300 = tpu.memref_squeeze %dma_wait3A_1299 : memref<1x!tpu.dma_semaphore, #tpu.memory_space<semaphore_mem>> -> memref<!tpu.dma_semaphore, #tpu.memory_space<semaphore_mem>>
      %dma_wait3A_1301 = arith.constant 0 : i32
      %dma_wait3A_1302 = arith.constant 0 : i32
      %dma_wait3A_1303 = tpu.memref_slice %arg4[%dma_wait3A_1301, %dma_wait3A_1302] : memref<204800x128xf32, #tpu.memory_space<hbm>> -> memref<128x128xf32, #tpu.memory_space<hbm>>
      %dma_wait3A_1304 = arith.constant 0 : i32
      %dma_wait3A_1305 = arith.constant 0 : i32
      %dma_wait3A_1306 = tpu.memref_slice %arg6[%dma_wait3A_1290, %dma_wait3A_1304, %dma_wait3A_1305] : memref<7x128x128xf32, #tpu.memory_space<vmem>> -> memref<1x128x128xf32, #tpu.memory_space<vmem>>
      %dma_wait3A_1307 = tpu.memref_squeeze %dma_wait3A_1306 : memref<1x128x128xf32, #tpu.memory_space<vmem>> -> memref<128x128xf32, #tpu.memory_space<vmem>>
      tpu.wait_dma2 semaphore(%dma_wait3A_1300 : memref<!tpu.dma_semaphore, #tpu.memory_space<semaphore_mem>>) src(%dma_wait3A_1307 : memref<128x128xf32, #tpu.memory_space<vmem>>) dst(%dma_wait3A_1303 : memref<128x128xf32, #tpu.memory_space<hbm>>)
      %add3A_1308 = arith.constant 6 : i32
      %add3A_1309 = arith.addi %add3A_1252, %add3A_1308 : i32
      %mul3A_1310 = arith.constant 128 : i32
      %mul3A_1311 = arith.muli %add3A_1309, %mul3A_1310 : i32
      %add3A_1312 = arith.constant 0 : i32
      %add3A_1313 = arith.addi %mul3A_1311, %add3A_1312 : i32
      %dma_start3A_1314 = arith.constant 1 : i32
      %dma_start3A_1315 = arith.constant 1 : i32
      %dma_start3A_1316 = arith.constant 0 : i32
      %dma_start3A_1317 = arith.constant 0 : i32
      %dma_start3A_1318 = tpu.memref_slice %arg6[%dma_start3A_1314, %dma_start3A_1316, %dma_start3A_1317] : memref<7x128x128xf32, #tpu.memory_space<vmem>> -> memref<1x128x128xf32, #tpu.memory_space<vmem>>
      %dma_start3A_1319 = tpu.memref_squeeze %dma_start3A_1318 : memref<1x128x128xf32, #tpu.memory_space<vmem>> -> memref<128x128xf32, #tpu.memory_space<vmem>>
      %dma_start3A_1320 = arith.constant 0 : i32
      %dma_start3A_1321 = arith.constant 0 : i32
      %dma_start3A_1322 = tpu.memref_slice %dma_start3A_1319[%dma_start3A_1320, %dma_start3A_1321] : memref<128x128xf32, #tpu.memory_space<vmem>> -> memref<128x128xf32, #tpu.memory_space<vmem>>
      %dma_start3A_1323 = tpu.memref_slice %arg5[%add3A_1313] : memref<6400xi32, #tpu.memory_space<vmem>> -> memref<128xi32, #tpu.memory_space<vmem>>
      %dma_start3A_1324 = arith.constant 0 : i32
      %dma_start3A_1325 = arith.constant 0 : i32
      %dma_start3A_1326 = tpu.memref_slice %arg3[%dma_start3A_1324, %dma_start3A_1325] : memref<100000x128xf32, #tpu.memory_space<hbm>> -> memref<100000x128xf32, #tpu.memory_space<hbm>>
      %dma_start3A_1327 = tpu.memref_slice %arg7[%dma_start3A_1315] : memref<7x!tpu.dma_semaphore, #tpu.memory_space<semaphore_mem>> -> memref<1x!tpu.dma_semaphore, #tpu.memory_space<semaphore_mem>>
      %dma_start3A_1328 = tpu.memref_squeeze %dma_start3A_1327 : memref<1x!tpu.dma_semaphore, #tpu.memory_space<semaphore_mem>> -> memref<!tpu.dma_semaphore, #tpu.memory_space<semaphore_mem>>
      tpu.enqueue_indirect_dma source(%dma_start3A_1326 : memref<100000x128xf32, #tpu.memory_space<hbm>>) target(%dma_start3A_1322 : memref<128x128xf32, #tpu.memory_space<vmem>>) offsets(%dma_start3A_1323 : memref<128xi32, #tpu.memory_space<vmem>>) semaphore(%dma_start3A_1328 : memref<!tpu.dma_semaphore, #tpu.memory_space<semaphore_mem>>)
      %mul3A_1329 = arith.constant 7 : i32
      %mul3A_1330 = arith.muli %mul3A_1329, %scan3A_1088 : i32
      %add3A_1331 = arith.constant 3 : i32
      %add3A_1332 = arith.addi %mul3A_1330, %add3A_1331 : i32
      %dma_wait3A_1333 = arith.constant 3 : i32
      %dma_wait3A_1334 = arith.constant 3 : i32
      %dma_wait3A_1335 = arith.constant 0 : i32
      %dma_wait3A_1336 = arith.constant 0 : i32
      %dma_wait3A_1337 = tpu.memref_slice %arg6[%dma_wait3A_1333, %dma_wait3A_1335, %dma_wait3A_1336] : memref<7x128x128xf32, #tpu.memory_space<vmem>> -> memref<1x128x128xf32, #tpu.memory_space<vmem>>
      %dma_wait3A_1338 = tpu.memref_squeeze %dma_wait3A_1337 : memref<1x128x128xf32, #tpu.memory_space<vmem>> -> memref<128x128xf32, #tpu.memory_space<vmem>>
      %dma_wait3A_1339 = arith.constant 0 : i32
      %dma_wait3A_1340 = arith.constant 0 : i32
      %dma_wait3A_1341 = tpu.memref_slice %arg3[%dma_wait3A_1339, %dma_wait3A_1340] : memref<100000x128xf32, #tpu.memory_space<hbm>> -> memref<128x128xf32, #tpu.memory_space<hbm>>
      %dma_wait3A_1342 = tpu.memref_slice %arg7[%dma_wait3A_1334] : memref<7x!tpu.dma_semaphore, #tpu.memory_space<semaphore_mem>> -> memref<1x!tpu.dma_semaphore, #tpu.memory_space<semaphore_mem>>
      %dma_wait3A_1343 = tpu.memref_squeeze %dma_wait3A_1342 : memref<1x!tpu.dma_semaphore, #tpu.memory_space<semaphore_mem>> -> memref<!tpu.dma_semaphore, #tpu.memory_space<semaphore_mem>>
      %dma_wait3A_1344 = arith.constant 0 : i32
      %dma_wait3A_1345 = arith.constant 0 : i32
      %dma_wait3A_1346 = tpu.memref_slice %arg6[%dma_wait3A_1333, %dma_wait3A_1344, %dma_wait3A_1345] : memref<7x128x128xf32, #tpu.memory_space<vmem>> -> memref<1x128x128xf32, #tpu.memory_space<vmem>>
      %dma_wait3A_1347 = tpu.memref_squeeze %dma_wait3A_1346 : memref<1x128x128xf32, #tpu.memory_space<vmem>> -> memref<128x128xf32, #tpu.memory_space<vmem>>
      %dma_wait3A_1348 = arith.constant 0 : i32
      %dma_wait3A_1349 = arith.constant 0 : i32
      %dma_wait3A_1350 = tpu.memref_slice %arg3[%dma_wait3A_1348, %dma_wait3A_1349] : memref<100000x128xf32, #tpu.memory_space<hbm>> -> memref<128x128xf32, #tpu.memory_space<hbm>>
      tpu.wait_dma2 semaphore(%dma_wait3A_1343 : memref<!tpu.dma_semaphore, #tpu.memory_space<semaphore_mem>>) src(%dma_wait3A_1350 : memref<128x128xf32, #tpu.memory_space<hbm>>) dst(%dma_wait3A_1347 : memref<128x128xf32, #tpu.memory_space<vmem>>)
      %add3A_1351 = arith.addi %mul3A_2, %add3A_1332 : i32
      %mul3A_1352 = arith.constant 128 : i32
      %mul3A_1353 = arith.muli %add3A_1351, %mul3A_1352 : i32
      %dma_start3A_1354 = arith.constant 3 : i32
      %dma_start3A_1355 = arith.constant 3 : i32
      %dma_start3A_1356 = arith.constant 0 : i32
      %dma_start3A_1357 = arith.constant 0 : i32
      %dma_start3A_1358 = tpu.memref_slice %arg6[%dma_start3A_1354, %dma_start3A_1356, %dma_start3A_1357] : memref<7x128x128xf32, #tpu.memory_space<vmem>> -> memref<1x128x128xf32, #tpu.memory_space<vmem>>
      %dma_start3A_1359 = tpu.memref_squeeze %dma_start3A_1358 : memref<1x128x128xf32, #tpu.memory_space<vmem>> -> memref<128x128xf32, #tpu.memory_space<vmem>>
      %dma_start3A_1360 = arith.constant 0 : i32
      %dma_start3A_1361 = tpu.memref_slice %arg4[%mul3A_1353, %dma_start3A_1360] : memref<204800x128xf32, #tpu.memory_space<hbm>> -> memref<128x128xf32, #tpu.memory_space<hbm>>
      %dma_start3A_1362 = tpu.memref_slice %arg8[%dma_start3A_1355] : memref<7x!tpu.dma_semaphore, #tpu.memory_space<semaphore_mem>> -> memref<1x!tpu.dma_semaphore, #tpu.memory_space<semaphore_mem>>
      %dma_start3A_1363 = tpu.memref_squeeze %dma_start3A_1362 : memref<1x!tpu.dma_semaphore, #tpu.memory_space<semaphore_mem>> -> memref<!tpu.dma_semaphore, #tpu.memory_space<semaphore_mem>>
      %dma_start3A_1364 = arith.constant 0 : i32
      %dma_start3A_1365 = tpu.memref_slice %arg4[%mul3A_1353, %dma_start3A_1364] : memref<204800x128xf32, #tpu.memory_space<hbm>> -> memref<128x128xf32, #tpu.memory_space<hbm>>
      %dma_start3A_1366 = arith.constant 0 : i32
      %dma_start3A_1367 = arith.constant 0 : i32
      %dma_start3A_1368 = tpu.memref_slice %arg6[%dma_start3A_1354, %dma_start3A_1366, %dma_start3A_1367] : memref<7x128x128xf32, #tpu.memory_space<vmem>> -> memref<1x128x128xf32, #tpu.memory_space<vmem>>
      %dma_start3A_1369 = tpu.memref_squeeze %dma_start3A_1368 : memref<1x128x128xf32, #tpu.memory_space<vmem>> -> memref<128x128xf32, #tpu.memory_space<vmem>>
      tpu.enqueue_dma source(%dma_start3A_1369 : memref<128x128xf32, #tpu.memory_space<vmem>>) target(%dma_start3A_1365 : memref<128x128xf32, #tpu.memory_space<hbm>>) target_semaphore(%dma_start3A_1363 : memref<!tpu.dma_semaphore, #tpu.memory_space<semaphore_mem>>)
      %dma_wait3A_1370 = arith.constant 2 : i32
      %dma_wait3A_1371 = arith.constant 2 : i32
      %dma_wait3A_1372 = arith.constant 0 : i32
      %dma_wait3A_1373 = arith.constant 0 : i32
      %dma_wait3A_1374 = tpu.memref_slice %arg6[%dma_wait3A_1370, %dma_wait3A_1372, %dma_wait3A_1373] : memref<7x128x128xf32, #tpu.memory_space<vmem>> -> memref<1x128x128xf32, #tpu.memory_space<vmem>>
      %dma_wait3A_1375 = tpu.memref_squeeze %dma_wait3A_1374 : memref<1x128x128xf32, #tpu.memory_space<vmem>> -> memref<128x128xf32, #tpu.memory_space<vmem>>
      %dma_wait3A_1376 = arith.constant 0 : i32
      %dma_wait3A_1377 = arith.constant 0 : i32
      %dma_wait3A_1378 = tpu.memref_slice %arg4[%dma_wait3A_1376, %dma_wait3A_1377] : memref<204800x128xf32, #tpu.memory_space<hbm>> -> memref<128x128xf32, #tpu.memory_space<hbm>>
      %dma_wait3A_1379 = tpu.memref_slice %arg8[%dma_wait3A_1371] : memref<7x!tpu.dma_semaphore, #tpu.memory_space<semaphore_mem>> -> memref<1x!tpu.dma_semaphore, #tpu.memory_space<semaphore_mem>>
      %dma_wait3A_1380 = tpu.memref_squeeze %dma_wait3A_1379 : memref<1x!tpu.dma_semaphore, #tpu.memory_space<semaphore_mem>> -> memref<!tpu.dma_semaphore, #tpu.memory_space<semaphore_mem>>
      %dma_wait3A_1381 = arith.constant 0 : i32
      %dma_wait3A_1382 = arith.constant 0 : i32
      %dma_wait3A_1383 = tpu.memref_slice %arg4[%dma_wait3A_1381, %dma_wait3A_1382] : memref<204800x128xf32, #tpu.memory_space<hbm>> -> memref<128x128xf32, #tpu.memory_space<hbm>>
      %dma_wait3A_1384 = arith.constant 0 : i32
      %dma_wait3A_1385 = arith.constant 0 : i32
      %dma_wait3A_1386 = tpu.memref_slice %arg6[%dma_wait3A_1370, %dma_wait3A_1384, %dma_wait3A_1385] : memref<7x128x128xf32, #tpu.memory_space<vmem>> -> memref<1x128x128xf32, #tpu.memory_space<vmem>>
      %dma_wait3A_1387 = tpu.memref_squeeze %dma_wait3A_1386 : memref<1x128x128xf32, #tpu.memory_space<vmem>> -> memref<128x128xf32, #tpu.memory_space<vmem>>
      tpu.wait_dma2 semaphore(%dma_wait3A_1380 : memref<!tpu.dma_semaphore, #tpu.memory_space<semaphore_mem>>) src(%dma_wait3A_1387 : memref<128x128xf32, #tpu.memory_space<vmem>>) dst(%dma_wait3A_1383 : memref<128x128xf32, #tpu.memory_space<hbm>>)
      %add3A_1388 = arith.constant 6 : i32
      %add3A_1389 = arith.addi %add3A_1332, %add3A_1388 : i32
      %mul3A_1390 = arith.constant 128 : i32
      %mul3A_1391 = arith.muli %add3A_1389, %mul3A_1390 : i32
      %add3A_1392 = arith.constant 0 : i32
      %add3A_1393 = arith.addi %mul3A_1391, %add3A_1392 : i32
      %dma_start3A_1394 = arith.constant 2 : i32
      %dma_start3A_1395 = arith.constant 2 : i32
      %dma_start3A_1396 = arith.constant 0 : i32
      %dma_start3A_1397 = arith.constant 0 : i32
      %dma_start3A_1398 = tpu.memref_slice %arg6[%dma_start3A_1394, %dma_start3A_1396, %dma_start3A_1397] : memref<7x128x128xf32, #tpu.memory_space<vmem>> -> memref<1x128x128xf32, #tpu.memory_space<vmem>>
      %dma_start3A_1399 = tpu.memref_squeeze %dma_start3A_1398 : memref<1x128x128xf32, #tpu.memory_space<vmem>> -> memref<128x128xf32, #tpu.memory_space<vmem>>
      %dma_start3A_1400 = arith.constant 0 : i32
      %dma_start3A_1401 = arith.constant 0 : i32
      %dma_start3A_1402 = tpu.memref_slice %dma_start3A_1399[%dma_start3A_1400, %dma_start3A_1401] : memref<128x128xf32, #tpu.memory_space<vmem>> -> memref<128x128xf32, #tpu.memory_space<vmem>>
      %dma_start3A_1403 = tpu.memref_slice %arg5[%add3A_1393] : memref<6400xi32, #tpu.memory_space<vmem>> -> memref<128xi32, #tpu.memory_space<vmem>>
      %dma_start3A_1404 = arith.constant 0 : i32
      %dma_start3A_1405 = arith.constant 0 : i32
      %dma_start3A_1406 = tpu.memref_slice %arg3[%dma_start3A_1404, %dma_start3A_1405] : memref<100000x128xf32, #tpu.memory_space<hbm>> -> memref<100000x128xf32, #tpu.memory_space<hbm>>
      %dma_start3A_1407 = tpu.memref_slice %arg7[%dma_start3A_1395] : memref<7x!tpu.dma_semaphore, #tpu.memory_space<semaphore_mem>> -> memref<1x!tpu.dma_semaphore, #tpu.memory_space<semaphore_mem>>
      %dma_start3A_1408 = tpu.memref_squeeze %dma_start3A_1407 : memref<1x!tpu.dma_semaphore, #tpu.memory_space<semaphore_mem>> -> memref<!tpu.dma_semaphore, #tpu.memory_space<semaphore_mem>>
      tpu.enqueue_indirect_dma source(%dma_start3A_1406 : memref<100000x128xf32, #tpu.memory_space<hbm>>) target(%dma_start3A_1402 : memref<128x128xf32, #tpu.memory_space<vmem>>) offsets(%dma_start3A_1403 : memref<128xi32, #tpu.memory_space<vmem>>) semaphore(%dma_start3A_1408 : memref<!tpu.dma_semaphore, #tpu.memory_space<semaphore_mem>>)
      %mul3A_1409 = arith.constant 7 : i32
      %mul3A_1410 = arith.muli %mul3A_1409, %scan3A_1088 : i32
      %add3A_1411 = arith.constant 4 : i32
      %add3A_1412 = arith.addi %mul3A_1410, %add3A_1411 : i32
      %dma_wait3A_1413 = arith.constant 4 : i32
      %dma_wait3A_1414 = arith.constant 4 : i32
      %dma_wait3A_1415 = arith.constant 0 : i32
      %dma_wait3A_1416 = arith.constant 0 : i32
      %dma_wait3A_1417 = tpu.memref_slice %arg6[%dma_wait3A_1413, %dma_wait3A_1415, %dma_wait3A_1416] : memref<7x128x128xf32, #tpu.memory_space<vmem>> -> memref<1x128x128xf32, #tpu.memory_space<vmem>>
      %dma_wait3A_1418 = tpu.memref_squeeze %dma_wait3A_1417 : memref<1x128x128xf32, #tpu.memory_space<vmem>> -> memref<128x128xf32, #tpu.memory_space<vmem>>
      %dma_wait3A_1419 = arith.constant 0 : i32
      %dma_wait3A_1420 = arith.constant 0 : i32
      %dma_wait3A_1421 = tpu.memref_slice %arg3[%dma_wait3A_1419, %dma_wait3A_1420] : memref<100000x128xf32, #tpu.memory_space<hbm>> -> memref<128x128xf32, #tpu.memory_space<hbm>>
      %dma_wait3A_1422 = tpu.memref_slice %arg7[%dma_wait3A_1414] : memref<7x!tpu.dma_semaphore, #tpu.memory_space<semaphore_mem>> -> memref<1x!tpu.dma_semaphore, #tpu.memory_space<semaphore_mem>>
      %dma_wait3A_1423 = tpu.memref_squeeze %dma_wait3A_1422 : memref<1x!tpu.dma_semaphore, #tpu.memory_space<semaphore_mem>> -> memref<!tpu.dma_semaphore, #tpu.memory_space<semaphore_mem>>
      %dma_wait3A_1424 = arith.constant 0 : i32
      %dma_wait3A_1425 = arith.constant 0 : i32
      %dma_wait3A_1426 = tpu.memref_slice %arg6[%dma_wait3A_1413, %dma_wait3A_1424, %dma_wait3A_1425] : memref<7x128x128xf32, #tpu.memory_space<vmem>> -> memref<1x128x128xf32, #tpu.memory_space<vmem>>
      %dma_wait3A_1427 = tpu.memref_squeeze %dma_wait3A_1426 : memref<1x128x128xf32, #tpu.memory_space<vmem>> -> memref<128x128xf32, #tpu.memory_space<vmem>>
      %dma_wait3A_1428 = arith.constant 0 : i32
      %dma_wait3A_1429 = arith.constant 0 : i32
      %dma_wait3A_1430 = tpu.memref_slice %arg3[%dma_wait3A_1428, %dma_wait3A_1429] : memref<100000x128xf32, #tpu.memory_space<hbm>> -> memref<128x128xf32, #tpu.memory_space<hbm>>
      tpu.wait_dma2 semaphore(%dma_wait3A_1423 : memref<!tpu.dma_semaphore, #tpu.memory_space<semaphore_mem>>) src(%dma_wait3A_1430 : memref<128x128xf32, #tpu.memory_space<hbm>>) dst(%dma_wait3A_1427 : memref<128x128xf32, #tpu.memory_space<vmem>>)
      %add3A_1431 = arith.addi %mul3A_2, %add3A_1412 : i32
      %mul3A_1432 = arith.constant 128 : i32
      %mul3A_1433 = arith.muli %add3A_1431, %mul3A_1432 : i32
      %dma_start3A_1434 = arith.constant 4 : i32
      %dma_start3A_1435 = arith.constant 4 : i32
      %dma_start3A_1436 = arith.constant 0 : i32
      %dma_start3A_1437 = arith.constant 0 : i32
      %dma_start3A_1438 = tpu.memref_slice %arg6[%dma_start3A_1434, %dma_start3A_1436, %dma_start3A_1437] : memref<7x128x128xf32, #tpu.memory_space<vmem>> -> memref<1x128x128xf32, #tpu.memory_space<vmem>>
      %dma_start3A_1439 = tpu.memref_squeeze %dma_start3A_1438 : memref<1x128x128xf32, #tpu.memory_space<vmem>> -> memref<128x128xf32, #tpu.memory_space<vmem>>
      %dma_start3A_1440 = arith.constant 0 : i32
      %dma_start3A_1441 = tpu.memref_slice %arg4[%mul3A_1433, %dma_start3A_1440] : memref<204800x128xf32, #tpu.memory_space<hbm>> -> memref<128x128xf32, #tpu.memory_space<hbm>>
      %dma_start3A_1442 = tpu.memref_slice %arg8[%dma_start3A_1435] : memref<7x!tpu.dma_semaphore, #tpu.memory_space<semaphore_mem>> -> memref<1x!tpu.dma_semaphore, #tpu.memory_space<semaphore_mem>>
      %dma_start3A_1443 = tpu.memref_squeeze %dma_start3A_1442 : memref<1x!tpu.dma_semaphore, #tpu.memory_space<semaphore_mem>> -> memref<!tpu.dma_semaphore, #tpu.memory_space<semaphore_mem>>
      %dma_start3A_1444 = arith.constant 0 : i32
      %dma_start3A_1445 = tpu.memref_slice %arg4[%mul3A_1433, %dma_start3A_1444] : memref<204800x128xf32, #tpu.memory_space<hbm>> -> memref<128x128xf32, #tpu.memory_space<hbm>>
      %dma_start3A_1446 = arith.constant 0 : i32
      %dma_start3A_1447 = arith.constant 0 : i32
      %dma_start3A_1448 = tpu.memref_slice %arg6[%dma_start3A_1434, %dma_start3A_1446, %dma_start3A_1447] : memref<7x128x128xf32, #tpu.memory_space<vmem>> -> memref<1x128x128xf32, #tpu.memory_space<vmem>>
      %dma_start3A_1449 = tpu.memref_squeeze %dma_start3A_1448 : memref<1x128x128xf32, #tpu.memory_space<vmem>> -> memref<128x128xf32, #tpu.memory_space<vmem>>
      tpu.enqueue_dma source(%dma_start3A_1449 : memref<128x128xf32, #tpu.memory_space<vmem>>) target(%dma_start3A_1445 : memref<128x128xf32, #tpu.memory_space<hbm>>) target_semaphore(%dma_start3A_1443 : memref<!tpu.dma_semaphore, #tpu.memory_space<semaphore_mem>>)
      %dma_wait3A_1450 = arith.constant 3 : i32
      %dma_wait3A_1451 = arith.constant 3 : i32
      %dma_wait3A_1452 = arith.constant 0 : i32
      %dma_wait3A_1453 = arith.constant 0 : i32
      %dma_wait3A_1454 = tpu.memref_slice %arg6[%dma_wait3A_1450, %dma_wait3A_1452, %dma_wait3A_1453] : memref<7x128x128xf32, #tpu.memory_space<vmem>> -> memref<1x128x128xf32, #tpu.memory_space<vmem>>
      %dma_wait3A_1455 = tpu.memref_squeeze %dma_wait3A_1454 : memref<1x128x128xf32, #tpu.memory_space<vmem>> -> memref<128x128xf32, #tpu.memory_space<vmem>>
      %dma_wait3A_1456 = arith.constant 0 : i32
      %dma_wait3A_1457 = arith.constant 0 : i32
      %dma_wait3A_1458 = tpu.memref_slice %arg4[%dma_wait3A_1456, %dma_wait3A_1457] : memref<204800x128xf32, #tpu.memory_space<hbm>> -> memref<128x128xf32, #tpu.memory_space<hbm>>
      %dma_wait3A_1459 = tpu.memref_slice %arg8[%dma_wait3A_1451] : memref<7x!tpu.dma_semaphore, #tpu.memory_space<semaphore_mem>> -> memref<1x!tpu.dma_semaphore, #tpu.memory_space<semaphore_mem>>
      %dma_wait3A_1460 = tpu.memref_squeeze %dma_wait3A_1459 : memref<1x!tpu.dma_semaphore, #tpu.memory_space<semaphore_mem>> -> memref<!tpu.dma_semaphore, #tpu.memory_space<semaphore_mem>>
      %dma_wait3A_1461 = arith.constant 0 : i32
      %dma_wait3A_1462 = arith.constant 0 : i32
      %dma_wait3A_1463 = tpu.memref_slice %arg4[%dma_wait3A_1461, %dma_wait3A_1462] : memref<204800x128xf32, #tpu.memory_space<hbm>> -> memref<128x128xf32, #tpu.memory_space<hbm>>
      %dma_wait3A_1464 = arith.constant 0 : i32
      %dma_wait3A_1465 = arith.constant 0 : i32
      %dma_wait3A_1466 = tpu.memref_slice %arg6[%dma_wait3A_1450, %dma_wait3A_1464, %dma_wait3A_1465] : memref<7x128x128xf32, #tpu.memory_space<vmem>> -> memref<1x128x128xf32, #tpu.memory_space<vmem>>
      %dma_wait3A_1467 = tpu.memref_squeeze %dma_wait3A_1466 : memref<1x128x128xf32, #tpu.memory_space<vmem>> -> memref<128x128xf32, #tpu.memory_space<vmem>>
      tpu.wait_dma2 semaphore(%dma_wait3A_1460 : memref<!tpu.dma_semaphore, #tpu.memory_space<semaphore_mem>>) src(%dma_wait3A_1467 : memref<128x128xf32, #tpu.memory_space<vmem>>) dst(%dma_wait3A_1463 : memref<128x128xf32, #tpu.memory_space<hbm>>)
      %add3A_1468 = arith.constant 6 : i32
      %add3A_1469 = arith.addi %add3A_1412, %add3A_1468 : i32
      %mul3A_1470 = arith.constant 128 : i32
      %mul3A_1471 = arith.muli %add3A_1469, %mul3A_1470 : i32
      %add3A_1472 = arith.constant 0 : i32
      %add3A_1473 = arith.addi %mul3A_1471, %add3A_1472 : i32
      %dma_start3A_1474 = arith.constant 3 : i32
      %dma_start3A_1475 = arith.constant 3 : i32
      %dma_start3A_1476 = arith.constant 0 : i32
      %dma_start3A_1477 = arith.constant 0 : i32
      %dma_start3A_1478 = tpu.memref_slice %arg6[%dma_start3A_1474, %dma_start3A_1476, %dma_start3A_1477] : memref<7x128x128xf32, #tpu.memory_space<vmem>> -> memref<1x128x128xf32, #tpu.memory_space<vmem>>
      %dma_start3A_1479 = tpu.memref_squeeze %dma_start3A_1478 : memref<1x128x128xf32, #tpu.memory_space<vmem>> -> memref<128x128xf32, #tpu.memory_space<vmem>>
      %dma_start3A_1480 = arith.constant 0 : i32
      %dma_start3A_1481 = arith.constant 0 : i32
      %dma_start3A_1482 = tpu.memref_slice %dma_start3A_1479[%dma_start3A_1480, %dma_start3A_1481] : memref<128x128xf32, #tpu.memory_space<vmem>> -> memref<128x128xf32, #tpu.memory_space<vmem>>
      %dma_start3A_1483 = tpu.memref_slice %arg5[%add3A_1473] : memref<6400xi32, #tpu.memory_space<vmem>> -> memref<128xi32, #tpu.memory_space<vmem>>
      %dma_start3A_1484 = arith.constant 0 : i32
      %dma_start3A_1485 = arith.constant 0 : i32
      %dma_start3A_1486 = tpu.memref_slice %arg3[%dma_start3A_1484, %dma_start3A_1485] : memref<100000x128xf32, #tpu.memory_space<hbm>> -> memref<100000x128xf32, #tpu.memory_space<hbm>>
      %dma_start3A_1487 = tpu.memref_slice %arg7[%dma_start3A_1475] : memref<7x!tpu.dma_semaphore, #tpu.memory_space<semaphore_mem>> -> memref<1x!tpu.dma_semaphore, #tpu.memory_space<semaphore_mem>>
      %dma_start3A_1488 = tpu.memref_squeeze %dma_start3A_1487 : memref<1x!tpu.dma_semaphore, #tpu.memory_space<semaphore_mem>> -> memref<!tpu.dma_semaphore, #tpu.memory_space<semaphore_mem>>
      tpu.enqueue_indirect_dma source(%dma_start3A_1486 : memref<100000x128xf32, #tpu.memory_space<hbm>>) target(%dma_start3A_1482 : memref<128x128xf32, #tpu.memory_space<vmem>>) offsets(%dma_start3A_1483 : memref<128xi32, #tpu.memory_space<vmem>>) semaphore(%dma_start3A_1488 : memref<!tpu.dma_semaphore, #tpu.memory_space<semaphore_mem>>)
      %mul3A_1489 = arith.constant 7 : i32
      %mul3A_1490 = arith.muli %mul3A_1489, %scan3A_1088 : i32
      %add3A_1491 = arith.constant 5 : i32
      %add3A_1492 = arith.addi %mul3A_1490, %add3A_1491 : i32
      %dma_wait3A_1493 = arith.constant 5 : i32
      %dma_wait3A_1494 = arith.constant 5 : i32
      %dma_wait3A_1495 = arith.constant 0 : i32
      %dma_wait3A_1496 = arith.constant 0 : i32
      %dma_wait3A_1497 = tpu.memref_slice %arg6[%dma_wait3A_1493, %dma_wait3A_1495, %dma_wait3A_1496] : memref<7x128x128xf32, #tpu.memory_space<vmem>> -> memref<1x128x128xf32, #tpu.memory_space<vmem>>
      %dma_wait3A_1498 = tpu.memref_squeeze %dma_wait3A_1497 : memref<1x128x128xf32, #tpu.memory_space<vmem>> -> memref<128x128xf32, #tpu.memory_space<vmem>>
      %dma_wait3A_1499 = arith.constant 0 : i32
      %dma_wait3A_1500 = arith.constant 0 : i32
      %dma_wait3A_1501 = tpu.memref_slice %arg3[%dma_wait3A_1499, %dma_wait3A_1500] : memref<100000x128xf32, #tpu.memory_space<hbm>> -> memref<128x128xf32, #tpu.memory_space<hbm>>
      %dma_wait3A_1502 = tpu.memref_slice %arg7[%dma_wait3A_1494] : memref<7x!tpu.dma_semaphore, #tpu.memory_space<semaphore_mem>> -> memref<1x!tpu.dma_semaphore, #tpu.memory_space<semaphore_mem>>
      %dma_wait3A_1503 = tpu.memref_squeeze %dma_wait3A_1502 : memref<1x!tpu.dma_semaphore, #tpu.memory_space<semaphore_mem>> -> memref<!tpu.dma_semaphore, #tpu.memory_space<semaphore_mem>>
      %dma_wait3A_1504 = arith.constant 0 : i32
      %dma_wait3A_1505 = arith.constant 0 : i32
      %dma_wait3A_1506 = tpu.memref_slice %arg6[%dma_wait3A_1493, %dma_wait3A_1504, %dma_wait3A_1505] : memref<7x128x128xf32, #tpu.memory_space<vmem>> -> memref<1x128x128xf32, #tpu.memory_space<vmem>>
      %dma_wait3A_1507 = tpu.memref_squeeze %dma_wait3A_1506 : memref<1x128x128xf32, #tpu.memory_space<vmem>> -> memref<128x128xf32, #tpu.memory_space<vmem>>
      %dma_wait3A_1508 = arith.constant 0 : i32
      %dma_wait3A_1509 = arith.constant 0 : i32
      %dma_wait3A_1510 = tpu.memref_slice %arg3[%dma_wait3A_1508, %dma_wait3A_1509] : memref<100000x128xf32, #tpu.memory_space<hbm>> -> memref<128x128xf32, #tpu.memory_space<hbm>>
      tpu.wait_dma2 semaphore(%dma_wait3A_1503 : memref<!tpu.dma_semaphore, #tpu.memory_space<semaphore_mem>>) src(%dma_wait3A_1510 : memref<128x128xf32, #tpu.memory_space<hbm>>) dst(%dma_wait3A_1507 : memref<128x128xf32, #tpu.memory_space<vmem>>)
      %add3A_1511 = arith.addi %mul3A_2, %add3A_1492 : i32
      %mul3A_1512 = arith.constant 128 : i32
      %mul3A_1513 = arith.muli %add3A_1511, %mul3A_1512 : i32
      %dma_start3A_1514 = arith.constant 5 : i32
      %dma_start3A_1515 = arith.constant 5 : i32
      %dma_start3A_1516 = arith.constant 0 : i32
      %dma_start3A_1517 = arith.constant 0 : i32
      %dma_start3A_1518 = tpu.memref_slice %arg6[%dma_start3A_1514, %dma_start3A_1516, %dma_start3A_1517] : memref<7x128x128xf32, #tpu.memory_space<vmem>> -> memref<1x128x128xf32, #tpu.memory_space<vmem>>
      %dma_start3A_1519 = tpu.memref_squeeze %dma_start3A_1518 : memref<1x128x128xf32, #tpu.memory_space<vmem>> -> memref<128x128xf32, #tpu.memory_space<vmem>>
      %dma_start3A_1520 = arith.constant 0 : i32
      %dma_start3A_1521 = tpu.memref_slice %arg4[%mul3A_1513, %dma_start3A_1520] : memref<204800x128xf32, #tpu.memory_space<hbm>> -> memref<128x128xf32, #tpu.memory_space<hbm>>
      %dma_start3A_1522 = tpu.memref_slice %arg8[%dma_start3A_1515] : memref<7x!tpu.dma_semaphore, #tpu.memory_space<semaphore_mem>> -> memref<1x!tpu.dma_semaphore, #tpu.memory_space<semaphore_mem>>
      %dma_start3A_1523 = tpu.memref_squeeze %dma_start3A_1522 : memref<1x!tpu.dma_semaphore, #tpu.memory_space<semaphore_mem>> -> memref<!tpu.dma_semaphore, #tpu.memory_space<semaphore_mem>>
      %dma_start3A_1524 = arith.constant 0 : i32
      %dma_start3A_1525 = tpu.memref_slice %arg4[%mul3A_1513, %dma_start3A_1524] : memref<204800x128xf32, #tpu.memory_space<hbm>> -> memref<128x128xf32, #tpu.memory_space<hbm>>
      %dma_start3A_1526 = arith.constant 0 : i32
      %dma_start3A_1527 = arith.constant 0 : i32
      %dma_start3A_1528 = tpu.memref_slice %arg6[%dma_start3A_1514, %dma_start3A_1526, %dma_start3A_1527] : memref<7x128x128xf32, #tpu.memory_space<vmem>> -> memref<1x128x128xf32, #tpu.memory_space<vmem>>
      %dma_start3A_1529 = tpu.memref_squeeze %dma_start3A_1528 : memref<1x128x128xf32, #tpu.memory_space<vmem>> -> memref<128x128xf32, #tpu.memory_space<vmem>>
      tpu.enqueue_dma source(%dma_start3A_1529 : memref<128x128xf32, #tpu.memory_space<vmem>>) target(%dma_start3A_1525 : memref<128x128xf32, #tpu.memory_space<hbm>>) target_semaphore(%dma_start3A_1523 : memref<!tpu.dma_semaphore, #tpu.memory_space<semaphore_mem>>)
      %dma_wait3A_1530 = arith.constant 4 : i32
      %dma_wait3A_1531 = arith.constant 4 : i32
      %dma_wait3A_1532 = arith.constant 0 : i32
      %dma_wait3A_1533 = arith.constant 0 : i32
      %dma_wait3A_1534 = tpu.memref_slice %arg6[%dma_wait3A_1530, %dma_wait3A_1532, %dma_wait3A_1533] : memref<7x128x128xf32, #tpu.memory_space<vmem>> -> memref<1x128x128xf32, #tpu.memory_space<vmem>>
      %dma_wait3A_1535 = tpu.memref_squeeze %dma_wait3A_1534 : memref<1x128x128xf32, #tpu.memory_space<vmem>> -> memref<128x128xf32, #tpu.memory_space<vmem>>
      %dma_wait3A_1536 = arith.constant 0 : i32
      %dma_wait3A_1537 = arith.constant 0 : i32
      %dma_wait3A_1538 = tpu.memref_slice %arg4[%dma_wait3A_1536, %dma_wait3A_1537] : memref<204800x128xf32, #tpu.memory_space<hbm>> -> memref<128x128xf32, #tpu.memory_space<hbm>>
      %dma_wait3A_1539 = tpu.memref_slice %arg8[%dma_wait3A_1531] : memref<7x!tpu.dma_semaphore, #tpu.memory_space<semaphore_mem>> -> memref<1x!tpu.dma_semaphore, #tpu.memory_space<semaphore_mem>>
      %dma_wait3A_1540 = tpu.memref_squeeze %dma_wait3A_1539 : memref<1x!tpu.dma_semaphore, #tpu.memory_space<semaphore_mem>> -> memref<!tpu.dma_semaphore, #tpu.memory_space<semaphore_mem>>
      %dma_wait3A_1541 = arith.constant 0 : i32
      %dma_wait3A_1542 = arith.constant 0 : i32
      %dma_wait3A_1543 = tpu.memref_slice %arg4[%dma_wait3A_1541, %dma_wait3A_1542] : memref<204800x128xf32, #tpu.memory_space<hbm>> -> memref<128x128xf32, #tpu.memory_space<hbm>>
      %dma_wait3A_1544 = arith.constant 0 : i32
      %dma_wait3A_1545 = arith.constant 0 : i32
      %dma_wait3A_1546 = tpu.memref_slice %arg6[%dma_wait3A_1530, %dma_wait3A_1544, %dma_wait3A_1545] : memref<7x128x128xf32, #tpu.memory_space<vmem>> -> memref<1x128x128xf32, #tpu.memory_space<vmem>>
      %dma_wait3A_1547 = tpu.memref_squeeze %dma_wait3A_1546 : memref<1x128x128xf32, #tpu.memory_space<vmem>> -> memref<128x128xf32, #tpu.memory_space<vmem>>
      tpu.wait_dma2 semaphore(%dma_wait3A_1540 : memref<!tpu.dma_semaphore, #tpu.memory_space<semaphore_mem>>) src(%dma_wait3A_1547 : memref<128x128xf32, #tpu.memory_space<vmem>>) dst(%dma_wait3A_1543 : memref<128x128xf32, #tpu.memory_space<hbm>>)
      %add3A_1548 = arith.constant 6 : i32
      %add3A_1549 = arith.addi %add3A_1492, %add3A_1548 : i32
      %mul3A_1550 = arith.constant 128 : i32
      %mul3A_1551 = arith.muli %add3A_1549, %mul3A_1550 : i32
      %add3A_1552 = arith.constant 0 : i32
      %add3A_1553 = arith.addi %mul3A_1551, %add3A_1552 : i32
      %dma_start3A_1554 = arith.constant 4 : i32
      %dma_start3A_1555 = arith.constant 4 : i32
      %dma_start3A_1556 = arith.constant 0 : i32
      %dma_start3A_1557 = arith.constant 0 : i32
      %dma_start3A_1558 = tpu.memref_slice %arg6[%dma_start3A_1554, %dma_start3A_1556, %dma_start3A_1557] : memref<7x128x128xf32, #tpu.memory_space<vmem>> -> memref<1x128x128xf32, #tpu.memory_space<vmem>>
      %dma_start3A_1559 = tpu.memref_squeeze %dma_start3A_1558 : memref<1x128x128xf32, #tpu.memory_space<vmem>> -> memref<128x128xf32, #tpu.memory_space<vmem>>
      %dma_start3A_1560 = arith.constant 0 : i32
      %dma_start3A_1561 = arith.constant 0 : i32
      %dma_start3A_1562 = tpu.memref_slice %dma_start3A_1559[%dma_start3A_1560, %dma_start3A_1561] : memref<128x128xf32, #tpu.memory_space<vmem>> -> memref<128x128xf32, #tpu.memory_space<vmem>>
      %dma_start3A_1563 = tpu.memref_slice %arg5[%add3A_1553] : memref<6400xi32, #tpu.memory_space<vmem>> -> memref<128xi32, #tpu.memory_space<vmem>>
      %dma_start3A_1564 = arith.constant 0 : i32
      %dma_start3A_1565 = arith.constant 0 : i32
      %dma_start3A_1566 = tpu.memref_slice %arg3[%dma_start3A_1564, %dma_start3A_1565] : memref<100000x128xf32, #tpu.memory_space<hbm>> -> memref<100000x128xf32, #tpu.memory_space<hbm>>
      %dma_start3A_1567 = tpu.memref_slice %arg7[%dma_start3A_1555] : memref<7x!tpu.dma_semaphore, #tpu.memory_space<semaphore_mem>> -> memref<1x!tpu.dma_semaphore, #tpu.memory_space<semaphore_mem>>
      %dma_start3A_1568 = tpu.memref_squeeze %dma_start3A_1567 : memref<1x!tpu.dma_semaphore, #tpu.memory_space<semaphore_mem>> -> memref<!tpu.dma_semaphore, #tpu.memory_space<semaphore_mem>>
      tpu.enqueue_indirect_dma source(%dma_start3A_1566 : memref<100000x128xf32, #tpu.memory_space<hbm>>) target(%dma_start3A_1562 : memref<128x128xf32, #tpu.memory_space<vmem>>) offsets(%dma_start3A_1563 : memref<128xi32, #tpu.memory_space<vmem>>) semaphore(%dma_start3A_1568 : memref<!tpu.dma_semaphore, #tpu.memory_space<semaphore_mem>>)
      %mul3A_1569 = arith.constant 7 : i32
      %mul3A_1570 = arith.muli %mul3A_1569, %scan3A_1088 : i32
      %add3A_1571 = arith.constant 6 : i32
      %add3A_1572 = arith.addi %mul3A_1570, %add3A_1571 : i32
      %dma_wait3A_1573 = arith.constant 6 : i32
      %dma_wait3A_1574 = arith.constant 6 : i32
      %dma_wait3A_1575 = arith.constant 0 : i32
      %dma_wait3A_1576 = arith.constant 0 : i32
      %dma_wait3A_1577 = tpu.memref_slice %arg6[%dma_wait3A_1573, %dma_wait3A_1575, %dma_wait3A_1576] : memref<7x128x128xf32, #tpu.memory_space<vmem>> -> memref<1x128x128xf32, #tpu.memory_space<vmem>>
      %dma_wait3A_1578 = tpu.memref_squeeze %dma_wait3A_1577 : memref<1x128x128xf32, #tpu.memory_space<vmem>> -> memref<128x128xf32, #tpu.memory_space<vmem>>
      %dma_wait3A_1579 = arith.constant 0 : i32
      %dma_wait3A_1580 = arith.constant 0 : i32
      %dma_wait3A_1581 = tpu.memref_slice %arg3[%dma_wait3A_1579, %dma_wait3A_1580] : memref<100000x128xf32, #tpu.memory_space<hbm>> -> memref<128x128xf32, #tpu.memory_space<hbm>>
      %dma_wait3A_1582 = tpu.memref_slice %arg7[%dma_wait3A_1574] : memref<7x!tpu.dma_semaphore, #tpu.memory_space<semaphore_mem>> -> memref<1x!tpu.dma_semaphore, #tpu.memory_space<semaphore_mem>>
      %dma_wait3A_1583 = tpu.memref_squeeze %dma_wait3A_1582 : memref<1x!tpu.dma_semaphore, #tpu.memory_space<semaphore_mem>> -> memref<!tpu.dma_semaphore, #tpu.memory_space<semaphore_mem>>
      %dma_wait3A_1584 = arith.constant 0 : i32
      %dma_wait3A_1585 = arith.constant 0 : i32
      %dma_wait3A_1586 = tpu.memref_slice %arg6[%dma_wait3A_1573, %dma_wait3A_1584, %dma_wait3A_1585] : memref<7x128x128xf32, #tpu.memory_space<vmem>> -> memref<1x128x128xf32, #tpu.memory_space<vmem>>
      %dma_wait3A_1587 = tpu.memref_squeeze %dma_wait3A_1586 : memref<1x128x128xf32, #tpu.memory_space<vmem>> -> memref<128x128xf32, #tpu.memory_space<vmem>>
      %dma_wait3A_1588 = arith.constant 0 : i32
      %dma_wait3A_1589 = arith.constant 0 : i32
      %dma_wait3A_1590 = tpu.memref_slice %arg3[%dma_wait3A_1588, %dma_wait3A_1589] : memref<100000x128xf32, #tpu.memory_space<hbm>> -> memref<128x128xf32, #tpu.memory_space<hbm>>
      tpu.wait_dma2 semaphore(%dma_wait3A_1583 : memref<!tpu.dma_semaphore, #tpu.memory_space<semaphore_mem>>) src(%dma_wait3A_1590 : memref<128x128xf32, #tpu.memory_space<hbm>>) dst(%dma_wait3A_1587 : memref<128x128xf32, #tpu.memory_space<vmem>>)
      %add3A_1591 = arith.addi %mul3A_2, %add3A_1572 : i32
      %mul3A_1592 = arith.constant 128 : i32
      %mul3A_1593 = arith.muli %add3A_1591, %mul3A_1592 : i32
      %dma_start3A_1594 = arith.constant 6 : i32
      %dma_start3A_1595 = arith.constant 6 : i32
      %dma_start3A_1596 = arith.constant 0 : i32
      %dma_start3A_1597 = arith.constant 0 : i32
      %dma_start3A_1598 = tpu.memref_slice %arg6[%dma_start3A_1594, %dma_start3A_1596, %dma_start3A_1597] : memref<7x128x128xf32, #tpu.memory_space<vmem>> -> memref<1x128x128xf32, #tpu.memory_space<vmem>>
      %dma_start3A_1599 = tpu.memref_squeeze %dma_start3A_1598 : memref<1x128x128xf32, #tpu.memory_space<vmem>> -> memref<128x128xf32, #tpu.memory_space<vmem>>
      %dma_start3A_1600 = arith.constant 0 : i32
      %dma_start3A_1601 = tpu.memref_slice %arg4[%mul3A_1593, %dma_start3A_1600] : memref<204800x128xf32, #tpu.memory_space<hbm>> -> memref<128x128xf32, #tpu.memory_space<hbm>>
      %dma_start3A_1602 = tpu.memref_slice %arg8[%dma_start3A_1595] : memref<7x!tpu.dma_semaphore, #tpu.memory_space<semaphore_mem>> -> memref<1x!tpu.dma_semaphore, #tpu.memory_space<semaphore_mem>>
      %dma_start3A_1603 = tpu.memref_squeeze %dma_start3A_1602 : memref<1x!tpu.dma_semaphore, #tpu.memory_space<semaphore_mem>> -> memref<!tpu.dma_semaphore, #tpu.memory_space<semaphore_mem>>
      %dma_start3A_1604 = arith.constant 0 : i32
      %dma_start3A_1605 = tpu.memref_slice %arg4[%mul3A_1593, %dma_start3A_1604] : memref<204800x128xf32, #tpu.memory_space<hbm>> -> memref<128x128xf32, #tpu.memory_space<hbm>>
      %dma_start3A_1606 = arith.constant 0 : i32
      %dma_start3A_1607 = arith.constant 0 : i32
      %dma_start3A_1608 = tpu.memref_slice %arg6[%dma_start3A_1594, %dma_start3A_1606, %dma_start3A_1607] : memref<7x128x128xf32, #tpu.memory_space<vmem>> -> memref<1x128x128xf32, #tpu.memory_space<vmem>>
      %dma_start3A_1609 = tpu.memref_squeeze %dma_start3A_1608 : memref<1x128x128xf32, #tpu.memory_space<vmem>> -> memref<128x128xf32, #tpu.memory_space<vmem>>
      tpu.enqueue_dma source(%dma_start3A_1609 : memref<128x128xf32, #tpu.memory_space<vmem>>) target(%dma_start3A_1605 : memref<128x128xf32, #tpu.memory_space<hbm>>) target_semaphore(%dma_start3A_1603 : memref<!tpu.dma_semaphore, #tpu.memory_space<semaphore_mem>>)
      %dma_wait3A_1610 = arith.constant 5 : i32
      %dma_wait3A_1611 = arith.constant 5 : i32
      %dma_wait3A_1612 = arith.constant 0 : i32
      %dma_wait3A_1613 = arith.constant 0 : i32
      %dma_wait3A_1614 = tpu.memref_slice %arg6[%dma_wait3A_1610, %dma_wait3A_1612, %dma_wait3A_1613] : memref<7x128x128xf32, #tpu.memory_space<vmem>> -> memref<1x128x128xf32, #tpu.memory_space<vmem>>
      %dma_wait3A_1615 = tpu.memref_squeeze %dma_wait3A_1614 : memref<1x128x128xf32, #tpu.memory_space<vmem>> -> memref<128x128xf32, #tpu.memory_space<vmem>>
      %dma_wait3A_1616 = arith.constant 0 : i32
      %dma_wait3A_1617 = arith.constant 0 : i32
      %dma_wait3A_1618 = tpu.memref_slice %arg4[%dma_wait3A_1616, %dma_wait3A_1617] : memref<204800x128xf32, #tpu.memory_space<hbm>> -> memref<128x128xf32, #tpu.memory_space<hbm>>
      %dma_wait3A_1619 = tpu.memref_slice %arg8[%dma_wait3A_1611] : memref<7x!tpu.dma_semaphore, #tpu.memory_space<semaphore_mem>> -> memref<1x!tpu.dma_semaphore, #tpu.memory_space<semaphore_mem>>
      %dma_wait3A_1620 = tpu.memref_squeeze %dma_wait3A_1619 : memref<1x!tpu.dma_semaphore, #tpu.memory_space<semaphore_mem>> -> memref<!tpu.dma_semaphore, #tpu.memory_space<semaphore_mem>>
      %dma_wait3A_1621 = arith.constant 0 : i32
      %dma_wait3A_1622 = arith.constant 0 : i32
      %dma_wait3A_1623 = tpu.memref_slice %arg4[%dma_wait3A_1621, %dma_wait3A_1622] : memref<204800x128xf32, #tpu.memory_space<hbm>> -> memref<128x128xf32, #tpu.memory_space<hbm>>
      %dma_wait3A_1624 = arith.constant 0 : i32
      %dma_wait3A_1625 = arith.constant 0 : i32
      %dma_wait3A_1626 = tpu.memref_slice %arg6[%dma_wait3A_1610, %dma_wait3A_1624, %dma_wait3A_1625] : memref<7x128x128xf32, #tpu.memory_space<vmem>> -> memref<1x128x128xf32, #tpu.memory_space<vmem>>
      %dma_wait3A_1627 = tpu.memref_squeeze %dma_wait3A_1626 : memref<1x128x128xf32, #tpu.memory_space<vmem>> -> memref<128x128xf32, #tpu.memory_space<vmem>>
      tpu.wait_dma2 semaphore(%dma_wait3A_1620 : memref<!tpu.dma_semaphore, #tpu.memory_space<semaphore_mem>>) src(%dma_wait3A_1627 : memref<128x128xf32, #tpu.memory_space<vmem>>) dst(%dma_wait3A_1623 : memref<128x128xf32, #tpu.memory_space<hbm>>)
      %add3A_1628 = arith.constant 6 : i32
      %add3A_1629 = arith.addi %add3A_1572, %add3A_1628 : i32
      %mul3A_1630 = arith.constant 128 : i32
      %mul3A_1631 = arith.muli %add3A_1629, %mul3A_1630 : i32
      %add3A_1632 = arith.constant 0 : i32
      %add3A_1633 = arith.addi %mul3A_1631, %add3A_1632 : i32
      %dma_start3A_1634 = arith.constant 5 : i32
      %dma_start3A_1635 = arith.constant 5 : i32
      %dma_start3A_1636 = arith.constant 0 : i32
      %dma_start3A_1637 = arith.constant 0 : i32
      %dma_start3A_1638 = tpu.memref_slice %arg6[%dma_start3A_1634, %dma_start3A_1636, %dma_start3A_1637] : memref<7x128x128xf32, #tpu.memory_space<vmem>> -> memref<1x128x128xf32, #tpu.memory_space<vmem>>
      %dma_start3A_1639 = tpu.memref_squeeze %dma_start3A_1638 : memref<1x128x128xf32, #tpu.memory_space<vmem>> -> memref<128x128xf32, #tpu.memory_space<vmem>>
      %dma_start3A_1640 = arith.constant 0 : i32
      %dma_start3A_1641 = arith.constant 0 : i32
      %dma_start3A_1642 = tpu.memref_slice %dma_start3A_1639[%dma_start3A_1640, %dma_start3A_1641] : memref<128x128xf32, #tpu.memory_space<vmem>> -> memref<128x128xf32, #tpu.memory_space<vmem>>
      %dma_start3A_1643 = tpu.memref_slice %arg5[%add3A_1633] : memref<6400xi32, #tpu.memory_space<vmem>> -> memref<128xi32, #tpu.memory_space<vmem>>
      %dma_start3A_1644 = arith.constant 0 : i32
      %dma_start3A_1645 = arith.constant 0 : i32
      %dma_start3A_1646 = tpu.memref_slice %arg3[%dma_start3A_1644, %dma_start3A_1645] : memref<100000x128xf32, #tpu.memory_space<hbm>> -> memref<100000x128xf32, #tpu.memory_space<hbm>>
      %dma_start3A_1647 = tpu.memref_slice %arg7[%dma_start3A_1635] : memref<7x!tpu.dma_semaphore, #tpu.memory_space<semaphore_mem>> -> memref<1x!tpu.dma_semaphore, #tpu.memory_space<semaphore_mem>>
      %dma_start3A_1648 = tpu.memref_squeeze %dma_start3A_1647 : memref<1x!tpu.dma_semaphore, #tpu.memory_space<semaphore_mem>> -> memref<!tpu.dma_semaphore, #tpu.memory_space<semaphore_mem>>
      tpu.enqueue_indirect_dma source(%dma_start3A_1646 : memref<100000x128xf32, #tpu.memory_space<hbm>>) target(%dma_start3A_1642 : memref<128x128xf32, #tpu.memory_space<vmem>>) offsets(%dma_start3A_1643 : memref<128xi32, #tpu.memory_space<vmem>>) semaphore(%dma_start3A_1648 : memref<!tpu.dma_semaphore, #tpu.memory_space<semaphore_mem>>)
    }
    %scan3A_589 = arith.constant 5 : i32
    %dma_wait3A_590 = arith.constant 0 : i32
    %dma_wait3A_591 = arith.constant 0 : i32
    %dma_wait3A_592 = arith.constant 0 : i32
    %dma_wait3A_593 = arith.constant 0 : i32
    %dma_wait3A_594 = tpu.memref_slice %arg6[%dma_wait3A_590, %dma_wait3A_592, %dma_wait3A_593] : memref<7x128x128xf32, #tpu.memory_space<vmem>> -> memref<1x128x128xf32, #tpu.memory_space<vmem>>
    %dma_wait3A_595 = tpu.memref_squeeze %dma_wait3A_594 : memref<1x128x128xf32, #tpu.memory_space<vmem>> -> memref<128x128xf32, #tpu.memory_space<vmem>>
    %dma_wait3A_596 = arith.constant 0 : i32
    %dma_wait3A_597 = arith.constant 0 : i32
    %dma_wait3A_598 = tpu.memref_slice %arg3[%dma_wait3A_596, %dma_wait3A_597] : memref<100000x128xf32, #tpu.memory_space<hbm>> -> memref<128x128xf32, #tpu.memory_space<hbm>>
    %dma_wait3A_599 = tpu.memref_slice %arg7[%dma_wait3A_591] : memref<7x!tpu.dma_semaphore, #tpu.memory_space<semaphore_mem>> -> memref<1x!tpu.dma_semaphore, #tpu.memory_space<semaphore_mem>>
    %dma_wait3A_600 = tpu.memref_squeeze %dma_wait3A_599 : memref<1x!tpu.dma_semaphore, #tpu.memory_space<semaphore_mem>> -> memref<!tpu.dma_semaphore, #tpu.memory_space<semaphore_mem>>
    %dma_wait3A_601 = arith.constant 0 : i32
    %dma_wait3A_602 = arith.constant 0 : i32
    %dma_wait3A_603 = tpu.memref_slice %arg6[%dma_wait3A_590, %dma_wait3A_601, %dma_wait3A_602] : memref<7x128x128xf32, #tpu.memory_space<vmem>> -> memref<1x128x128xf32, #tpu.memory_space<vmem>>
    %dma_wait3A_604 = tpu.memref_squeeze %dma_wait3A_603 : memref<1x128x128xf32, #tpu.memory_space<vmem>> -> memref<128x128xf32, #tpu.memory_space<vmem>>
    %dma_wait3A_605 = arith.constant 0 : i32
    %dma_wait3A_606 = arith.constant 0 : i32
    %dma_wait3A_607 = tpu.memref_slice %arg3[%dma_wait3A_605, %dma_wait3A_606] : memref<100000x128xf32, #tpu.memory_space<hbm>> -> memref<128x128xf32, #tpu.memory_space<hbm>>
    tpu.wait_dma2 semaphore(%dma_wait3A_600 : memref<!tpu.dma_semaphore, #tpu.memory_space<semaphore_mem>>) src(%dma_wait3A_607 : memref<128x128xf32, #tpu.memory_space<hbm>>) dst(%dma_wait3A_604 : memref<128x128xf32, #tpu.memory_space<vmem>>)
    %add3A_608 = arith.constant 42 : i32
    %add3A_609 = arith.addi %mul3A_2, %add3A_608 : i32
    %mul3A_610 = arith.constant 128 : i32
    %mul3A_611 = arith.muli %add3A_609, %mul3A_610 : i32
    %dma_start3A_612 = arith.constant 0 : i32
    %dma_start3A_613 = arith.constant 0 : i32
    %dma_start3A_614 = arith.constant 0 : i32
    %dma_start3A_615 = arith.constant 0 : i32
    %dma_start3A_616 = tpu.memref_slice %arg6[%dma_start3A_612, %dma_start3A_614, %dma_start3A_615] : memref<7x128x128xf32, #tpu.memory_space<vmem>> -> memref<1x128x128xf32, #tpu.memory_space<vmem>>
    %dma_start3A_617 = tpu.memref_squeeze %dma_start3A_616 : memref<1x128x128xf32, #tpu.memory_space<vmem>> -> memref<128x128xf32, #tpu.memory_space<vmem>>
    %dma_start3A_618 = arith.constant 0 : i32
    %dma_start3A_619 = tpu.memref_slice %arg4[%mul3A_611, %dma_start3A_618] : memref<204800x128xf32, #tpu.memory_space<hbm>> -> memref<128x128xf32, #tpu.memory_space<hbm>>
    %dma_start3A_620 = tpu.memref_slice %arg8[%dma_start3A_613] : memref<7x!tpu.dma_semaphore, #tpu.memory_space<semaphore_mem>> -> memref<1x!tpu.dma_semaphore, #tpu.memory_space<semaphore_mem>>
    %dma_start3A_621 = tpu.memref_squeeze %dma_start3A_620 : memref<1x!tpu.dma_semaphore, #tpu.memory_space<semaphore_mem>> -> memref<!tpu.dma_semaphore, #tpu.memory_space<semaphore_mem>>
    %dma_start3A_622 = arith.constant 0 : i32
    %dma_start3A_623 = tpu.memref_slice %arg4[%mul3A_611, %dma_start3A_622] : memref<204800x128xf32, #tpu.memory_space<hbm>> -> memref<128x128xf32, #tpu.memory_space<hbm>>
    %dma_start3A_624 = arith.constant 0 : i32
    %dma_start3A_625 = arith.constant 0 : i32
    %dma_start3A_626 = tpu.memref_slice %arg6[%dma_start3A_612, %dma_start3A_624, %dma_start3A_625] : memref<7x128x128xf32, #tpu.memory_space<vmem>> -> memref<1x128x128xf32, #tpu.memory_space<vmem>>
    %dma_start3A_627 = tpu.memref_squeeze %dma_start3A_626 : memref<1x128x128xf32, #tpu.memory_space<vmem>> -> memref<128x128xf32, #tpu.memory_space<vmem>>
    tpu.enqueue_dma source(%dma_start3A_627 : memref<128x128xf32, #tpu.memory_space<vmem>>) target(%dma_start3A_623 : memref<128x128xf32, #tpu.memory_space<hbm>>) target_semaphore(%dma_start3A_621 : memref<!tpu.dma_semaphore, #tpu.memory_space<semaphore_mem>>)
    %dma_wait3A_628 = arith.constant 6 : i32
    %dma_wait3A_629 = arith.constant 6 : i32
    %dma_wait3A_630 = arith.constant 0 : i32
    %dma_wait3A_631 = arith.constant 0 : i32
    %dma_wait3A_632 = tpu.memref_slice %arg6[%dma_wait3A_628, %dma_wait3A_630, %dma_wait3A_631] : memref<7x128x128xf32, #tpu.memory_space<vmem>> -> memref<1x128x128xf32, #tpu.memory_space<vmem>>
    %dma_wait3A_633 = tpu.memref_squeeze %dma_wait3A_632 : memref<1x128x128xf32, #tpu.memory_space<vmem>> -> memref<128x128xf32, #tpu.memory_space<vmem>>
    %dma_wait3A_634 = arith.constant 0 : i32
    %dma_wait3A_635 = arith.constant 0 : i32
    %dma_wait3A_636 = tpu.memref_slice %arg4[%dma_wait3A_634, %dma_wait3A_635] : memref<204800x128xf32, #tpu.memory_space<hbm>> -> memref<128x128xf32, #tpu.memory_space<hbm>>
    %dma_wait3A_637 = tpu.memref_slice %arg8[%dma_wait3A_629] : memref<7x!tpu.dma_semaphore, #tpu.memory_space<semaphore_mem>> -> memref<1x!tpu.dma_semaphore, #tpu.memory_space<semaphore_mem>>
    %dma_wait3A_638 = tpu.memref_squeeze %dma_wait3A_637 : memref<1x!tpu.dma_semaphore, #tpu.memory_space<semaphore_mem>> -> memref<!tpu.dma_semaphore, #tpu.memory_space<semaphore_mem>>
    %dma_wait3A_639 = arith.constant 0 : i32
    %dma_wait3A_640 = arith.constant 0 : i32
    %dma_wait3A_641 = tpu.memref_slice %arg4[%dma_wait3A_639, %dma_wait3A_640] : memref<204800x128xf32, #tpu.memory_space<hbm>> -> memref<128x128xf32, #tpu.memory_space<hbm>>
    %dma_wait3A_642 = arith.constant 0 : i32
    %dma_wait3A_643 = arith.constant 0 : i32
    %dma_wait3A_644 = tpu.memref_slice %arg6[%dma_wait3A_628, %dma_wait3A_642, %dma_wait3A_643] : memref<7x128x128xf32, #tpu.memory_space<vmem>> -> memref<1x128x128xf32, #tpu.memory_space<vmem>>
    %dma_wait3A_645 = tpu.memref_squeeze %dma_wait3A_644 : memref<1x128x128xf32, #tpu.memory_space<vmem>> -> memref<128x128xf32, #tpu.memory_space<vmem>>
    tpu.wait_dma2 semaphore(%dma_wait3A_638 : memref<!tpu.dma_semaphore, #tpu.memory_space<semaphore_mem>>) src(%dma_wait3A_645 : memref<128x128xf32, #tpu.memory_space<vmem>>) dst(%dma_wait3A_641 : memref<128x128xf32, #tpu.memory_space<hbm>>)
    %dma_start3A_646 = arith.constant 6 : i32
    %dma_start3A_647 = arith.constant 6 : i32
    %dma_start3A_648 = arith.constant 0 : i32
    %dma_start3A_649 = arith.constant 0 : i32
    %dma_start3A_650 = tpu.memref_slice %arg6[%dma_start3A_646, %dma_start3A_648, %dma_start3A_649] : memref<7x128x128xf32, #tpu.memory_space<vmem>> -> memref<1x128x128xf32, #tpu.memory_space<vmem>>
    %dma_start3A_651 = tpu.memref_squeeze %dma_start3A_650 : memref<1x128x128xf32, #tpu.memory_space<vmem>> -> memref<128x128xf32, #tpu.memory_space<vmem>>
    %dma_start3A_652 = arith.constant 0 : i32
    %dma_start3A_653 = arith.constant 0 : i32
    %dma_start3A_654 = tpu.memref_slice %dma_start3A_651[%dma_start3A_652, %dma_start3A_653] : memref<128x128xf32, #tpu.memory_space<vmem>> -> memref<128x128xf32, #tpu.memory_space<vmem>>
    %dma_start3A_655 = arith.constant 6144 : i32
    %dma_start3A_656 = tpu.memref_slice %arg5[%dma_start3A_655] : memref<6400xi32, #tpu.memory_space<vmem>> -> memref<128xi32, #tpu.memory_space<vmem>>
    %dma_start3A_657 = arith.constant 0 : i32
    %dma_start3A_658 = arith.constant 0 : i32
    %dma_start3A_659 = tpu.memref_slice %arg3[%dma_start3A_657, %dma_start3A_658] : memref<100000x128xf32, #tpu.memory_space<hbm>> -> memref<100000x128xf32, #tpu.memory_space<hbm>>
    %dma_start3A_660 = tpu.memref_slice %arg7[%dma_start3A_647] : memref<7x!tpu.dma_semaphore, #tpu.memory_space<semaphore_mem>> -> memref<1x!tpu.dma_semaphore, #tpu.memory_space<semaphore_mem>>
    %dma_start3A_661 = tpu.memref_squeeze %dma_start3A_660 : memref<1x!tpu.dma_semaphore, #tpu.memory_space<semaphore_mem>> -> memref<!tpu.dma_semaphore, #tpu.memory_space<semaphore_mem>>
    tpu.enqueue_indirect_dma source(%dma_start3A_659 : memref<100000x128xf32, #tpu.memory_space<hbm>>) target(%dma_start3A_654 : memref<128x128xf32, #tpu.memory_space<vmem>>) offsets(%dma_start3A_656 : memref<128xi32, #tpu.memory_space<vmem>>) semaphore(%dma_start3A_661 : memref<!tpu.dma_semaphore, #tpu.memory_space<semaphore_mem>>)
    %dma_wait3A_662 = arith.constant 1 : i32
    %dma_wait3A_663 = arith.constant 1 : i32
    %dma_wait3A_664 = arith.constant 0 : i32
    %dma_wait3A_665 = arith.constant 0 : i32
    %dma_wait3A_666 = tpu.memref_slice %arg6[%dma_wait3A_662, %dma_wait3A_664, %dma_wait3A_665] : memref<7x128x128xf32, #tpu.memory_space<vmem>> -> memref<1x128x128xf32, #tpu.memory_space<vmem>>
    %dma_wait3A_667 = tpu.memref_squeeze %dma_wait3A_666 : memref<1x128x128xf32, #tpu.memory_space<vmem>> -> memref<128x128xf32, #tpu.memory_space<vmem>>
    %dma_wait3A_668 = arith.constant 0 : i32
    %dma_wait3A_669 = arith.constant 0 : i32
    %dma_wait3A_670 = tpu.memref_slice %arg3[%dma_wait3A_668, %dma_wait3A_669] : memref<100000x128xf32, #tpu.memory_space<hbm>> -> memref<128x128xf32, #tpu.memory_space<hbm>>
    %dma_wait3A_671 = tpu.memref_slice %arg7[%dma_wait3A_663] : memref<7x!tpu.dma_semaphore, #tpu.memory_space<semaphore_mem>> -> memref<1x!tpu.dma_semaphore, #tpu.memory_space<semaphore_mem>>
    %dma_wait3A_672 = tpu.memref_squeeze %dma_wait3A_671 : memref<1x!tpu.dma_semaphore, #tpu.memory_space<semaphore_mem>> -> memref<!tpu.dma_semaphore, #tpu.memory_space<semaphore_mem>>
    %dma_wait3A_673 = arith.constant 0 : i32
    %dma_wait3A_674 = arith.constant 0 : i32
    %dma_wait3A_675 = tpu.memref_slice %arg6[%dma_wait3A_662, %dma_wait3A_673, %dma_wait3A_674] : memref<7x128x128xf32, #tpu.memory_space<vmem>> -> memref<1x128x128xf32, #tpu.memory_space<vmem>>
    %dma_wait3A_676 = tpu.memref_squeeze %dma_wait3A_675 : memref<1x128x128xf32, #tpu.memory_space<vmem>> -> memref<128x128xf32, #tpu.memory_space<vmem>>
    %dma_wait3A_677 = arith.constant 0 : i32
    %dma_wait3A_678 = arith.constant 0 : i32
    %dma_wait3A_679 = tpu.memref_slice %arg3[%dma_wait3A_677, %dma_wait3A_678] : memref<100000x128xf32, #tpu.memory_space<hbm>> -> memref<128x128xf32, #tpu.memory_space<hbm>>
    tpu.wait_dma2 semaphore(%dma_wait3A_672 : memref<!tpu.dma_semaphore, #tpu.memory_space<semaphore_mem>>) src(%dma_wait3A_679 : memref<128x128xf32, #tpu.memory_space<hbm>>) dst(%dma_wait3A_676 : memref<128x128xf32, #tpu.memory_space<vmem>>)
    %add3A_680 = arith.constant 43 : i32
    %add3A_681 = arith.addi %mul3A_2, %add3A_680 : i32
    %mul3A_682 = arith.constant 128 : i32
    %mul3A_683 = arith.muli %add3A_681, %mul3A_682 : i32
    %dma_start3A_684 = arith.constant 1 : i32
    %dma_start3A_685 = arith.constant 1 : i32
    %dma_start3A_686 = arith.constant 0 : i32
    %dma_start3A_687 = arith.constant 0 : i32
    %dma_start3A_688 = tpu.memref_slice %arg6[%dma_start3A_684, %dma_start3A_686, %dma_start3A_687] : memref<7x128x128xf32, #tpu.memory_space<vmem>> -> memref<1x128x128xf32, #tpu.memory_space<vmem>>
    %dma_start3A_689 = tpu.memref_squeeze %dma_start3A_688 : memref<1x128x128xf32, #tpu.memory_space<vmem>> -> memref<128x128xf32, #tpu.memory_space<vmem>>
    %dma_start3A_690 = arith.constant 0 : i32
    %dma_start3A_691 = tpu.memref_slice %arg4[%mul3A_683, %dma_start3A_690] : memref<204800x128xf32, #tpu.memory_space<hbm>> -> memref<128x128xf32, #tpu.memory_space<hbm>>
    %dma_start3A_692 = tpu.memref_slice %arg8[%dma_start3A_685] : memref<7x!tpu.dma_semaphore, #tpu.memory_space<semaphore_mem>> -> memref<1x!tpu.dma_semaphore, #tpu.memory_space<semaphore_mem>>
    %dma_start3A_693 = tpu.memref_squeeze %dma_start3A_692 : memref<1x!tpu.dma_semaphore, #tpu.memory_space<semaphore_mem>> -> memref<!tpu.dma_semaphore, #tpu.memory_space<semaphore_mem>>
    %dma_start3A_694 = arith.constant 0 : i32
    %dma_start3A_695 = tpu.memref_slice %arg4[%mul3A_683, %dma_start3A_694] : memref<204800x128xf32, #tpu.memory_space<hbm>> -> memref<128x128xf32, #tpu.memory_space<hbm>>
    %dma_start3A_696 = arith.constant 0 : i32
    %dma_start3A_697 = arith.constant 0 : i32
    %dma_start3A_698 = tpu.memref_slice %arg6[%dma_start3A_684, %dma_start3A_696, %dma_start3A_697] : memref<7x128x128xf32, #tpu.memory_space<vmem>> -> memref<1x128x128xf32, #tpu.memory_space<vmem>>
    %dma_start3A_699 = tpu.memref_squeeze %dma_start3A_698 : memref<1x128x128xf32, #tpu.memory_space<vmem>> -> memref<128x128xf32, #tpu.memory_space<vmem>>
    tpu.enqueue_dma source(%dma_start3A_699 : memref<128x128xf32, #tpu.memory_space<vmem>>) target(%dma_start3A_695 : memref<128x128xf32, #tpu.memory_space<hbm>>) target_semaphore(%dma_start3A_693 : memref<!tpu.dma_semaphore, #tpu.memory_space<semaphore_mem>>)
    %dma_wait3A_700 = arith.constant 0 : i32
    %dma_wait3A_701 = arith.constant 0 : i32
    %dma_wait3A_702 = arith.constant 0 : i32
    %dma_wait3A_703 = arith.constant 0 : i32
    %dma_wait3A_704 = tpu.memref_slice %arg6[%dma_wait3A_700, %dma_wait3A_702, %dma_wait3A_703] : memref<7x128x128xf32, #tpu.memory_space<vmem>> -> memref<1x128x128xf32, #tpu.memory_space<vmem>>
    %dma_wait3A_705 = tpu.memref_squeeze %dma_wait3A_704 : memref<1x128x128xf32, #tpu.memory_space<vmem>> -> memref<128x128xf32, #tpu.memory_space<vmem>>
    %dma_wait3A_706 = arith.constant 0 : i32
    %dma_wait3A_707 = arith.constant 0 : i32
    %dma_wait3A_708 = tpu.memref_slice %arg4[%dma_wait3A_706, %dma_wait3A_707] : memref<204800x128xf32, #tpu.memory_space<hbm>> -> memref<128x128xf32, #tpu.memory_space<hbm>>
    %dma_wait3A_709 = tpu.memref_slice %arg8[%dma_wait3A_701] : memref<7x!tpu.dma_semaphore, #tpu.memory_space<semaphore_mem>> -> memref<1x!tpu.dma_semaphore, #tpu.memory_space<semaphore_mem>>
    %dma_wait3A_710 = tpu.memref_squeeze %dma_wait3A_709 : memref<1x!tpu.dma_semaphore, #tpu.memory_space<semaphore_mem>> -> memref<!tpu.dma_semaphore, #tpu.memory_space<semaphore_mem>>
    %dma_wait3A_711 = arith.constant 0 : i32
    %dma_wait3A_712 = arith.constant 0 : i32
    %dma_wait3A_713 = tpu.memref_slice %arg4[%dma_wait3A_711, %dma_wait3A_712] : memref<204800x128xf32, #tpu.memory_space<hbm>> -> memref<128x128xf32, #tpu.memory_space<hbm>>
    %dma_wait3A_714 = arith.constant 0 : i32
    %dma_wait3A_715 = arith.constant 0 : i32
    %dma_wait3A_716 = tpu.memref_slice %arg6[%dma_wait3A_700, %dma_wait3A_714, %dma_wait3A_715] : memref<7x128x128xf32, #tpu.memory_space<vmem>> -> memref<1x128x128xf32, #tpu.memory_space<vmem>>
    %dma_wait3A_717 = tpu.memref_squeeze %dma_wait3A_716 : memref<1x128x128xf32, #tpu.memory_space<vmem>> -> memref<128x128xf32, #tpu.memory_space<vmem>>
    tpu.wait_dma2 semaphore(%dma_wait3A_710 : memref<!tpu.dma_semaphore, #tpu.memory_space<semaphore_mem>>) src(%dma_wait3A_717 : memref<128x128xf32, #tpu.memory_space<vmem>>) dst(%dma_wait3A_713 : memref<128x128xf32, #tpu.memory_space<hbm>>)
    %dma_start3A_718 = arith.constant 0 : i32
    %dma_start3A_719 = arith.constant 0 : i32
    %dma_start3A_720 = arith.constant 0 : i32
    %dma_start3A_721 = arith.constant 0 : i32
    %dma_start3A_722 = tpu.memref_slice %arg6[%dma_start3A_718, %dma_start3A_720, %dma_start3A_721] : memref<7x128x128xf32, #tpu.memory_space<vmem>> -> memref<1x128x128xf32, #tpu.memory_space<vmem>>
    %dma_start3A_723 = tpu.memref_squeeze %dma_start3A_722 : memref<1x128x128xf32, #tpu.memory_space<vmem>> -> memref<128x128xf32, #tpu.memory_space<vmem>>
    %dma_start3A_724 = arith.constant 0 : i32
    %dma_start3A_725 = arith.constant 0 : i32
    %dma_start3A_726 = tpu.memref_slice %dma_start3A_723[%dma_start3A_724, %dma_start3A_725] : memref<128x128xf32, #tpu.memory_space<vmem>> -> memref<128x128xf32, #tpu.memory_space<vmem>>
    %dma_start3A_727 = arith.constant 6272 : i32
    %dma_start3A_728 = tpu.memref_slice %arg5[%dma_start3A_727] : memref<6400xi32, #tpu.memory_space<vmem>> -> memref<128xi32, #tpu.memory_space<vmem>>
    %dma_start3A_729 = arith.constant 0 : i32
    %dma_start3A_730 = arith.constant 0 : i32
    %dma_start3A_731 = tpu.memref_slice %arg3[%dma_start3A_729, %dma_start3A_730] : memref<100000x128xf32, #tpu.memory_space<hbm>> -> memref<100000x128xf32, #tpu.memory_space<hbm>>
    %dma_start3A_732 = tpu.memref_slice %arg7[%dma_start3A_719] : memref<7x!tpu.dma_semaphore, #tpu.memory_space<semaphore_mem>> -> memref<1x!tpu.dma_semaphore, #tpu.memory_space<semaphore_mem>>
    %dma_start3A_733 = tpu.memref_squeeze %dma_start3A_732 : memref<1x!tpu.dma_semaphore, #tpu.memory_space<semaphore_mem>> -> memref<!tpu.dma_semaphore, #tpu.memory_space<semaphore_mem>>
    tpu.enqueue_indirect_dma source(%dma_start3A_731 : memref<100000x128xf32, #tpu.memory_space<hbm>>) target(%dma_start3A_726 : memref<128x128xf32, #tpu.memory_space<vmem>>) offsets(%dma_start3A_728 : memref<128xi32, #tpu.memory_space<vmem>>) semaphore(%dma_start3A_733 : memref<!tpu.dma_semaphore, #tpu.memory_space<semaphore_mem>>)
    %dma_wait3A_734 = arith.constant 2 : i32
    %dma_wait3A_735 = arith.constant 2 : i32
    %dma_wait3A_736 = arith.constant 0 : i32
    %dma_wait3A_737 = arith.constant 0 : i32
    %dma_wait3A_738 = tpu.memref_slice %arg6[%dma_wait3A_734, %dma_wait3A_736, %dma_wait3A_737] : memref<7x128x128xf32, #tpu.memory_space<vmem>> -> memref<1x128x128xf32, #tpu.memory_space<vmem>>
    %dma_wait3A_739 = tpu.memref_squeeze %dma_wait3A_738 : memref<1x128x128xf32, #tpu.memory_space<vmem>> -> memref<128x128xf32, #tpu.memory_space<vmem>>
    %dma_wait3A_740 = arith.constant 0 : i32
    %dma_wait3A_741 = arith.constant 0 : i32
    %dma_wait3A_742 = tpu.memref_slice %arg3[%dma_wait3A_740, %dma_wait3A_741] : memref<100000x128xf32, #tpu.memory_space<hbm>> -> memref<128x128xf32, #tpu.memory_space<hbm>>
    %dma_wait3A_743 = tpu.memref_slice %arg7[%dma_wait3A_735] : memref<7x!tpu.dma_semaphore, #tpu.memory_space<semaphore_mem>> -> memref<1x!tpu.dma_semaphore, #tpu.memory_space<semaphore_mem>>
    %dma_wait3A_744 = tpu.memref_squeeze %dma_wait3A_743 : memref<1x!tpu.dma_semaphore, #tpu.memory_space<semaphore_mem>> -> memref<!tpu.dma_semaphore, #tpu.memory_space<semaphore_mem>>
    %dma_wait3A_745 = arith.constant 0 : i32
    %dma_wait3A_746 = arith.constant 0 : i32
    %dma_wait3A_747 = tpu.memref_slice %arg6[%dma_wait3A_734, %dma_wait3A_745, %dma_wait3A_746] : memref<7x128x128xf32, #tpu.memory_space<vmem>> -> memref<1x128x128xf32, #tpu.memory_space<vmem>>
    %dma_wait3A_748 = tpu.memref_squeeze %dma_wait3A_747 : memref<1x128x128xf32, #tpu.memory_space<vmem>> -> memref<128x128xf32, #tpu.memory_space<vmem>>
    %dma_wait3A_749 = arith.constant 0 : i32
    %dma_wait3A_750 = arith.constant 0 : i32
    %dma_wait3A_751 = tpu.memref_slice %arg3[%dma_wait3A_749, %dma_wait3A_750] : memref<100000x128xf32, #tpu.memory_space<hbm>> -> memref<128x128xf32, #tpu.memory_space<hbm>>
    tpu.wait_dma2 semaphore(%dma_wait3A_744 : memref<!tpu.dma_semaphore, #tpu.memory_space<semaphore_mem>>) src(%dma_wait3A_751 : memref<128x128xf32, #tpu.memory_space<hbm>>) dst(%dma_wait3A_748 : memref<128x128xf32, #tpu.memory_space<vmem>>)
    %add3A_752 = arith.constant 44 : i32
    %add3A_753 = arith.addi %mul3A_2, %add3A_752 : i32
    %mul3A_754 = arith.constant 128 : i32
    %mul3A_755 = arith.muli %add3A_753, %mul3A_754 : i32
    %dma_start3A_756 = arith.constant 2 : i32
    %dma_start3A_757 = arith.constant 2 : i32
    %dma_start3A_758 = arith.constant 0 : i32
    %dma_start3A_759 = arith.constant 0 : i32
    %dma_start3A_760 = tpu.memref_slice %arg6[%dma_start3A_756, %dma_start3A_758, %dma_start3A_759] : memref<7x128x128xf32, #tpu.memory_space<vmem>> -> memref<1x128x128xf32, #tpu.memory_space<vmem>>
    %dma_start3A_761 = tpu.memref_squeeze %dma_start3A_760 : memref<1x128x128xf32, #tpu.memory_space<vmem>> -> memref<128x128xf32, #tpu.memory_space<vmem>>
    %dma_start3A_762 = arith.constant 0 : i32
    %dma_start3A_763 = tpu.memref_slice %arg4[%mul3A_755, %dma_start3A_762] : memref<204800x128xf32, #tpu.memory_space<hbm>> -> memref<128x128xf32, #tpu.memory_space<hbm>>
    %dma_start3A_764 = tpu.memref_slice %arg8[%dma_start3A_757] : memref<7x!tpu.dma_semaphore, #tpu.memory_space<semaphore_mem>> -> memref<1x!tpu.dma_semaphore, #tpu.memory_space<semaphore_mem>>
    %dma_start3A_765 = tpu.memref_squeeze %dma_start3A_764 : memref<1x!tpu.dma_semaphore, #tpu.memory_space<semaphore_mem>> -> memref<!tpu.dma_semaphore, #tpu.memory_space<semaphore_mem>>
    %dma_start3A_766 = arith.constant 0 : i32
    %dma_start3A_767 = tpu.memref_slice %arg4[%mul3A_755, %dma_start3A_766] : memref<204800x128xf32, #tpu.memory_space<hbm>> -> memref<128x128xf32, #tpu.memory_space<hbm>>
    %dma_start3A_768 = arith.constant 0 : i32
    %dma_start3A_769 = arith.constant 0 : i32
    %dma_start3A_770 = tpu.memref_slice %arg6[%dma_start3A_756, %dma_start3A_768, %dma_start3A_769] : memref<7x128x128xf32, #tpu.memory_space<vmem>> -> memref<1x128x128xf32, #tpu.memory_space<vmem>>
    %dma_start3A_771 = tpu.memref_squeeze %dma_start3A_770 : memref<1x128x128xf32, #tpu.memory_space<vmem>> -> memref<128x128xf32, #tpu.memory_space<vmem>>
    tpu.enqueue_dma source(%dma_start3A_771 : memref<128x128xf32, #tpu.memory_space<vmem>>) target(%dma_start3A_767 : memref<128x128xf32, #tpu.memory_space<hbm>>) target_semaphore(%dma_start3A_765 : memref<!tpu.dma_semaphore, #tpu.memory_space<semaphore_mem>>)
    %dma_wait3A_772 = arith.constant 3 : i32
    %dma_wait3A_773 = arith.constant 3 : i32
    %dma_wait3A_774 = arith.constant 0 : i32
    %dma_wait3A_775 = arith.constant 0 : i32
    %dma_wait3A_776 = tpu.memref_slice %arg6[%dma_wait3A_772, %dma_wait3A_774, %dma_wait3A_775] : memref<7x128x128xf32, #tpu.memory_space<vmem>> -> memref<1x128x128xf32, #tpu.memory_space<vmem>>
    %dma_wait3A_777 = tpu.memref_squeeze %dma_wait3A_776 : memref<1x128x128xf32, #tpu.memory_space<vmem>> -> memref<128x128xf32, #tpu.memory_space<vmem>>
    %dma_wait3A_778 = arith.constant 0 : i32
    %dma_wait3A_779 = arith.constant 0 : i32
    %dma_wait3A_780 = tpu.memref_slice %arg3[%dma_wait3A_778, %dma_wait3A_779] : memref<100000x128xf32, #tpu.memory_space<hbm>> -> memref<128x128xf32, #tpu.memory_space<hbm>>
    %dma_wait3A_781 = tpu.memref_slice %arg7[%dma_wait3A_773] : memref<7x!tpu.dma_semaphore, #tpu.memory_space<semaphore_mem>> -> memref<1x!tpu.dma_semaphore, #tpu.memory_space<semaphore_mem>>
    %dma_wait3A_782 = tpu.memref_squeeze %dma_wait3A_781 : memref<1x!tpu.dma_semaphore, #tpu.memory_space<semaphore_mem>> -> memref<!tpu.dma_semaphore, #tpu.memory_space<semaphore_mem>>
    %dma_wait3A_783 = arith.constant 0 : i32
    %dma_wait3A_784 = arith.constant 0 : i32
    %dma_wait3A_785 = tpu.memref_slice %arg6[%dma_wait3A_772, %dma_wait3A_783, %dma_wait3A_784] : memref<7x128x128xf32, #tpu.memory_space<vmem>> -> memref<1x128x128xf32, #tpu.memory_space<vmem>>
    %dma_wait3A_786 = tpu.memref_squeeze %dma_wait3A_785 : memref<1x128x128xf32, #tpu.memory_space<vmem>> -> memref<128x128xf32, #tpu.memory_space<vmem>>
    %dma_wait3A_787 = arith.constant 0 : i32
    %dma_wait3A_788 = arith.constant 0 : i32
    %dma_wait3A_789 = tpu.memref_slice %arg3[%dma_wait3A_787, %dma_wait3A_788] : memref<100000x128xf32, #tpu.memory_space<hbm>> -> memref<128x128xf32, #tpu.memory_space<hbm>>
    tpu.wait_dma2 semaphore(%dma_wait3A_782 : memref<!tpu.dma_semaphore, #tpu.memory_space<semaphore_mem>>) src(%dma_wait3A_789 : memref<128x128xf32, #tpu.memory_space<hbm>>) dst(%dma_wait3A_786 : memref<128x128xf32, #tpu.memory_space<vmem>>)
    %add3A_790 = arith.constant 45 : i32
    %add3A_791 = arith.addi %mul3A_2, %add3A_790 : i32
    %mul3A_792 = arith.constant 128 : i32
    %mul3A_793 = arith.muli %add3A_791, %mul3A_792 : i32
    %dma_start3A_794 = arith.constant 3 : i32
    %dma_start3A_795 = arith.constant 3 : i32
    %dma_start3A_796 = arith.constant 0 : i32
    %dma_start3A_797 = arith.constant 0 : i32
    %dma_start3A_798 = tpu.memref_slice %arg6[%dma_start3A_794, %dma_start3A_796, %dma_start3A_797] : memref<7x128x128xf32, #tpu.memory_space<vmem>> -> memref<1x128x128xf32, #tpu.memory_space<vmem>>
    %dma_start3A_799 = tpu.memref_squeeze %dma_start3A_798 : memref<1x128x128xf32, #tpu.memory_space<vmem>> -> memref<128x128xf32, #tpu.memory_space<vmem>>
    %dma_start3A_800 = arith.constant 0 : i32
    %dma_start3A_801 = tpu.memref_slice %arg4[%mul3A_793, %dma_start3A_800] : memref<204800x128xf32, #tpu.memory_space<hbm>> -> memref<128x128xf32, #tpu.memory_space<hbm>>
    %dma_start3A_802 = tpu.memref_slice %arg8[%dma_start3A_795] : memref<7x!tpu.dma_semaphore, #tpu.memory_space<semaphore_mem>> -> memref<1x!tpu.dma_semaphore, #tpu.memory_space<semaphore_mem>>
    %dma_start3A_803 = tpu.memref_squeeze %dma_start3A_802 : memref<1x!tpu.dma_semaphore, #tpu.memory_space<semaphore_mem>> -> memref<!tpu.dma_semaphore, #tpu.memory_space<semaphore_mem>>
    %dma_start3A_804 = arith.constant 0 : i32
    %dma_start3A_805 = tpu.memref_slice %arg4[%mul3A_793, %dma_start3A_804] : memref<204800x128xf32, #tpu.memory_space<hbm>> -> memref<128x128xf32, #tpu.memory_space<hbm>>
    %dma_start3A_806 = arith.constant 0 : i32
    %dma_start3A_807 = arith.constant 0 : i32
    %dma_start3A_808 = tpu.memref_slice %arg6[%dma_start3A_794, %dma_start3A_806, %dma_start3A_807] : memref<7x128x128xf32, #tpu.memory_space<vmem>> -> memref<1x128x128xf32, #tpu.memory_space<vmem>>
    %dma_start3A_809 = tpu.memref_squeeze %dma_start3A_808 : memref<1x128x128xf32, #tpu.memory_space<vmem>> -> memref<128x128xf32, #tpu.memory_space<vmem>>
    tpu.enqueue_dma source(%dma_start3A_809 : memref<128x128xf32, #tpu.memory_space<vmem>>) target(%dma_start3A_805 : memref<128x128xf32, #tpu.memory_space<hbm>>) target_semaphore(%dma_start3A_803 : memref<!tpu.dma_semaphore, #tpu.memory_space<semaphore_mem>>)
    %dma_wait3A_810 = arith.constant 4 : i32
    %dma_wait3A_811 = arith.constant 4 : i32
    %dma_wait3A_812 = arith.constant 0 : i32
    %dma_wait3A_813 = arith.constant 0 : i32
    %dma_wait3A_814 = tpu.memref_slice %arg6[%dma_wait3A_810, %dma_wait3A_812, %dma_wait3A_813] : memref<7x128x128xf32, #tpu.memory_space<vmem>> -> memref<1x128x128xf32, #tpu.memory_space<vmem>>
    %dma_wait3A_815 = tpu.memref_squeeze %dma_wait3A_814 : memref<1x128x128xf32, #tpu.memory_space<vmem>> -> memref<128x128xf32, #tpu.memory_space<vmem>>
    %dma_wait3A_816 = arith.constant 0 : i32
    %dma_wait3A_817 = arith.constant 0 : i32
    %dma_wait3A_818 = tpu.memref_slice %arg3[%dma_wait3A_816, %dma_wait3A_817] : memref<100000x128xf32, #tpu.memory_space<hbm>> -> memref<128x128xf32, #tpu.memory_space<hbm>>
    %dma_wait3A_819 = tpu.memref_slice %arg7[%dma_wait3A_811] : memref<7x!tpu.dma_semaphore, #tpu.memory_space<semaphore_mem>> -> memref<1x!tpu.dma_semaphore, #tpu.memory_space<semaphore_mem>>
    %dma_wait3A_820 = tpu.memref_squeeze %dma_wait3A_819 : memref<1x!tpu.dma_semaphore, #tpu.memory_space<semaphore_mem>> -> memref<!tpu.dma_semaphore, #tpu.memory_space<semaphore_mem>>
    %dma_wait3A_821 = arith.constant 0 : i32
    %dma_wait3A_822 = arith.constant 0 : i32
    %dma_wait3A_823 = tpu.memref_slice %arg6[%dma_wait3A_810, %dma_wait3A_821, %dma_wait3A_822] : memref<7x128x128xf32, #tpu.memory_space<vmem>> -> memref<1x128x128xf32, #tpu.memory_space<vmem>>
    %dma_wait3A_824 = tpu.memref_squeeze %dma_wait3A_823 : memref<1x128x128xf32, #tpu.memory_space<vmem>> -> memref<128x128xf32, #tpu.memory_space<vmem>>
    %dma_wait3A_825 = arith.constant 0 : i32
    %dma_wait3A_826 = arith.constant 0 : i32
    %dma_wait3A_827 = tpu.memref_slice %arg3[%dma_wait3A_825, %dma_wait3A_826] : memref<100000x128xf32, #tpu.memory_space<hbm>> -> memref<128x128xf32, #tpu.memory_space<hbm>>
    tpu.wait_dma2 semaphore(%dma_wait3A_820 : memref<!tpu.dma_semaphore, #tpu.memory_space<semaphore_mem>>) src(%dma_wait3A_827 : memref<128x128xf32, #tpu.memory_space<hbm>>) dst(%dma_wait3A_824 : memref<128x128xf32, #tpu.memory_space<vmem>>)
    %add3A_828 = arith.constant 46 : i32
    %add3A_829 = arith.addi %mul3A_2, %add3A_828 : i32
    %mul3A_830 = arith.constant 128 : i32
    %mul3A_831 = arith.muli %add3A_829, %mul3A_830 : i32
    %dma_start3A_832 = arith.constant 4 : i32
    %dma_start3A_833 = arith.constant 4 : i32
    %dma_start3A_834 = arith.constant 0 : i32
    %dma_start3A_835 = arith.constant 0 : i32
    %dma_start3A_836 = tpu.memref_slice %arg6[%dma_start3A_832, %dma_start3A_834, %dma_start3A_835] : memref<7x128x128xf32, #tpu.memory_space<vmem>> -> memref<1x128x128xf32, #tpu.memory_space<vmem>>
    %dma_start3A_837 = tpu.memref_squeeze %dma_start3A_836 : memref<1x128x128xf32, #tpu.memory_space<vmem>> -> memref<128x128xf32, #tpu.memory_space<vmem>>
    %dma_start3A_838 = arith.constant 0 : i32
    %dma_start3A_839 = tpu.memref_slice %arg4[%mul3A_831, %dma_start3A_838] : memref<204800x128xf32, #tpu.memory_space<hbm>> -> memref<128x128xf32, #tpu.memory_space<hbm>>
    %dma_start3A_840 = tpu.memref_slice %arg8[%dma_start3A_833] : memref<7x!tpu.dma_semaphore, #tpu.memory_space<semaphore_mem>> -> memref<1x!tpu.dma_semaphore, #tpu.memory_space<semaphore_mem>>
    %dma_start3A_841 = tpu.memref_squeeze %dma_start3A_840 : memref<1x!tpu.dma_semaphore, #tpu.memory_space<semaphore_mem>> -> memref<!tpu.dma_semaphore, #tpu.memory_space<semaphore_mem>>
    %dma_start3A_842 = arith.constant 0 : i32
    %dma_start3A_843 = tpu.memref_slice %arg4[%mul3A_831, %dma_start3A_842] : memref<204800x128xf32, #tpu.memory_space<hbm>> -> memref<128x128xf32, #tpu.memory_space<hbm>>
    %dma_start3A_844 = arith.constant 0 : i32
    %dma_start3A_845 = arith.constant 0 : i32
    %dma_start3A_846 = tpu.memref_slice %arg6[%dma_start3A_832, %dma_start3A_844, %dma_start3A_845] : memref<7x128x128xf32, #tpu.memory_space<vmem>> -> memref<1x128x128xf32, #tpu.memory_space<vmem>>
    %dma_start3A_847 = tpu.memref_squeeze %dma_start3A_846 : memref<1x128x128xf32, #tpu.memory_space<vmem>> -> memref<128x128xf32, #tpu.memory_space<vmem>>
    tpu.enqueue_dma source(%dma_start3A_847 : memref<128x128xf32, #tpu.memory_space<vmem>>) target(%dma_start3A_843 : memref<128x128xf32, #tpu.memory_space<hbm>>) target_semaphore(%dma_start3A_841 : memref<!tpu.dma_semaphore, #tpu.memory_space<semaphore_mem>>)
    %dma_wait3A_848 = arith.constant 5 : i32
    %dma_wait3A_849 = arith.constant 5 : i32
    %dma_wait3A_850 = arith.constant 0 : i32
    %dma_wait3A_851 = arith.constant 0 : i32
    %dma_wait3A_852 = tpu.memref_slice %arg6[%dma_wait3A_848, %dma_wait3A_850, %dma_wait3A_851] : memref<7x128x128xf32, #tpu.memory_space<vmem>> -> memref<1x128x128xf32, #tpu.memory_space<vmem>>
    %dma_wait3A_853 = tpu.memref_squeeze %dma_wait3A_852 : memref<1x128x128xf32, #tpu.memory_space<vmem>> -> memref<128x128xf32, #tpu.memory_space<vmem>>
    %dma_wait3A_854 = arith.constant 0 : i32
    %dma_wait3A_855 = arith.constant 0 : i32
    %dma_wait3A_856 = tpu.memref_slice %arg3[%dma_wait3A_854, %dma_wait3A_855] : memref<100000x128xf32, #tpu.memory_space<hbm>> -> memref<128x128xf32, #tpu.memory_space<hbm>>
    %dma_wait3A_857 = tpu.memref_slice %arg7[%dma_wait3A_849] : memref<7x!tpu.dma_semaphore, #tpu.memory_space<semaphore_mem>> -> memref<1x!tpu.dma_semaphore, #tpu.memory_space<semaphore_mem>>
    %dma_wait3A_858 = tpu.memref_squeeze %dma_wait3A_857 : memref<1x!tpu.dma_semaphore, #tpu.memory_space<semaphore_mem>> -> memref<!tpu.dma_semaphore, #tpu.memory_space<semaphore_mem>>
    %dma_wait3A_859 = arith.constant 0 : i32
    %dma_wait3A_860 = arith.constant 0 : i32
    %dma_wait3A_861 = tpu.memref_slice %arg6[%dma_wait3A_848, %dma_wait3A_859, %dma_wait3A_860] : memref<7x128x128xf32, #tpu.memory_space<vmem>> -> memref<1x128x128xf32, #tpu.memory_space<vmem>>
    %dma_wait3A_862 = tpu.memref_squeeze %dma_wait3A_861 : memref<1x128x128xf32, #tpu.memory_space<vmem>> -> memref<128x128xf32, #tpu.memory_space<vmem>>
    %dma_wait3A_863 = arith.constant 0 : i32
    %dma_wait3A_864 = arith.constant 0 : i32
    %dma_wait3A_865 = tpu.memref_slice %arg3[%dma_wait3A_863, %dma_wait3A_864] : memref<100000x128xf32, #tpu.memory_space<hbm>> -> memref<128x128xf32, #tpu.memory_space<hbm>>
    tpu.wait_dma2 semaphore(%dma_wait3A_858 : memref<!tpu.dma_semaphore, #tpu.memory_space<semaphore_mem>>) src(%dma_wait3A_865 : memref<128x128xf32, #tpu.memory_space<hbm>>) dst(%dma_wait3A_862 : memref<128x128xf32, #tpu.memory_space<vmem>>)
    %add3A_866 = arith.constant 47 : i32
    %add3A_867 = arith.addi %mul3A_2, %add3A_866 : i32
    %mul3A_868 = arith.constant 128 : i32
    %mul3A_869 = arith.muli %add3A_867, %mul3A_868 : i32
    %dma_start3A_870 = arith.constant 5 : i32
    %dma_start3A_871 = arith.constant 5 : i32
    %dma_start3A_872 = arith.constant 0 : i32
    %dma_start3A_873 = arith.constant 0 : i32
    %dma_start3A_874 = tpu.memref_slice %arg6[%dma_start3A_870, %dma_start3A_872, %dma_start3A_873] : memref<7x128x128xf32, #tpu.memory_space<vmem>> -> memref<1x128x128xf32, #tpu.memory_space<vmem>>
    %dma_start3A_875 = tpu.memref_squeeze %dma_start3A_874 : memref<1x128x128xf32, #tpu.memory_space<vmem>> -> memref<128x128xf32, #tpu.memory_space<vmem>>
    %dma_start3A_876 = arith.constant 0 : i32
    %dma_start3A_877 = tpu.memref_slice %arg4[%mul3A_869, %dma_start3A_876] : memref<204800x128xf32, #tpu.memory_space<hbm>> -> memref<128x128xf32, #tpu.memory_space<hbm>>
    %dma_start3A_878 = tpu.memref_slice %arg8[%dma_start3A_871] : memref<7x!tpu.dma_semaphore, #tpu.memory_space<semaphore_mem>> -> memref<1x!tpu.dma_semaphore, #tpu.memory_space<semaphore_mem>>
    %dma_start3A_879 = tpu.memref_squeeze %dma_start3A_878 : memref<1x!tpu.dma_semaphore, #tpu.memory_space<semaphore_mem>> -> memref<!tpu.dma_semaphore, #tpu.memory_space<semaphore_mem>>
    %dma_start3A_880 = arith.constant 0 : i32
    %dma_start3A_881 = tpu.memref_slice %arg4[%mul3A_869, %dma_start3A_880] : memref<204800x128xf32, #tpu.memory_space<hbm>> -> memref<128x128xf32, #tpu.memory_space<hbm>>
    %dma_start3A_882 = arith.constant 0 : i32
    %dma_start3A_883 = arith.constant 0 : i32
    %dma_start3A_884 = tpu.memref_slice %arg6[%dma_start3A_870, %dma_start3A_882, %dma_start3A_883] : memref<7x128x128xf32, #tpu.memory_space<vmem>> -> memref<1x128x128xf32, #tpu.memory_space<vmem>>
    %dma_start3A_885 = tpu.memref_squeeze %dma_start3A_884 : memref<1x128x128xf32, #tpu.memory_space<vmem>> -> memref<128x128xf32, #tpu.memory_space<vmem>>
    tpu.enqueue_dma source(%dma_start3A_885 : memref<128x128xf32, #tpu.memory_space<vmem>>) target(%dma_start3A_881 : memref<128x128xf32, #tpu.memory_space<hbm>>) target_semaphore(%dma_start3A_879 : memref<!tpu.dma_semaphore, #tpu.memory_space<semaphore_mem>>)
    %dma_wait3A_886 = arith.constant 6 : i32
    %dma_wait3A_887 = arith.constant 6 : i32
    %dma_wait3A_888 = arith.constant 0 : i32
    %dma_wait3A_889 = arith.constant 0 : i32
    %dma_wait3A_890 = tpu.memref_slice %arg6[%dma_wait3A_886, %dma_wait3A_888, %dma_wait3A_889] : memref<7x128x128xf32, #tpu.memory_space<vmem>> -> memref<1x128x128xf32, #tpu.memory_space<vmem>>
    %dma_wait3A_891 = tpu.memref_squeeze %dma_wait3A_890 : memref<1x128x128xf32, #tpu.memory_space<vmem>> -> memref<128x128xf32, #tpu.memory_space<vmem>>
    %dma_wait3A_892 = arith.constant 0 : i32
    %dma_wait3A_893 = arith.constant 0 : i32
    %dma_wait3A_894 = tpu.memref_slice %arg3[%dma_wait3A_892, %dma_wait3A_893] : memref<100000x128xf32, #tpu.memory_space<hbm>> -> memref<128x128xf32, #tpu.memory_space<hbm>>
    %dma_wait3A_895 = tpu.memref_slice %arg7[%dma_wait3A_887] : memref<7x!tpu.dma_semaphore, #tpu.memory_space<semaphore_mem>> -> memref<1x!tpu.dma_semaphore, #tpu.memory_space<semaphore_mem>>
    %dma_wait3A_896 = tpu.memref_squeeze %dma_wait3A_895 : memref<1x!tpu.dma_semaphore, #tpu.memory_space<semaphore_mem>> -> memref<!tpu.dma_semaphore, #tpu.memory_space<semaphore_mem>>
    %dma_wait3A_897 = arith.constant 0 : i32
    %dma_wait3A_898 = arith.constant 0 : i32
    %dma_wait3A_899 = tpu.memref_slice %arg6[%dma_wait3A_886, %dma_wait3A_897, %dma_wait3A_898] : memref<7x128x128xf32, #tpu.memory_space<vmem>> -> memref<1x128x128xf32, #tpu.memory_space<vmem>>
    %dma_wait3A_900 = tpu.memref_squeeze %dma_wait3A_899 : memref<1x128x128xf32, #tpu.memory_space<vmem>> -> memref<128x128xf32, #tpu.memory_space<vmem>>
    %dma_wait3A_901 = arith.constant 0 : i32
    %dma_wait3A_902 = arith.constant 0 : i32
    %dma_wait3A_903 = tpu.memref_slice %arg3[%dma_wait3A_901, %dma_wait3A_902] : memref<100000x128xf32, #tpu.memory_space<hbm>> -> memref<128x128xf32, #tpu.memory_space<hbm>>
    tpu.wait_dma2 semaphore(%dma_wait3A_896 : memref<!tpu.dma_semaphore, #tpu.memory_space<semaphore_mem>>) src(%dma_wait3A_903 : memref<128x128xf32, #tpu.memory_space<hbm>>) dst(%dma_wait3A_900 : memref<128x128xf32, #tpu.memory_space<vmem>>)
    %add3A_904 = arith.constant 48 : i32
    %add3A_905 = arith.addi %mul3A_2, %add3A_904 : i32
    %mul3A_906 = arith.constant 128 : i32
    %mul3A_907 = arith.muli %add3A_905, %mul3A_906 : i32
    %dma_start3A_908 = arith.constant 6 : i32
    %dma_start3A_909 = arith.constant 6 : i32
    %dma_start3A_910 = arith.constant 0 : i32
    %dma_start3A_911 = arith.constant 0 : i32
    %dma_start3A_912 = tpu.memref_slice %arg6[%dma_start3A_908, %dma_start3A_910, %dma_start3A_911] : memref<7x128x128xf32, #tpu.memory_space<vmem>> -> memref<1x128x128xf32, #tpu.memory_space<vmem>>
    %dma_start3A_913 = tpu.memref_squeeze %dma_start3A_912 : memref<1x128x128xf32, #tpu.memory_space<vmem>> -> memref<128x128xf32, #tpu.memory_space<vmem>>
    %dma_start3A_914 = arith.constant 0 : i32
    %dma_start3A_915 = tpu.memref_slice %arg4[%mul3A_907, %dma_start3A_914] : memref<204800x128xf32, #tpu.memory_space<hbm>> -> memref<128x128xf32, #tpu.memory_space<hbm>>
    %dma_start3A_916 = tpu.memref_slice %arg8[%dma_start3A_909] : memref<7x!tpu.dma_semaphore, #tpu.memory_space<semaphore_mem>> -> memref<1x!tpu.dma_semaphore, #tpu.memory_space<semaphore_mem>>
    %dma_start3A_917 = tpu.memref_squeeze %dma_start3A_916 : memref<1x!tpu.dma_semaphore, #tpu.memory_space<semaphore_mem>> -> memref<!tpu.dma_semaphore, #tpu.memory_space<semaphore_mem>>
    %dma_start3A_918 = arith.constant 0 : i32
    %dma_start3A_919 = tpu.memref_slice %arg4[%mul3A_907, %dma_start3A_918] : memref<204800x128xf32, #tpu.memory_space<hbm>> -> memref<128x128xf32, #tpu.memory_space<hbm>>
    %dma_start3A_920 = arith.constant 0 : i32
    %dma_start3A_921 = arith.constant 0 : i32
    %dma_start3A_922 = tpu.memref_slice %arg6[%dma_start3A_908, %dma_start3A_920, %dma_start3A_921] : memref<7x128x128xf32, #tpu.memory_space<vmem>> -> memref<1x128x128xf32, #tpu.memory_space<vmem>>
    %dma_start3A_923 = tpu.memref_squeeze %dma_start3A_922 : memref<1x128x128xf32, #tpu.memory_space<vmem>> -> memref<128x128xf32, #tpu.memory_space<vmem>>
    tpu.enqueue_dma source(%dma_start3A_923 : memref<128x128xf32, #tpu.memory_space<vmem>>) target(%dma_start3A_919 : memref<128x128xf32, #tpu.memory_space<hbm>>) target_semaphore(%dma_start3A_917 : memref<!tpu.dma_semaphore, #tpu.memory_space<semaphore_mem>>)
    %dma_wait3A_924 = arith.constant 0 : i32
    %dma_wait3A_925 = arith.constant 0 : i32
    %dma_wait3A_926 = arith.constant 0 : i32
    %dma_wait3A_927 = arith.constant 0 : i32
    %dma_wait3A_928 = tpu.memref_slice %arg6[%dma_wait3A_924, %dma_wait3A_926, %dma_wait3A_927] : memref<7x128x128xf32, #tpu.memory_space<vmem>> -> memref<1x128x128xf32, #tpu.memory_space<vmem>>
    %dma_wait3A_929 = tpu.memref_squeeze %dma_wait3A_928 : memref<1x128x128xf32, #tpu.memory_space<vmem>> -> memref<128x128xf32, #tpu.memory_space<vmem>>
    %dma_wait3A_930 = arith.constant 0 : i32
    %dma_wait3A_931 = arith.constant 0 : i32
    %dma_wait3A_932 = tpu.memref_slice %arg3[%dma_wait3A_930, %dma_wait3A_931] : memref<100000x128xf32, #tpu.memory_space<hbm>> -> memref<128x128xf32, #tpu.memory_space<hbm>>
    %dma_wait3A_933 = tpu.memref_slice %arg7[%dma_wait3A_925] : memref<7x!tpu.dma_semaphore, #tpu.memory_space<semaphore_mem>> -> memref<1x!tpu.dma_semaphore, #tpu.memory_space<semaphore_mem>>
    %dma_wait3A_934 = tpu.memref_squeeze %dma_wait3A_933 : memref<1x!tpu.dma_semaphore, #tpu.memory_space<semaphore_mem>> -> memref<!tpu.dma_semaphore, #tpu.memory_space<semaphore_mem>>
    %dma_wait3A_935 = arith.constant 0 : i32
    %dma_wait3A_936 = arith.constant 0 : i32
    %dma_wait3A_937 = tpu.memref_slice %arg6[%dma_wait3A_924, %dma_wait3A_935, %dma_wait3A_936] : memref<7x128x128xf32, #tpu.memory_space<vmem>> -> memref<1x128x128xf32, #tpu.memory_space<vmem>>
    %dma_wait3A_938 = tpu.memref_squeeze %dma_wait3A_937 : memref<1x128x128xf32, #tpu.memory_space<vmem>> -> memref<128x128xf32, #tpu.memory_space<vmem>>
    %dma_wait3A_939 = arith.constant 0 : i32
    %dma_wait3A_940 = arith.constant 0 : i32
    %dma_wait3A_941 = tpu.memref_slice %arg3[%dma_wait3A_939, %dma_wait3A_940] : memref<100000x128xf32, #tpu.memory_space<hbm>> -> memref<128x128xf32, #tpu.memory_space<hbm>>
    tpu.wait_dma2 semaphore(%dma_wait3A_934 : memref<!tpu.dma_semaphore, #tpu.memory_space<semaphore_mem>>) src(%dma_wait3A_941 : memref<128x128xf32, #tpu.memory_space<hbm>>) dst(%dma_wait3A_938 : memref<128x128xf32, #tpu.memory_space<vmem>>)
    %add3A_942 = arith.constant 49 : i32
    %add3A_943 = arith.addi %mul3A_2, %add3A_942 : i32
    %mul3A_944 = arith.constant 128 : i32
    %mul3A_945 = arith.muli %add3A_943, %mul3A_944 : i32
    %dma_start3A_946 = arith.constant 0 : i32
    %dma_start3A_947 = arith.constant 0 : i32
    %dma_start3A_948 = arith.constant 0 : i32
    %dma_start3A_949 = arith.constant 0 : i32
    %dma_start3A_950 = tpu.memref_slice %arg6[%dma_start3A_946, %dma_start3A_948, %dma_start3A_949] : memref<7x128x128xf32, #tpu.memory_space<vmem>> -> memref<1x128x128xf32, #tpu.memory_space<vmem>>
    %dma_start3A_951 = tpu.memref_squeeze %dma_start3A_950 : memref<1x128x128xf32, #tpu.memory_space<vmem>> -> memref<128x128xf32, #tpu.memory_space<vmem>>
    %dma_start3A_952 = arith.constant 0 : i32
    %dma_start3A_953 = tpu.memref_slice %arg4[%mul3A_945, %dma_start3A_952] : memref<204800x128xf32, #tpu.memory_space<hbm>> -> memref<128x128xf32, #tpu.memory_space<hbm>>
    %dma_start3A_954 = tpu.memref_slice %arg8[%dma_start3A_947] : memref<7x!tpu.dma_semaphore, #tpu.memory_space<semaphore_mem>> -> memref<1x!tpu.dma_semaphore, #tpu.memory_space<semaphore_mem>>
    %dma_start3A_955 = tpu.memref_squeeze %dma_start3A_954 : memref<1x!tpu.dma_semaphore, #tpu.memory_space<semaphore_mem>> -> memref<!tpu.dma_semaphore, #tpu.memory_space<semaphore_mem>>
    %dma_start3A_956 = arith.constant 0 : i32
    %dma_start3A_957 = tpu.memref_slice %arg4[%mul3A_945, %dma_start3A_956] : memref<204800x128xf32, #tpu.memory_space<hbm>> -> memref<128x128xf32, #tpu.memory_space<hbm>>
    %dma_start3A_958 = arith.constant 0 : i32
    %dma_start3A_959 = arith.constant 0 : i32
    %dma_start3A_960 = tpu.memref_slice %arg6[%dma_start3A_946, %dma_start3A_958, %dma_start3A_959] : memref<7x128x128xf32, #tpu.memory_space<vmem>> -> memref<1x128x128xf32, #tpu.memory_space<vmem>>
    %dma_start3A_961 = tpu.memref_squeeze %dma_start3A_960 : memref<1x128x128xf32, #tpu.memory_space<vmem>> -> memref<128x128xf32, #tpu.memory_space<vmem>>
    tpu.enqueue_dma source(%dma_start3A_961 : memref<128x128xf32, #tpu.memory_space<vmem>>) target(%dma_start3A_957 : memref<128x128xf32, #tpu.memory_space<hbm>>) target_semaphore(%dma_start3A_955 : memref<!tpu.dma_semaphore, #tpu.memory_space<semaphore_mem>>)
    %dma_wait3A_962 = arith.constant 0 : i32
    %dma_wait3A_963 = arith.constant 0 : i32
    %dma_wait3A_964 = arith.constant 0 : i32
    %dma_wait3A_965 = arith.constant 0 : i32
    %dma_wait3A_966 = tpu.memref_slice %arg6[%dma_wait3A_962, %dma_wait3A_964, %dma_wait3A_965] : memref<7x128x128xf32, #tpu.memory_space<vmem>> -> memref<1x128x128xf32, #tpu.memory_space<vmem>>
    %dma_wait3A_967 = tpu.memref_squeeze %dma_wait3A_966 : memref<1x128x128xf32, #tpu.memory_space<vmem>> -> memref<128x128xf32, #tpu.memory_space<vmem>>
    %dma_wait3A_968 = arith.constant 0 : i32
    %dma_wait3A_969 = arith.constant 0 : i32
    %dma_wait3A_970 = tpu.memref_slice %arg4[%dma_wait3A_968, %dma_wait3A_969] : memref<204800x128xf32, #tpu.memory_space<hbm>> -> memref<128x128xf32, #tpu.memory_space<hbm>>
    %dma_wait3A_971 = tpu.memref_slice %arg8[%dma_wait3A_963] : memref<7x!tpu.dma_semaphore, #tpu.memory_space<semaphore_mem>> -> memref<1x!tpu.dma_semaphore, #tpu.memory_space<semaphore_mem>>
    %dma_wait3A_972 = tpu.memref_squeeze %dma_wait3A_971 : memref<1x!tpu.dma_semaphore, #tpu.memory_space<semaphore_mem>> -> memref<!tpu.dma_semaphore, #tpu.memory_space<semaphore_mem>>
    %dma_wait3A_973 = arith.constant 0 : i32
    %dma_wait3A_974 = arith.constant 0 : i32
    %dma_wait3A_975 = tpu.memref_slice %arg4[%dma_wait3A_973, %dma_wait3A_974] : memref<204800x128xf32, #tpu.memory_space<hbm>> -> memref<128x128xf32, #tpu.memory_space<hbm>>
    %dma_wait3A_976 = arith.constant 0 : i32
    %dma_wait3A_977 = arith.constant 0 : i32
    %dma_wait3A_978 = tpu.memref_slice %arg6[%dma_wait3A_962, %dma_wait3A_976, %dma_wait3A_977] : memref<7x128x128xf32, #tpu.memory_space<vmem>> -> memref<1x128x128xf32, #tpu.memory_space<vmem>>
    %dma_wait3A_979 = tpu.memref_squeeze %dma_wait3A_978 : memref<1x128x128xf32, #tpu.memory_space<vmem>> -> memref<128x128xf32, #tpu.memory_space<vmem>>
    tpu.wait_dma2 semaphore(%dma_wait3A_972 : memref<!tpu.dma_semaphore, #tpu.memory_space<semaphore_mem>>) src(%dma_wait3A_979 : memref<128x128xf32, #tpu.memory_space<vmem>>) dst(%dma_wait3A_975 : memref<128x128xf32, #tpu.memory_space<hbm>>)
    %dma_wait3A_980 = arith.constant 1 : i32
    %dma_wait3A_981 = arith.constant 1 : i32
    %dma_wait3A_982 = arith.constant 0 : i32
    %dma_wait3A_983 = arith.constant 0 : i32
    %dma_wait3A_984 = tpu.memref_slice %arg6[%dma_wait3A_980, %dma_wait3A_982, %dma_wait3A_983] : memref<7x128x128xf32, #tpu.memory_space<vmem>> -> memref<1x128x128xf32, #tpu.memory_space<vmem>>
    %dma_wait3A_985 = tpu.memref_squeeze %dma_wait3A_984 : memref<1x128x128xf32, #tpu.memory_space<vmem>> -> memref<128x128xf32, #tpu.memory_space<vmem>>
    %dma_wait3A_986 = arith.constant 0 : i32
    %dma_wait3A_987 = arith.constant 0 : i32
    %dma_wait3A_988 = tpu.memref_slice %arg4[%dma_wait3A_986, %dma_wait3A_987] : memref<204800x128xf32, #tpu.memory_space<hbm>> -> memref<128x128xf32, #tpu.memory_space<hbm>>
    %dma_wait3A_989 = tpu.memref_slice %arg8[%dma_wait3A_981] : memref<7x!tpu.dma_semaphore, #tpu.memory_space<semaphore_mem>> -> memref<1x!tpu.dma_semaphore, #tpu.memory_space<semaphore_mem>>
    %dma_wait3A_990 = tpu.memref_squeeze %dma_wait3A_989 : memref<1x!tpu.dma_semaphore, #tpu.memory_space<semaphore_mem>> -> memref<!tpu.dma_semaphore, #tpu.memory_space<semaphore_mem>>
    %dma_wait3A_991 = arith.constant 0 : i32
    %dma_wait3A_992 = arith.constant 0 : i32
    %dma_wait3A_993 = tpu.memref_slice %arg4[%dma_wait3A_991, %dma_wait3A_992] : memref<204800x128xf32, #tpu.memory_space<hbm>> -> memref<128x128xf32, #tpu.memory_space<hbm>>
    %dma_wait3A_994 = arith.constant 0 : i32
    %dma_wait3A_995 = arith.constant 0 : i32
    %dma_wait3A_996 = tpu.memref_slice %arg6[%dma_wait3A_980, %dma_wait3A_994, %dma_wait3A_995] : memref<7x128x128xf32, #tpu.memory_space<vmem>> -> memref<1x128x128xf32, #tpu.memory_space<vmem>>
    %dma_wait3A_997 = tpu.memref_squeeze %dma_wait3A_996 : memref<1x128x128xf32, #tpu.memory_space<vmem>> -> memref<128x128xf32, #tpu.memory_space<vmem>>
    tpu.wait_dma2 semaphore(%dma_wait3A_990 : memref<!tpu.dma_semaphore, #tpu.memory_space<semaphore_mem>>) src(%dma_wait3A_997 : memref<128x128xf32, #tpu.memory_space<vmem>>) dst(%dma_wait3A_993 : memref<128x128xf32, #tpu.memory_space<hbm>>)
    %dma_wait3A_998 = arith.constant 2 : i32
    %dma_wait3A_999 = arith.constant 2 : i32
    %dma_wait3A_1000 = arith.constant 0 : i32
    %dma_wait3A_1001 = arith.constant 0 : i32
    %dma_wait3A_1002 = tpu.memref_slice %arg6[%dma_wait3A_998, %dma_wait3A_1000, %dma_wait3A_1001] : memref<7x128x128xf32, #tpu.memory_space<vmem>> -> memref<1x128x128xf32, #tpu.memory_space<vmem>>
    %dma_wait3A_1003 = tpu.memref_squeeze %dma_wait3A_1002 : memref<1x128x128xf32, #tpu.memory_space<vmem>> -> memref<128x128xf32, #tpu.memory_space<vmem>>
    %dma_wait3A_1004 = arith.constant 0 : i32
    %dma_wait3A_1005 = arith.constant 0 : i32
    %dma_wait3A_1006 = tpu.memref_slice %arg4[%dma_wait3A_1004, %dma_wait3A_1005] : memref<204800x128xf32, #tpu.memory_space<hbm>> -> memref<128x128xf32, #tpu.memory_space<hbm>>
    %dma_wait3A_1007 = tpu.memref_slice %arg8[%dma_wait3A_999] : memref<7x!tpu.dma_semaphore, #tpu.memory_space<semaphore_mem>> -> memref<1x!tpu.dma_semaphore, #tpu.memory_space<semaphore_mem>>
    %dma_wait3A_1008 = tpu.memref_squeeze %dma_wait3A_1007 : memref<1x!tpu.dma_semaphore, #tpu.memory_space<semaphore_mem>> -> memref<!tpu.dma_semaphore, #tpu.memory_space<semaphore_mem>>
    %dma_wait3A_1009 = arith.constant 0 : i32
    %dma_wait3A_1010 = arith.constant 0 : i32
    %dma_wait3A_1011 = tpu.memref_slice %arg4[%dma_wait3A_1009, %dma_wait3A_1010] : memref<204800x128xf32, #tpu.memory_space<hbm>> -> memref<128x128xf32, #tpu.memory_space<hbm>>
    %dma_wait3A_1012 = arith.constant 0 : i32
    %dma_wait3A_1013 = arith.constant 0 : i32
    %dma_wait3A_1014 = tpu.memref_slice %arg6[%dma_wait3A_998, %dma_wait3A_1012, %dma_wait3A_1013] : memref<7x128x128xf32, #tpu.memory_space<vmem>> -> memref<1x128x128xf32, #tpu.memory_space<vmem>>
    %dma_wait3A_1015 = tpu.memref_squeeze %dma_wait3A_1014 : memref<1x128x128xf32, #tpu.memory_space<vmem>> -> memref<128x128xf32, #tpu.memory_space<vmem>>
    tpu.wait_dma2 semaphore(%dma_wait3A_1008 : memref<!tpu.dma_semaphore, #tpu.memory_space<semaphore_mem>>) src(%dma_wait3A_1015 : memref<128x128xf32, #tpu.memory_space<vmem>>) dst(%dma_wait3A_1011 : memref<128x128xf32, #tpu.memory_space<hbm>>)
    %dma_wait3A_1016 = arith.constant 3 : i32
    %dma_wait3A_1017 = arith.constant 3 : i32
    %dma_wait3A_1018 = arith.constant 0 : i32
    %dma_wait3A_1019 = arith.constant 0 : i32
    %dma_wait3A_1020 = tpu.memref_slice %arg6[%dma_wait3A_1016, %dma_wait3A_1018, %dma_wait3A_1019] : memref<7x128x128xf32, #tpu.memory_space<vmem>> -> memref<1x128x128xf32, #tpu.memory_space<vmem>>
    %dma_wait3A_1021 = tpu.memref_squeeze %dma_wait3A_1020 : memref<1x128x128xf32, #tpu.memory_space<vmem>> -> memref<128x128xf32, #tpu.memory_space<vmem>>
    %dma_wait3A_1022 = arith.constant 0 : i32
    %dma_wait3A_1023 = arith.constant 0 : i32
    %dma_wait3A_1024 = tpu.memref_slice %arg4[%dma_wait3A_1022, %dma_wait3A_1023] : memref<204800x128xf32, #tpu.memory_space<hbm>> -> memref<128x128xf32, #tpu.memory_space<hbm>>
    %dma_wait3A_1025 = tpu.memref_slice %arg8[%dma_wait3A_1017] : memref<7x!tpu.dma_semaphore, #tpu.memory_space<semaphore_mem>> -> memref<1x!tpu.dma_semaphore, #tpu.memory_space<semaphore_mem>>
    %dma_wait3A_1026 = tpu.memref_squeeze %dma_wait3A_1025 : memref<1x!tpu.dma_semaphore, #tpu.memory_space<semaphore_mem>> -> memref<!tpu.dma_semaphore, #tpu.memory_space<semaphore_mem>>
    %dma_wait3A_1027 = arith.constant 0 : i32
    %dma_wait3A_1028 = arith.constant 0 : i32
    %dma_wait3A_1029 = tpu.memref_slice %arg4[%dma_wait3A_1027, %dma_wait3A_1028] : memref<204800x128xf32, #tpu.memory_space<hbm>> -> memref<128x128xf32, #tpu.memory_space<hbm>>
    %dma_wait3A_1030 = arith.constant 0 : i32
    %dma_wait3A_1031 = arith.constant 0 : i32
    %dma_wait3A_1032 = tpu.memref_slice %arg6[%dma_wait3A_1016, %dma_wait3A_1030, %dma_wait3A_1031] : memref<7x128x128xf32, #tpu.memory_space<vmem>> -> memref<1x128x128xf32, #tpu.memory_space<vmem>>
    %dma_wait3A_1033 = tpu.memref_squeeze %dma_wait3A_1032 : memref<1x128x128xf32, #tpu.memory_space<vmem>> -> memref<128x128xf32, #tpu.memory_space<vmem>>
    tpu.wait_dma2 semaphore(%dma_wait3A_1026 : memref<!tpu.dma_semaphore, #tpu.memory_space<semaphore_mem>>) src(%dma_wait3A_1033 : memref<128x128xf32, #tpu.memory_space<vmem>>) dst(%dma_wait3A_1029 : memref<128x128xf32, #tpu.memory_space<hbm>>)
    %dma_wait3A_1034 = arith.constant 4 : i32
    %dma_wait3A_1035 = arith.constant 4 : i32
    %dma_wait3A_1036 = arith.constant 0 : i32
    %dma_wait3A_1037 = arith.constant 0 : i32
    %dma_wait3A_1038 = tpu.memref_slice %arg6[%dma_wait3A_1034, %dma_wait3A_1036, %dma_wait3A_1037] : memref<7x128x128xf32, #tpu.memory_space<vmem>> -> memref<1x128x128xf32, #tpu.memory_space<vmem>>
    %dma_wait3A_1039 = tpu.memref_squeeze %dma_wait3A_1038 : memref<1x128x128xf32, #tpu.memory_space<vmem>> -> memref<128x128xf32, #tpu.memory_space<vmem>>
    %dma_wait3A_1040 = arith.constant 0 : i32
    %dma_wait3A_1041 = arith.constant 0 : i32
    %dma_wait3A_1042 = tpu.memref_slice %arg4[%dma_wait3A_1040, %dma_wait3A_1041] : memref<204800x128xf32, #tpu.memory_space<hbm>> -> memref<128x128xf32, #tpu.memory_space<hbm>>
    %dma_wait3A_1043 = tpu.memref_slice %arg8[%dma_wait3A_1035] : memref<7x!tpu.dma_semaphore, #tpu.memory_space<semaphore_mem>> -> memref<1x!tpu.dma_semaphore, #tpu.memory_space<semaphore_mem>>
    %dma_wait3A_1044 = tpu.memref_squeeze %dma_wait3A_1043 : memref<1x!tpu.dma_semaphore, #tpu.memory_space<semaphore_mem>> -> memref<!tpu.dma_semaphore, #tpu.memory_space<semaphore_mem>>
    %dma_wait3A_1045 = arith.constant 0 : i32
    %dma_wait3A_1046 = arith.constant 0 : i32
    %dma_wait3A_1047 = tpu.memref_slice %arg4[%dma_wait3A_1045, %dma_wait3A_1046] : memref<204800x128xf32, #tpu.memory_space<hbm>> -> memref<128x128xf32, #tpu.memory_space<hbm>>
    %dma_wait3A_1048 = arith.constant 0 : i32
    %dma_wait3A_1049 = arith.constant 0 : i32
    %dma_wait3A_1050 = tpu.memref_slice %arg6[%dma_wait3A_1034, %dma_wait3A_1048, %dma_wait3A_1049] : memref<7x128x128xf32, #tpu.memory_space<vmem>> -> memref<1x128x128xf32, #tpu.memory_space<vmem>>
    %dma_wait3A_1051 = tpu.memref_squeeze %dma_wait3A_1050 : memref<1x128x128xf32, #tpu.memory_space<vmem>> -> memref<128x128xf32, #tpu.memory_space<vmem>>
    tpu.wait_dma2 semaphore(%dma_wait3A_1044 : memref<!tpu.dma_semaphore, #tpu.memory_space<semaphore_mem>>) src(%dma_wait3A_1051 : memref<128x128xf32, #tpu.memory_space<vmem>>) dst(%dma_wait3A_1047 : memref<128x128xf32, #tpu.memory_space<hbm>>)
    %dma_wait3A_1052 = arith.constant 5 : i32
    %dma_wait3A_1053 = arith.constant 5 : i32
    %dma_wait3A_1054 = arith.constant 0 : i32
    %dma_wait3A_1055 = arith.constant 0 : i32
    %dma_wait3A_1056 = tpu.memref_slice %arg6[%dma_wait3A_1052, %dma_wait3A_1054, %dma_wait3A_1055] : memref<7x128x128xf32, #tpu.memory_space<vmem>> -> memref<1x128x128xf32, #tpu.memory_space<vmem>>
    %dma_wait3A_1057 = tpu.memref_squeeze %dma_wait3A_1056 : memref<1x128x128xf32, #tpu.memory_space<vmem>> -> memref<128x128xf32, #tpu.memory_space<vmem>>
    %dma_wait3A_1058 = arith.constant 0 : i32
    %dma_wait3A_1059 = arith.constant 0 : i32
    %dma_wait3A_1060 = tpu.memref_slice %arg4[%dma_wait3A_1058, %dma_wait3A_1059] : memref<204800x128xf32, #tpu.memory_space<hbm>> -> memref<128x128xf32, #tpu.memory_space<hbm>>
    %dma_wait3A_1061 = tpu.memref_slice %arg8[%dma_wait3A_1053] : memref<7x!tpu.dma_semaphore, #tpu.memory_space<semaphore_mem>> -> memref<1x!tpu.dma_semaphore, #tpu.memory_space<semaphore_mem>>
    %dma_wait3A_1062 = tpu.memref_squeeze %dma_wait3A_1061 : memref<1x!tpu.dma_semaphore, #tpu.memory_space<semaphore_mem>> -> memref<!tpu.dma_semaphore, #tpu.memory_space<semaphore_mem>>
    %dma_wait3A_1063 = arith.constant 0 : i32
    %dma_wait3A_1064 = arith.constant 0 : i32
    %dma_wait3A_1065 = tpu.memref_slice %arg4[%dma_wait3A_1063, %dma_wait3A_1064] : memref<204800x128xf32, #tpu.memory_space<hbm>> -> memref<128x128xf32, #tpu.memory_space<hbm>>
    %dma_wait3A_1066 = arith.constant 0 : i32
    %dma_wait3A_1067 = arith.constant 0 : i32
    %dma_wait3A_1068 = tpu.memref_slice %arg6[%dma_wait3A_1052, %dma_wait3A_1066, %dma_wait3A_1067] : memref<7x128x128xf32, #tpu.memory_space<vmem>> -> memref<1x128x128xf32, #tpu.memory_space<vmem>>
    %dma_wait3A_1069 = tpu.memref_squeeze %dma_wait3A_1068 : memref<1x128x128xf32, #tpu.memory_space<vmem>> -> memref<128x128xf32, #tpu.memory_space<vmem>>
    tpu.wait_dma2 semaphore(%dma_wait3A_1062 : memref<!tpu.dma_semaphore, #tpu.memory_space<semaphore_mem>>) src(%dma_wait3A_1069 : memref<128x128xf32, #tpu.memory_space<vmem>>) dst(%dma_wait3A_1065 : memref<128x128xf32, #tpu.memory_space<hbm>>)
    %dma_wait3A_1070 = arith.constant 6 : i32
    %dma_wait3A_1071 = arith.constant 6 : i32
    %dma_wait3A_1072 = arith.constant 0 : i32
    %dma_wait3A_1073 = arith.constant 0 : i32
    %dma_wait3A_1074 = tpu.memref_slice %arg6[%dma_wait3A_1070, %dma_wait3A_1072, %dma_wait3A_1073] : memref<7x128x128xf32, #tpu.memory_space<vmem>> -> memref<1x128x128xf32, #tpu.memory_space<vmem>>
    %dma_wait3A_1075 = tpu.memref_squeeze %dma_wait3A_1074 : memref<1x128x128xf32, #tpu.memory_space<vmem>> -> memref<128x128xf32, #tpu.memory_space<vmem>>
    %dma_wait3A_1076 = arith.constant 0 : i32
    %dma_wait3A_1077 = arith.constant 0 : i32
    %dma_wait3A_1078 = tpu.memref_slice %arg4[%dma_wait3A_1076, %dma_wait3A_1077] : memref<204800x128xf32, #tpu.memory_space<hbm>> -> memref<128x128xf32, #tpu.memory_space<hbm>>
    %dma_wait3A_1079 = tpu.memref_slice %arg8[%dma_wait3A_1071] : memref<7x!tpu.dma_semaphore, #tpu.memory_space<semaphore_mem>> -> memref<1x!tpu.dma_semaphore, #tpu.memory_space<semaphore_mem>>
    %dma_wait3A_1080 = tpu.memref_squeeze %dma_wait3A_1079 : memref<1x!tpu.dma_semaphore, #tpu.memory_space<semaphore_mem>> -> memref<!tpu.dma_semaphore, #tpu.memory_space<semaphore_mem>>
    %dma_wait3A_1081 = arith.constant 0 : i32
    %dma_wait3A_1082 = arith.constant 0 : i32
    %dma_wait3A_1083 = tpu.memref_slice %arg4[%dma_wait3A_1081, %dma_wait3A_1082] : memref<204800x128xf32, #tpu.memory_space<hbm>> -> memref<128x128xf32, #tpu.memory_space<hbm>>
    %dma_wait3A_1084 = arith.constant 0 : i32
    %dma_wait3A_1085 = arith.constant 0 : i32
    %dma_wait3A_1086 = tpu.memref_slice %arg6[%dma_wait3A_1070, %dma_wait3A_1084, %dma_wait3A_1085] : memref<7x128x128xf32, #tpu.memory_space<vmem>> -> memref<1x128x128xf32, #tpu.memory_space<vmem>>
    %dma_wait3A_1087 = tpu.memref_squeeze %dma_wait3A_1086 : memref<1x128x128xf32, #tpu.memory_space<vmem>> -> memref<128x128xf32, #tpu.memory_space<vmem>>
    tpu.wait_dma2 semaphore(%dma_wait3A_1080 : memref<!tpu.dma_semaphore, #tpu.memory_space<semaphore_mem>>) src(%dma_wait3A_1087 : memref<128x128xf32, #tpu.memory_space<vmem>>) dst(%dma_wait3A_1083 : memref<128x128xf32, #tpu.memory_space<hbm>>)
    return
  }
}

</mosaic_0001>

<sc_bundles>
// kernel: _emb_call.3.cloned.1.call-start
scs
__scs_entry_jumppad:
0x0: {  	(pc) =	sbr.rel $0x88, $3  }
0x1: {  	(tag) =	ssettag $0x0;
	lr =	simm.s32 $0x1  }
0x2: {  	[smem:$0x3F9F] =	sst lr;
	_ =	strace $0xD0000000  }
0x3: {  	_ = 	snop  }
0x4: {  	_ = 	snop  }
0x5: {  	_ = 	snop  }
0x6: {  	_ = 	snop  }
0x7: {  	_ = 	snop  }
__scs_overlays_trampoline_lowered:
0x8: {  	[smem:$0x3FAE] =	sst s0  }
0x9: {  	[smem:$0x3FAF] =	sst s1  }
0xa: {  	[smem:$0x3FB0] =	sst s2  }
0xb: {  	[smem:$0x3FB1] =	sst s3  }
0xc: {  	[smem:$0x3FB2] =	sst s4  }
0xd: {  	[smem:$0x3FB3] =	sst s5  }
0xe: {  	[smem:$0x3FB4] =	sst s6  }
0xf: {  	[smem:$0x3FB5] =	sst s7  }
0x10: {  	[smem:$0x3FB6] =	sst s8  }
0x11: {  	[smem:$0x3FB7] =	sst s9;
	s0 =	simm.s32 @!p0 $0x0  }
0x12: {  	s1 =	sld [smem:$0x3F9D];
	s0 =	simm.s32 @p0 $0x1  }
0x13: {  	[smem:$0x3FB8] =	sst s0;
	s0 =	simm.s32 @!p1 $0x0  }
0x14: {  	s2 =	sld [smem:$0x3F9C];
	s0 =	simm.s32 @p1 $0x1  }
0x15: {  	[smem:$0x3FB9] =	sst s0;
	s0 =	simm.s32 @!p2 $0x0  }
0x16: {  	s3 =	sld [smem:$0x3FDB];
	s0 =	simm.s32 @p2 $0x1  }
0x17: {  	s4 =	simm.s32 $0x1BF5;
	[smem:$0x3FBB] =	sst s0  }
0x18: {  	s0 =	sld [smem:$0x3F9E];
	_ =	swait.ge [sflag:s4], $0x0  }
0x19: {  	s7 =	sld [smem:$0x3F9F]  }
0x1a: {  	s8 =	sadd.s32 $0xFFFFE003, lr  }
0x1b: {  	s9 =	sadd.s32 $0xFFFFFEF7, lr;
	s5 =	simm.s32 $0xFFFFFFFF;
	p2 =	slt.u32 s8, $0xFFFFF086  }
0x1c: {  	p1 =	slt.u32 s9, $0xF7A;
	s5 =	simm.s32 @!p2 $0x0  }
0x1d: {  	s5 =	simm.s32 @p1 $0x1;
	p0 =	seq.s32 s7, s2  }
0x1e: {  	s7 =	smul.u32 @!p0 $0xF7A, s2;
	p2 =	seq.s32 @!p0 s5, $0x0  }
0x1f: {  	s9 =	smul.u32 $0xF7A, s1;
	s8 =	simm.s32 @!p0 $0x1BF5;
	p2 =	por !p2, p0  }
0x20: {  	[sflag:s8] =	ssyncset.s32 @!p0 $0xFFFFF086;
	s6 =	sadd.s32 @!p0 s3, s7;
	s7 =	simm.s32 @!p0 $0x108  }
0x21: {  	s3 =	sadd.s32 s3, s9;
	s6 =	sadd.s32 @!p0 $0x88, s6;
	s7 =	simm.s32 @p2 $0x1082  }
0x22: {  	[simem:s7], [sflag:s8] =	dma.local @!p0 [hbm:s6], $0xF7A  }
0x23: {  	s9 =	sor.u32 $0xD0000000, s2;
	s6 =	simm.s32 $0x108;
	_ =	swait.ge @!p0 [sflag:s8], $0x0  }
0x24: {  	s3 =	sadd.s32 $0x88, s3;
	s6 =	simm.s32 @!p1 $0x1082;
	[sflag:s4] =	ssyncset.s32 $0xFFFFF086  }
0x25: {  	[simem:s6], [sflag:s4] =	dma.local [hbm:s3], $0xF7A  }
0x26: {  	[smem:$0x3F9F] =	sst s1;
	(tag) =	ssettag s2;
	_ =	strace s9  }
0x27: {  	s1 =	sld [smem:$0x3FAF]  }
0x28: {  	s2 =	sld [smem:$0x3FB0]  }
0x29: {  	s4 =	sld [smem:$0x3FB2]  }
0x2a: {  	p0 =	seq.s32 s5, $0x0;
	s5 =	sld [smem:$0x3FB3]  }
0x2b: {  	s6 =	sld [smem:$0x3FB4]  }
0x2c: {  	s7 =	sld [smem:$0x3FB5]  }
0x2d: {  	s3 =	simm.s32 $0x108;
	s8 =	sld [smem:$0x3FB6]  }
0x2e: {  	s3 =	simm.s32 @!p0 $0x1082;
	s9 =	sld [smem:$0x3FB7]  }
0x2f: {  	lr =	sadd.s32 s0, s3;
	s0 =	sld [smem:$0x3FAE]  }
0x30: {  	s3 =	sld [smem:$0x3FB1]  }
0x31: {  	[smem:$0x3FBA] =	sst s10  }
0x32: {  	s10 =	sld [smem:$0x3FB8];
	_ =	sdelay $0x3  }
0x33: {  	p0 =	seq.s32 s10, $0x1;
	s10 =	sld [smem:$0x3FBA];
	_ =	sdelay $0x3  }
0x34: {  	[smem:$0x3FBA] =	sst s10  }
0x35: {  	s10 =	sld [smem:$0x3FB9];
	_ =	sdelay $0x3  }
0x36: {  	p1 =	seq.s32 s10, $0x1;
	s10 =	sld [smem:$0x3FBA];
	_ =	sdelay $0x3  }
0x37: {  	[smem:$0x3FBA] =	sst s10  }
0x38: {  	s10 =	sld [smem:$0x3FBB]  }
0x39: {  	_ = 	snop;
	(pc) =	sbr.ind lr, $3  }
0x3a: {  	_ = 	snop  }
0x3b: {  	_ = 	snop  }
0x3c: {  	p2 =	seq.s32 s10, $0x1;
	s10 =	sld [smem:$0x3FBA]  }
0x3d: {  	_ =	shalt  }
0x3e: {  	_ =	shalt  }
0x3f: {  	_ =	shalt  }
0x40: {  	_ =	shalt  }
0x41: {  	_ =	shalt  }
0x42: {  	_ =	shalt  }
0x43: {  	_ =	shalt  }
0x44: {  	_ =	shalt  }
0x45: {  	_ =	shalt  }
0x46: {  	_ =	shalt  }
0x47: {  	_ =	shalt  }
0x48: {  	_ =	shalt  }
0x49: {  	_ =	shalt  }
0x4a: {  	_ =	shalt  }
0x4b: {  	_ =	shalt  }
0x4c: {  	_ =	shalt  }
0x4d: {  	_ =	shalt  }
0x4e: {  	_ =	shalt  }
0x4f: {  	_ =	shalt  }
0x50: {  	_ =	shalt  }
0x51: {  	_ =	shalt  }
0x52: {  	_ =	shalt  }
0x53: {  	_ =	shalt  }
0x54: {  	_ =	shalt  }
0x55: {  	_ =	shalt  }
0x56: {  	_ =	shalt  }
0x57: {  	_ =	shalt  }
0x58: {  	_ =	shalt  }
0x59: {  	_ =	shalt  }
0x5a: {  	_ =	shalt  }
0x5b: {  	_ =	shalt  }
0x5c: {  	_ =	shalt  }
0x5d: {  	_ =	shalt  }
0x5e: {  	_ =	shalt  }
0x5f: {  	_ =	shalt  }
0x60: {  	_ =	shalt  }
0x61: {  	_ =	shalt  }
0x62: {  	_ =	shalt  }
0x63: {  	_ =	shalt  }
0x64: {  	_ =	shalt  }
0x65: {  	_ =	shalt  }
0x66: {  	_ =	shalt  }
0x67: {  	_ =	shalt  }
0x68: {  	_ =	shalt  }
0x69: {  	_ =	shalt  }
0x6a: {  	_ =	shalt  }
0x6b: {  	_ =	shalt  }
0x6c: {  	_ =	shalt  }
0x6d: {  	_ =	shalt  }
0x6e: {  	_ =	shalt  }
0x6f: {  	_ =	shalt  }
0x70: {  	_ =	shalt  }
0x71: {  	_ =	shalt  }
0x72: {  	_ =	shalt  }
0x73: {  	_ =	shalt  }
0x74: {  	_ =	shalt  }
0x75: {  	_ =	shalt  }
0x76: {  	_ =	shalt  }
0x77: {  	_ =	shalt  }
0x78: {  	_ =	shalt  }
0x79: {  	_ =	shalt  }
0x7a: {  	_ =	shalt  }
0x7b: {  	_ =	shalt  }
0x7c: {  	_ =	shalt  }
0x7d: {  	_ =	shalt  }
0x7e: {  	_ =	shalt  }
0x7f: {  	_ =	shalt  }
0x80: {  	_ =	shalt  }
0x81: {  	_ =	shalt  }
0x82: {  	_ =	shalt  }
0x83: {  	_ =	shalt  }
0x84: {  	_ =	shalt  }
0x85: {  	_ =	shalt  }
0x86: {  	_ =	shalt  }
0x87: {  	_ =	shalt  }
.Lfunc_end0:
.L_simem_size_0:
called_computation_lowered:
.L_overlay_start_0:
0x88: {  	s2 =	sld [smem:$0x3FD9]  }
0x89: {  	s3 =	sld [smem:$0x3FFE];
	_ =	sdelay $0x1  }
0x8a: {  	s1 =	srdreg.scid  }
0x8b: {  	s0 =	sand.u32 $0x1, s1  }
0x8c: {  	s18 =	sshll.u32 s0, $0xA;
	s2 =	sadd.s32 s3, s2  }
0x8d: {  	s2 =	sadd.s32 s2, s18  }
0x8e: {  	[smem:$0x3FC6] =	sst s2  }
0x8f: {  	_ = 	snop  }
0x90: {  	s2 =	sld [smem:$0x3FC9]  }
0x91: {  	s19 =	sld [smem:$0x3FC8]  }
0x92: {  	s4 =	sld [smem:$0x3FD0];
	(tm) =	ssettm $0x1  }
0x93: {  	s5 =	sld [smem:$0x3FFB];
	_ =	sdelay $0x3  }
0x94: {  	_ =	strace s5  }
0x95: {  	s5 =	sld [smem:$0x3FFC];
	_ =	sdelay $0x3  }
0x96: {  	_ =	strace s5  }
0x97: {  	s5 =	sld [smem:$0x3FFD];
	_ =	sdelay $0x3  }
0x98: {  	_ =	strace s5  }
0x99: {  	_ =	strace $0x8FFFFFFF  }
0x9a: {  	s20 =	sld [smem:$0x3FDB];
	_ =	sdelay $0x1  }
0x9b: {  	s6 =	simm.s32 $_scs_section_size  }
0x9c: {  	s7 =	simm.s32 $_size__tile_overlayer_lowered;
	s8 =	simm.s32 $_tile_overlayer_lowered  }
0x9d: {  	s23 =	simm.s32 $0x1BFF;
	s22 =	sshll.u32 s8, $0x1;
	s5 =	sadd.s32 s6, s20  }
0x9e: {  	s9 =	simm.s32 $0x0;
	s21 =	sshll.u32 s7, $0x1;
	s7 =	sadd.s32 s22, s5  }
0x9f: {  	[timem:s9], [sflag:s23] =	dma.local [hbm:s7], s21  }
0xa0: {  	_ =	swait.ge [sflag:s23], s21  }
0xa1: {  	s6 =	ssub.s32 $0x0, s21;
	[sflag:s23] =	ssyncset.done $0x0  }
0xa2: {  	[sflag:s23] =	ssyncadd.s32 s6;
	_ =	sdelay $0x1  }
0xa3: {  	s24 =	simm.s32 $0x1B8B  }
0xa4: {  	_ =	swait.ge [sflag:s24], $0x1  }
0xa5: {  	[sflag:s24] =	ssyncset.done $0x0  }
0xa6: {  	s25 =	simm.s32 $0x1B8E;
	[sflag:s24] =	ssyncadd.s32 $0xFFFFFFFF  }
0xa7: {  	s26 =	simm.s32 $execute0_lowered;
	[smem:$0x3FD2] =	sst s25  }
0xa8: {  	s6 =	sshll.u32 s26, $0x1;
	_ =	strace $0x80000046;
	[dreg:$0x1] =	wrdreg $0xFFFFFFFF  }
0xa9: {  	s28 =	simm.s32 $_size_execute0_lowered;
	s5 =	sadd.s32 s5, s6;
	[dreg:$0x0] =	wrdreg $0x0  }
0xaa: {  	s6 =	sshll.u32 s28, $0x1;
	[dreg:$0x2] =	wrdreg s5  }
0xab: {  	[dreg:$0x3] =	wrdreg s6  }
0xac: {  	[dreg:$0x4] =	wrdreg $0xC0  }
0xad: {  	_ =	task [dreg:s9], $0x5FFFF  }
0xae: {  	[dreg:$0x1] =	wrdreg $0xFFFFFFFF  }
0xaf: {  	[dreg:$0x0] =	wrdreg $0x60  }
0xb0: {  	[dreg:$0x2] =	wrdreg s2  }
0xb1: {  	[dreg:$0x3] =	wrdreg s19  }
0xb2: {  	[dreg:$0x4] =	wrdreg s4  }
0xb3: {  	[dreg:$0x5] =	wrdreg $0x9  }
0xb4: {  	_ =	task.clear_ibuf [dreg:s9], $0x6FFFF;
	_ =	strace $0x90000046  }
0xb5: {  	s29 =	simm.s32 $0x9;
	_ =	strace $0x80000048  }
0xb6: {  	_ =	swait.ge [sflag:s29], $0x1  }
0xb7: {  	[sflag:s29] =	ssyncadd.s32 $0xFFFFFFFF  }
0xb8: {  	_ =	strace $0x90000048  }
0xb9: {  	_ =	sfence  }
0xba: {  	s30 =	sld [smem:$0x0];
	_ =	sdelay $0x2  }
0xbb: {  	s31 =	sshll.u32 s1, $0xD;
	s1 =	sshrl.u32 s1, $0x2  }
0xbc: {  	s3 =	sand.u32 $0x4000, s31;
	s1 =	sadd.s32 s1, s30  }
0xbd: {  	s0 =	sor.u32 s3, s0;
	s1 =	sshll.u32 s1, $0x11  }
0xbe: {  	s0 =	sor.u32 s1, s0  }
0xbf: {  	s0 =	sadd.s32 $0x8F2B, s0  }
0xc0: {  	[sflag:s0] =	ssyncadd.remote.s32 $0x1  }
0xc1: {  	_ =	sfence.sel $0xFFFF  }
0xc2: {  	[dreg:$0x0] =	wrdreg $0xFFFFFFFF;
	(pc) =	sbr.abs _section_cstart, $3  }
0xc3: {  	[dreg:$0x1] =	wrdreg $0xFFFFFFFF  }
0xc4: {  	_ =	task.clear_ibuf [dreg:s9], $0x2FFFF;
	_ =	strace $0x9FFFFFFF  }
0xc5: {  	(tm) =	ssettm $0x7FFFFFFF  }
tec
execute0_lowered:
.L_overlay_start_1:
0x0: {  	(tag) =	ssettag $0x1  }
0x1: {  	s1 =	srdreg.scid;
	s10 =	stileid.u32  }
0x2: {  	s0 =	rddreg [dreg:$0x0];
	s1 =	sand.u32 $0x1, s1;
	s4 =	sshll.u32 s10, $0x1  }
0x3: {  	s2 =	rddreg [dreg:$0x1];
	s5 =	sor.u32 s1, s4  }
0x4: {  	s3 =	rddreg [dreg:$0x2];
	s28 =	simm.s32 $0x9900;
	s6 =	smul.u32 $0x320, s5  }
0x5: {  	s4 =	simm.s32 $0x0;
	s7 =	ssub.s32 $0x2, s1;
	s8 =	smul.u32 $0xC8000, s5  }
0x6: {  	[smem:$0x7FF] =	sst s4;
	s9 =	sshrl.u32 s7, $0x1;
	s5 =	smul.u32 $0x19000, s5  }
0x7: {  	_ =	strace $0x80000047;
	s7 =	ssub.s32 s7, s9;
	s0 =	sadd.s32 s0, s6  }
0x8: {  	s6 =	sshrl.u32 s8, $0x3;
	s8 =	sadd.s32 s3, s5;
	[dreg:$0x8] =	wrdreg s0  }
0x9: {  	s30 =	simm.s32 $0xD900;
	s26 =	smax.u32 s7, $0x1;
	[dreg:$0x9] =	wrdreg s8  }
0xa: {  	s0 =	sadd.s32 s3, s6;
	s6 =	sadd.s32 $0x800, s8;
	[dreg:$0x18] =	wrdreg s26  }
0xb: {  	s9 =	smul.u32 $0x64, s10;
	[dreg:$0xa] =	wrdreg s6;
	s10 =	sadd.s32 $0x1000, s0  }
0xc: {  	s29 =	simm.s32 $0x1;
	s11 =	sadd.s32 $0x1800, s0;
	[dreg:$0xb] =	wrdreg s10  }
0xd: {  	s31 =	simm.s32 $0x2;
	s12 =	sadd.s32 $0x2000, s0;
	[dreg:$0xc] =	wrdreg s11  }
0xe: {  	s1 =	smul.u32 $0x32, s1;
	s13 =	sadd.s32 $0x2800, s0;
	[dreg:$0xd] =	wrdreg s12  }
0xf: {  	s5 =	simm.s32 $0x8;
	s14 =	sadd.s32 $0x3000, s0;
	[dreg:$0xe] =	wrdreg s13  }
0x10: {  	s7 =	simm.s32 $0x3;
	s15 =	sadd.s32 $0x15000, s0;
	[dreg:$0xf] =	wrdreg s14  }
0x11: {  	s1 =	sadd.s32 s1, s9;
	s16 =	sadd.s32 $0x15800, s0;
	[dreg:$0x10] =	wrdreg s15  }
0x12: {  	s26 =	simm.s32 $0x15900;
	s17 =	sadd.s32 $0x16000, s0;
	[dreg:$0x11] =	wrdreg s16  }
0x13: {  	s8 =	simm.s32 $0x9;
	s18 =	sadd.s32 $0x16800, s0;
	[dreg:$0x12] =	wrdreg s17  }
0x14: {  	s9 =	simm.s32 $0x4;
	s19 =	sadd.s32 $0x17000, s0;
	[dreg:$0x13] =	wrdreg s18  }
0x15: {  	s1 =	sshll.u32 s1, $0xB;
	s21 =	sadd.s32 $0x17800, s0;
	[dreg:$0x14] =	wrdreg s19  }
0x16: {  	s23 =	sadd.s32 $0x18000, s0;
	s0 =	sadd.s32 $0x18800, s0;
	[dreg:$0x15] =	wrdreg s21  }
0x17: {  	s6 =	simm.s32 $0xD;
	s20 =	sadd.s32 $0x6000, s1;
	[dreg:$0x16] =	wrdreg s23  }
0x18: {  	s22 =	sadd.s32 $0x5000, s1;
	s24 =	sadd.s32 $0x4000, s1;
	[dreg:$0x17] =	wrdreg s0  }
0x19: {  	s25 =	sadd.s32 $0x3800, s1;
	s23 =	simm.s32 $0x80;
	s1 =	simm.s32 $0x11900  }
0x1a: {  	s0 =	simm.s32 $0x19900;
	s10 =	simm.s32 $0xA;
	s11 =	simm.s32 $0x5  }
0x1b: {  	s12 =	simm.s32 $0xB;
	s13 =	simm.s32 $0x6;
	[dreg:$0x4] =	wrdreg s20  }
0x1c: {  	s14 =	simm.s32 $0xC;
	s15 =	simm.s32 $0x7;
	[dreg:$0x5] =	wrdreg s22  }
0x1d: {  	s16 =	simm.s32 $0xE;
	s17 =	simm.s32 $0x0;
	[dreg:$0x6] =	wrdreg s24  }
0x1e: {  	[dreg:$0x7] =	wrdreg s25;
	s24 =	simm.s32 $0x1900;
	s25 =	simm.s32 $0x5900  }
.LBB2_1:
0x1f: {  	s18 =	rddreg [dreg:$0x8];
	s22 =	simm.s32 $0xF  }
0x20: {  	[tilespmem:s4], [sflag:$0xF] =	stream.linear.gather [hbm4b:s18+s4], $0x1900, $0x38;
	[tilespmem:$0x1D900] =	vst v63  }
0x21: {  	_ =	swait.ge [sflag:s22], $0x1900  }
0x22: {  	[sflag:s22] =	ssyncset.done $0x0  }
0x23: {  	[sflag:s22] =	ssyncadd.s32 $0xFFFFE700  }
0x24: {  	[tilespmem:s24], [sflag:$0x1] =	stream.indirect.gather [hbm4b:s2+s23], $0x80, s4, s23, $0xb8;
	[tilespmem:$0x1D900] =	vst v63  }
0x25: {  	_ = 	snop  }
0x26: {  	[tilespmem:s25], [sflag:$0x2] =	stream.indirect.gather [hbm4b:s2+s23], $0x80, s23, s23, $0xb8;
	[tilespmem:$0x1D900] =	vst v63  }
0x27: {  	s19 =	simm.s32 $0x100  }
0x28: {  	[tilespmem:s28], [sflag:$0x3] =	stream.indirect.gather [hbm4b:s2+s23], $0x80, s19, s23, $0xb8;
	[tilespmem:$0x1D900] =	vst v63  }
0x29: {  	s20 =	simm.s32 $0x180  }
0x2a: {  	[tilespmem:s30], [sflag:$0x4] =	stream.indirect.gather [hbm4b:s2+s23], $0x80, s20, s23, $0xb8;
	[tilespmem:$0x1D900] =	vst v63  }
0x2b: {  	s21 =	simm.s32 $0x200  }
0x2c: {  	[tilespmem:s1], [sflag:$0x5] =	stream.indirect.gather [hbm4b:s2+s23], $0x80, s21, s23, $0xb8;
	[tilespmem:$0x1D900] =	vst v63  }
0x2d: {  	s22 =	simm.s32 $0x280  }
0x2e: {  	[tilespmem:s26], [sflag:$0x6] =	stream.indirect.gather [hbm4b:s2+s23], $0x80, s22, s23, $0xb8;
	[tilespmem:$0x1D900] =	vst v63  }
0x2f: {  	_ =	swait.ge [sflag:s29], $0x4000  }
0x30: {  	[sflag:s29] =	ssyncset.done $0x0  }
0x31: {  	s19 =	rddreg [dreg:$0x9];
	[sflag:s29] =	ssyncadd.s32 $0xFFFFC000  }
0x32: {  	[hbm4b:s19+s4] =	stream.linear.scatter [tilespmem:s24], [sflag:$0x8], $0x4000, $0x38;
	[tilespmem:$0x1D900] =	vst v63  }
0x33: {  	s20 =	simm.s32 $0x300  }
0x34: {  	[tilespmem:s0], [sflag:$0x7] =	stream.indirect.gather [hbm4b:s2+s23], $0x80, s20, s23, $0xb8;
	[tilespmem:$0x1D900] =	vst v63  }
0x35: {  	_ =	swait.ge [sflag:s31], $0x4000  }
0x36: {  	[sflag:s31] =	ssyncset.done $0x0  }
0x37: {  	s21 =	rddreg [dreg:$0xa];
	[sflag:s31] =	ssyncadd.s32 $0xFFFFC000  }
0x38: {  	[hbm4b:s21+s4] =	stream.linear.scatter [tilespmem:s25], [sflag:$0x9], $0x4000, $0x38;
	[tilespmem:$0x1D900] =	vst v63  }
0x39: {  	_ =	swait.ge [sflag:s5], $0x4000  }
0x3a: {  	[sflag:s5] =	ssyncset.done $0x0  }
0x3b: {  	s22 =	simm.s32 $0x380;
	[sflag:s5] =	ssyncadd.s32 $0xFFFFC000  }
0x3c: {  	[tilespmem:s24], [sflag:$0x1] =	stream.indirect.gather [hbm4b:s2+s23], $0x80, s22, s23, $0xb8;
	[tilespmem:$0x1D900] =	vst v63  }
0x3d: {  	_ =	swait.ge [sflag:s7], $0x4000  }
0x3e: {  	[sflag:s7] =	ssyncset.done $0x0  }
0x3f: {  	s19 =	rddreg [dreg:$0xb];
	[sflag:s7] =	ssyncadd.s32 $0xFFFFC000  }
0x40: {  	[hbm4b:s19+s4] =	stream.linear.scatter [tilespmem:s28], [sflag:$0xA], $0x4000, $0x38;
	[tilespmem:$0x1D900] =	vst v63  }
0x41: {  	_ =	swait.ge [sflag:s8], $0x4000  }
0x42: {  	[sflag:s8] =	ssyncset.done $0x0  }
0x43: {  	s20 =	simm.s32 $0x400;
	[sflag:s8] =	ssyncadd.s32 $0xFFFFC000  }
0x44: {  	[tilespmem:s25], [sflag:$0x2] =	stream.indirect.gather [hbm4b:s2+s23], $0x80, s20, s23, $0xb8;
	[tilespmem:$0x1D900] =	vst v63  }
0x45: {  	_ =	swait.ge [sflag:s9], $0x4000  }
0x46: {  	[sflag:s9] =	ssyncset.done $0x0  }
0x47: {  	s21 =	rddreg [dreg:$0xc];
	[sflag:s9] =	ssyncadd.s32 $0xFFFFC000  }
0x48: {  	[hbm4b:s21+s4] =	stream.linear.scatter [tilespmem:s30], [sflag:$0xB], $0x4000, $0x38;
	[tilespmem:$0x1D900] =	vst v63  }
0x49: {  	_ =	swait.ge [sflag:s10], $0x4000  }
0x4a: {  	[sflag:s10] =	ssyncset.done $0x0  }
0x4b: {  	s22 =	simm.s32 $0x480;
	[sflag:s10] =	ssyncadd.s32 $0xFFFFC000  }
0x4c: {  	[tilespmem:s28], [sflag:$0x3] =	stream.indirect.gather [hbm4b:s2+s23], $0x80, s22, s23, $0xb8;
	[tilespmem:$0x1D900] =	vst v63  }
0x4d: {  	_ =	swait.ge [sflag:s11], $0x4000  }
0x4e: {  	[sflag:s11] =	ssyncset.done $0x0  }
0x4f: {  	s19 =	rddreg [dreg:$0xd];
	[sflag:s11] =	ssyncadd.s32 $0xFFFFC000  }
0x50: {  	[hbm4b:s19+s4] =	stream.linear.scatter [tilespmem:s1], [sflag:$0xC], $0x4000, $0x38;
	[tilespmem:$0x1D900] =	vst v63  }
0x51: {  	_ =	swait.ge [sflag:s12], $0x4000  }
0x52: {  	[sflag:s12] =	ssyncset.done $0x0  }
0x53: {  	s20 =	simm.s32 $0x500;
	[sflag:s12] =	ssyncadd.s32 $0xFFFFC000  }
0x54: {  	[tilespmem:s30], [sflag:$0x4] =	stream.indirect.gather [hbm4b:s2+s23], $0x80, s20, s23, $0xb8;
	[tilespmem:$0x1D900] =	vst v63  }
0x55: {  	_ =	swait.ge [sflag:s13], $0x4000  }
0x56: {  	[sflag:s13] =	ssyncset.done $0x0  }
0x57: {  	s21 =	rddreg [dreg:$0xe];
	[sflag:s13] =	ssyncadd.s32 $0xFFFFC000  }
0x58: {  	[hbm4b:s21+s4] =	stream.linear.scatter [tilespmem:s26], [sflag:$0xD], $0x4000, $0x38;
	[tilespmem:$0x1D900] =	vst v63  }
0x59: {  	_ =	swait.ge [sflag:s14], $0x4000  }
0x5a: {  	[sflag:s14] =	ssyncset.done $0x0  }
0x5b: {  	s22 =	simm.s32 $0x580;
	[sflag:s14] =	ssyncadd.s32 $0xFFFFC000  }
0x5c: {  	[tilespmem:s1], [sflag:$0x5] =	stream.indirect.gather [hbm4b:s2+s23], $0x80, s22, s23, $0xb8;
	[tilespmem:$0x1D900] =	vst v63  }
0x5d: {  	_ =	swait.ge [sflag:s15], $0x4000  }
0x5e: {  	[sflag:s15] =	ssyncset.done $0x0  }
0x5f: {  	s19 =	rddreg [dreg:$0xf];
	[sflag:s15] =	ssyncadd.s32 $0xFFFFC000  }
0x60: {  	[hbm4b:s19+s4] =	stream.linear.scatter [tilespmem:s0], [sflag:$0xE], $0x4000, $0x38;
	[tilespmem:$0x1D900] =	vst v63  }
0x61: {  	_ =	swait.ge [sflag:s6], $0x4000  }
0x62: {  	[sflag:s6] =	ssyncset.done $0x0  }
0x63: {  	s20 =	simm.s32 $0x600;
	[sflag:s6] =	ssyncadd.s32 $0xFFFFC000  }
0x64: {  	[tilespmem:s26], [sflag:$0x6] =	stream.indirect.gather [hbm4b:s2+s23], $0x80, s20, s23, $0xb8;
	[tilespmem:$0x1D900] =	vst v63  }
0x65: {  	_ =	swait.ge [sflag:s29], $0x4000  }
0x66: {  	s21 =	rddreg [dreg:$0x7];
	[sflag:s29] =	ssyncset.done $0x0  }
0x67: {  	[sflag:s29] =	ssyncadd.s32 $0xFFFFC000;
	s18 =	sadd.s32 s3, s21  }
0x68: {  	[hbm4b:s18+s4] =	stream.linear.scatter [tilespmem:s24], [sflag:$0x8], $0x4000, $0x38;
	[tilespmem:$0x1D900] =	vst v63  }
0x69: {  	_ =	swait.ge [sflag:s16], $0x4000  }
0x6a: {  	[sflag:s16] =	ssyncset.done $0x0  }
0x6b: {  	s22 =	simm.s32 $0x680;
	[sflag:s16] =	ssyncadd.s32 $0xFFFFC000  }
0x6c: {  	[tilespmem:s0], [sflag:$0x7] =	stream.indirect.gather [hbm4b:s2+s23], $0x80, s22, s23, $0xb8;
	[tilespmem:$0x1D900] =	vst v63  }
0x6d: {  	_ =	swait.ge [sflag:s31], $0x4000  }
0x6e: {  	s19 =	rddreg [dreg:$0x6];
	[sflag:s31] =	ssyncset.done $0x0  }
0x6f: {  	[sflag:s31] =	ssyncadd.s32 $0xFFFFC000;
	s18 =	sadd.s32 s3, s19  }
0x70: {  	[hbm4b:s18+s4] =	stream.linear.scatter [tilespmem:s25], [sflag:$0x9], $0x4000, $0x38;
	[tilespmem:$0x1D900] =	vst v63  }
0x71: {  	_ =	swait.ge [sflag:s5], $0x4000  }
0x72: {  	[sflag:s5] =	ssyncset.done $0x0  }
0x73: {  	s19 =	simm.s32 $0x700;
	[sflag:s5] =	ssyncadd.s32 $0xFFFFC000  }
0x74: {  	[tilespmem:s24], [sflag:$0x1] =	stream.indirect.gather [hbm4b:s2+s23], $0x80, s19, s23, $0xb8;
	[tilespmem:$0x1D900] =	vst v63  }
0x75: {  	_ =	swait.ge [sflag:s7], $0x4000  }
0x76: {  	[sflag:s7] =	ssyncset.done $0x0  }
0x77: {  	s18 =	sadd.s32 $0x800, s18;
	[sflag:s7] =	ssyncadd.s32 $0xFFFFC000  }
0x78: {  	[hbm4b:s18+s4] =	stream.linear.scatter [tilespmem:s28], [sflag:$0xA], $0x4000, $0x38;
	[tilespmem:$0x1D900] =	vst v63  }
0x79: {  	_ =	swait.ge [sflag:s8], $0x4000  }
0x7a: {  	[sflag:s8] =	ssyncset.done $0x0  }
0x7b: {  	s20 =	simm.s32 $0x780;
	[sflag:s8] =	ssyncadd.s32 $0xFFFFC000  }
0x7c: {  	[tilespmem:s25], [sflag:$0x2] =	stream.indirect.gather [hbm4b:s2+s23], $0x80, s20, s23, $0xb8;
	[tilespmem:$0x1D900] =	vst v63  }
0x7d: {  	_ =	swait.ge [sflag:s9], $0x4000  }
0x7e: {  	s21 =	rddreg [dreg:$0x5];
	[sflag:s9] =	ssyncset.done $0x0  }
0x7f: {  	[sflag:s9] =	ssyncadd.s32 $0xFFFFC000;
	s18 =	sadd.s32 s3, s21  }
0x80: {  	[hbm4b:s18+s4] =	stream.linear.scatter [tilespmem:s30], [sflag:$0xB], $0x4000, $0x38;
	[tilespmem:$0x1D900] =	vst v63  }
0x81: {  	_ =	swait.ge [sflag:s10], $0x4000  }
0x82: {  	[sflag:s10] =	ssyncset.done $0x0  }
0x83: {  	s22 =	simm.s32 $0x800;
	[sflag:s10] =	ssyncadd.s32 $0xFFFFC000  }
0x84: {  	[tilespmem:s28], [sflag:$0x3] =	stream.indirect.gather [hbm4b:s2+s23], $0x80, s22, s23, $0xb8;
	[tilespmem:$0x1D900] =	vst v63  }
0x85: {  	_ =	swait.ge [sflag:s11], $0x4000  }
0x86: {  	[sflag:s11] =	ssyncset.done $0x0  }
0x87: {  	s18 =	sadd.s32 $0x800, s18;
	[sflag:s11] =	ssyncadd.s32 $0xFFFFC000  }
0x88: {  	[hbm4b:s18+s4] =	stream.linear.scatter [tilespmem:s1], [sflag:$0xC], $0x4000, $0x38;
	[tilespmem:$0x1D900] =	vst v63  }
0x89: {  	_ =	swait.ge [sflag:s12], $0x4000  }
0x8a: {  	[sflag:s12] =	ssyncset.done $0x0  }
0x8b: {  	s20 =	simm.s32 $0x880;
	[sflag:s12] =	ssyncadd.s32 $0xFFFFC000  }
0x8c: {  	[tilespmem:s30], [sflag:$0x4] =	stream.indirect.gather [hbm4b:s2+s23], $0x80, s20, s23, $0xb8;
	[tilespmem:$0x1D900] =	vst v63  }
0x8d: {  	_ =	swait.ge [sflag:s13], $0x4000  }
0x8e: {  	s21 =	rddreg [dreg:$0x4];
	[sflag:s13] =	ssyncset.done $0x0  }
0x8f: {  	[sflag:s13] =	ssyncadd.s32 $0xFFFFC000;
	s18 =	sadd.s32 s3, s21  }
0x90: {  	[hbm4b:s18+s4] =	stream.linear.scatter [tilespmem:s26], [sflag:$0xD], $0x4000, $0x38;
	[tilespmem:$0x1D900] =	vst v63  }
0x91: {  	_ =	swait.ge [sflag:s14], $0x4000  }
0x92: {  	[sflag:s14] =	ssyncset.done $0x0  }
0x93: {  	s22 =	simm.s32 $0x900;
	[sflag:s14] =	ssyncadd.s32 $0xFFFFC000  }
0x94: {  	[tilespmem:s1], [sflag:$0x5] =	stream.indirect.gather [hbm4b:s2+s23], $0x80, s22, s23, $0xb8;
	[tilespmem:$0x1D900] =	vst v63  }
0x95: {  	_ =	swait.ge [sflag:s15], $0x4000  }
0x96: {  	[sflag:s15] =	ssyncset.done $0x0  }
0x97: {  	s18 =	sadd.s32 $0x800, s18;
	[sflag:s15] =	ssyncadd.s32 $0xFFFFC000  }
0x98: {  	[hbm4b:s18+s4] =	stream.linear.scatter [tilespmem:s0], [sflag:$0xE], $0x4000, $0x38;
	[tilespmem:$0x1D900] =	vst v63  }
0x99: {  	_ =	swait.ge [sflag:s6], $0x4000  }
0x9a: {  	s19 =	sadd.s32 $0x3800, s3;
	[sflag:s6] =	ssyncset.done $0x0  }
0x9b: {  	s20 =	simm.s32 $0x980;
	s18 =	simm.s32 $0xE00;
	[sflag:s6] =	ssyncadd.s32 $0xFFFFC000  }
.LBB2_2:
0x9c: {  	[tilespmem:s26], [sflag:$0x6] =	stream.indirect.gather [hbm4b:s2+s23], $0x80, s20, s23, $0xb8;
	[tilespmem:$0x1D900] =	vst v63  }
0x9d: {  	_ =	swait.ge [sflag:s29], $0x4000  }
0x9e: {  	s21 =	rddreg [dreg:$0x7];
	[sflag:s29] =	ssyncset.done $0x0  }
0x9f: {  	[sflag:s29] =	ssyncadd.s32 $0xFFFFC000;
	s21 =	sadd.s32 s19, s21  }
0xa0: {  	[hbm4b:s21+s4] =	stream.linear.scatter [tilespmem:s24], [sflag:$0x8], $0x4000, $0x38;
	[tilespmem:$0x1D900] =	vst v63  }
0xa1: {  	s22 =	smov.u32 s18;
	_ =	swait.ge [sflag:s16], $0x4000  }
0xa2: {  	s20 =	sshra.s32 s22, $0x2;
	[sflag:s16] =	ssyncset.done $0x0  }
0xa3: {  	s22 =	sadd.s32 $0x680, s20;
	[sflag:s16] =	ssyncadd.s32 $0xFFFFC000  }
0xa4: {  	[tilespmem:s0], [sflag:$0x7] =	stream.indirect.gather [hbm4b:s2+s23], $0x80, s22, s23, $0xb8;
	[tilespmem:$0x1D900] =	vst v63  }
0xa5: {  	_ =	swait.ge [sflag:s31], $0x4000  }
0xa6: {  	s22 =	rddreg [dreg:$0x6];
	[sflag:s31] =	ssyncset.done $0x0  }
0xa7: {  	[sflag:s31] =	ssyncadd.s32 $0xFFFFC000;
	s21 =	sadd.s32 s19, s22  }
0xa8: {  	[hbm4b:s21+s4] =	stream.linear.scatter [tilespmem:s25], [sflag:$0x9], $0x4000, $0x38;
	[tilespmem:$0x1D900] =	vst v63  }
0xa9: {  	_ =	swait.ge [sflag:s5], $0x4000  }
0xaa: {  	[sflag:s5] =	ssyncset.done $0x0  }
0xab: {  	s22 =	sadd.s32 $0x700, s20;
	[sflag:s5] =	ssyncadd.s32 $0xFFFFC000  }
0xac: {  	[tilespmem:s24], [sflag:$0x1] =	stream.indirect.gather [hbm4b:s2+s23], $0x80, s22, s23, $0xb8;
	[tilespmem:$0x1D900] =	vst v63  }
0xad: {  	_ =	swait.ge [sflag:s7], $0x4000  }
0xae: {  	[sflag:s7] =	ssyncset.done $0x0  }
0xaf: {  	s21 =	sadd.s32 $0x800, s21;
	[sflag:s7] =	ssyncadd.s32 $0xFFFFC000  }
0xb0: {  	[hbm4b:s21+s4] =	stream.linear.scatter [tilespmem:s28], [sflag:$0xA], $0x4000, $0x38;
	[tilespmem:$0x1D900] =	vst v63  }
0xb1: {  	_ =	swait.ge [sflag:s8], $0x4000  }
0xb2: {  	[sflag:s8] =	ssyncset.done $0x0  }
0xb3: {  	s22 =	sadd.s32 $0x780, s20;
	[sflag:s8] =	ssyncadd.s32 $0xFFFFC000  }
0xb4: {  	[tilespmem:s25], [sflag:$0x2] =	stream.indirect.gather [hbm4b:s2+s23], $0x80, s22, s23, $0xb8;
	[tilespmem:$0x1D900] =	vst v63  }
0xb5: {  	_ =	swait.ge [sflag:s9], $0x4000  }
0xb6: {  	s22 =	rddreg [dreg:$0x5];
	[sflag:s9] =	ssyncset.done $0x0  }
0xb7: {  	[sflag:s9] =	ssyncadd.s32 $0xFFFFC000;
	s21 =	sadd.s32 s19, s22  }
0xb8: {  	[hbm4b:s21+s4] =	stream.linear.scatter [tilespmem:s30], [sflag:$0xB], $0x4000, $0x38;
	[tilespmem:$0x1D900] =	vst v63  }
0xb9: {  	_ =	swait.ge [sflag:s10], $0x4000  }
0xba: {  	[sflag:s10] =	ssyncset.done $0x0  }
0xbb: {  	s22 =	sadd.s32 $0x800, s20;
	[sflag:s10] =	ssyncadd.s32 $0xFFFFC000  }
0xbc: {  	[tilespmem:s28], [sflag:$0x3] =	stream.indirect.gather [hbm4b:s2+s23], $0x80, s22, s23, $0xb8;
	[tilespmem:$0x1D900] =	vst v63  }
0xbd: {  	_ =	swait.ge [sflag:s11], $0x4000  }
0xbe: {  	[sflag:s11] =	ssyncset.done $0x0  }
0xbf: {  	s21 =	sadd.s32 $0x800, s21;
	[sflag:s11] =	ssyncadd.s32 $0xFFFFC000  }
0xc0: {  	[hbm4b:s21+s4] =	stream.linear.scatter [tilespmem:s1], [sflag:$0xC], $0x4000, $0x38;
	[tilespmem:$0x1D900] =	vst v63  }
0xc1: {  	_ =	swait.ge [sflag:s12], $0x4000  }
0xc2: {  	[sflag:s12] =	ssyncset.done $0x0  }
0xc3: {  	s22 =	sadd.s32 $0x880, s20;
	[sflag:s12] =	ssyncadd.s32 $0xFFFFC000  }
0xc4: {  	[tilespmem:s30], [sflag:$0x4] =	stream.indirect.gather [hbm4b:s2+s23], $0x80, s22, s23, $0xb8;
	[tilespmem:$0x1D900] =	vst v63  }
0xc5: {  	_ =	swait.ge [sflag:s13], $0x4000  }
0xc6: {  	s22 =	rddreg [dreg:$0x4];
	[sflag:s13] =	ssyncset.done $0x0  }
0xc7: {  	[sflag:s13] =	ssyncadd.s32 $0xFFFFC000;
	s21 =	sadd.s32 s19, s22  }
0xc8: {  	[hbm4b:s21+s4] =	stream.linear.scatter [tilespmem:s26], [sflag:$0xD], $0x4000, $0x38;
	[tilespmem:$0x1D900] =	vst v63  }
0xc9: {  	_ =	swait.ge [sflag:s14], $0x4000  }
0xca: {  	[sflag:s14] =	ssyncset.done $0x0  }
0xcb: {  	s22 =	sadd.s32 $0x900, s20;
	[sflag:s14] =	ssyncadd.s32 $0xFFFFC000  }
0xcc: {  	[tilespmem:s1], [sflag:$0x5] =	stream.indirect.gather [hbm4b:s2+s23], $0x80, s22, s23, $0xb8;
	[tilespmem:$0x1D900] =	vst v63  }
0xcd: {  	_ =	swait.ge [sflag:s15], $0x4000  }
0xce: {  	p0 =	sne.s32 s18, $0x3800;
	[sflag:s15] =	ssyncset.done $0x0  }
.Ltmp0:
0xcf: {  	s21 =	sadd.s32 $0x800, s21;
	[sflag:s15] =	ssyncadd.s32 $0xFFFFC000;
	(pc) =	sbr.rel @p0 .LBB2_2-.Ltmp0, $4  }
0xd0: {  	[hbm4b:s21+s4] =	stream.linear.scatter [tilespmem:s0], [sflag:$0xE], $0x4000, $0x38;
	[tilespmem:$0x1D900] =	vst v63  }
0xd1: {  	_ =	swait.ge [sflag:s6], $0x4000  }
0xd2: {  	s18 =	sadd.s32 $0xE00, s18;
	[sflag:s6] =	ssyncset.done $0x0  }
0xd3: {  	s20 =	sadd.s32 $0x980, s20;
	s19 =	sadd.s32 $0x3800, s19;
	[sflag:s6] =	ssyncadd.s32 $0xFFFFC000  }
0xd4: {  	[tilespmem:s26], [sflag:$0x6] =	stream.indirect.gather [hbm4b:s2+s23], $0x80, s20, s23, $0xb8;
	[tilespmem:$0x1D900] =	vst v63  }
0xd5: {  	_ =	swait.ge [sflag:s29], $0x4000  }
0xd6: {  	[sflag:s29] =	ssyncset.done $0x0  }
0xd7: {  	s18 =	rddreg [dreg:$0x10];
	[sflag:s29] =	ssyncadd.s32 $0xFFFFC000  }
0xd8: {  	[hbm4b:s18+s4] =	stream.linear.scatter [tilespmem:s24], [sflag:$0x8], $0x4000, $0x38;
	[tilespmem:$0x1D900] =	vst v63  }
0xd9: {  	_ =	swait.ge [sflag:s16], $0x4000  }
0xda: {  	[sflag:s16] =	ssyncset.done $0x0  }
0xdb: {  	s21 =	simm.s32 $0x1800;
	[sflag:s16] =	ssyncadd.s32 $0xFFFFC000  }
0xdc: {  	[tilespmem:s0], [sflag:$0x7] =	stream.indirect.gather [hbm4b:s2+s23], $0x80, s21, s23, $0xb8;
	[tilespmem:$0x1D900] =	vst v63  }
0xdd: {  	_ =	swait.ge [sflag:s31], $0x4000  }
0xde: {  	[sflag:s31] =	ssyncset.done $0x0  }
0xdf: {  	s22 =	rddreg [dreg:$0x11];
	[sflag:s31] =	ssyncadd.s32 $0xFFFFC000  }
0xe0: {  	[hbm4b:s22+s4] =	stream.linear.scatter [tilespmem:s25], [sflag:$0x9], $0x4000, $0x38;
	[tilespmem:$0x1D900] =	vst v63  }
0xe1: {  	_ =	swait.ge [sflag:s5], $0x4000  }
0xe2: {  	[sflag:s5] =	ssyncset.done $0x0  }
0xe3: {  	s19 =	simm.s32 $0x1880;
	[sflag:s5] =	ssyncadd.s32 $0xFFFFC000  }
0xe4: {  	[tilespmem:s24], [sflag:$0x1] =	stream.indirect.gather [hbm4b:s2+s23], $0x80, s19, s23, $0xb8;
	[tilespmem:$0x1D900] =	vst v63  }
0xe5: {  	_ =	swait.ge [sflag:s7], $0x4000  }
0xe6: {  	[sflag:s7] =	ssyncset.done $0x0  }
0xe7: {  	s20 =	rddreg [dreg:$0x12];
	[sflag:s7] =	ssyncadd.s32 $0xFFFFC000  }
0xe8: {  	[hbm4b:s20+s4] =	stream.linear.scatter [tilespmem:s28], [sflag:$0xA], $0x4000, $0x38;
	[tilespmem:$0x1D900] =	vst v63  }
0xe9: {  	_ =	swait.ge [sflag:s9], $0x4000  }
0xea: {  	[sflag:s9] =	ssyncset.done $0x0  }
0xeb: {  	s21 =	rddreg [dreg:$0x13];
	[sflag:s9] =	ssyncadd.s32 $0xFFFFC000  }
0xec: {  	[hbm4b:s21+s4] =	stream.linear.scatter [tilespmem:s30], [sflag:$0xB], $0x4000, $0x38;
	[tilespmem:$0x1D900] =	vst v63  }
0xed: {  	_ =	swait.ge [sflag:s11], $0x4000  }
0xee: {  	[sflag:s11] =	ssyncset.done $0x0  }
0xef: {  	s22 =	rddreg [dreg:$0x14];
	[sflag:s11] =	ssyncadd.s32 $0xFFFFC000  }
0xf0: {  	[hbm4b:s22+s4] =	stream.linear.scatter [tilespmem:s1], [sflag:$0xC], $0x4000, $0x38;
	[tilespmem:$0x1D900] =	vst v63  }
0xf1: {  	_ =	swait.ge [sflag:s13], $0x4000  }
0xf2: {  	[sflag:s13] =	ssyncset.done $0x0  }
0xf3: {  	s19 =	rddreg [dreg:$0x15];
	[sflag:s13] =	ssyncadd.s32 $0xFFFFC000  }
0xf4: {  	[hbm4b:s19+s4] =	stream.linear.scatter [tilespmem:s26], [sflag:$0xD], $0x4000, $0x38;
	[tilespmem:$0x1D900] =	vst v63  }
0xf5: {  	_ =	swait.ge [sflag:s15], $0x4000  }
0xf6: {  	[sflag:s15] =	ssyncset.done $0x0  }
0xf7: {  	s20 =	rddreg [dreg:$0x16];
	[sflag:s15] =	ssyncadd.s32 $0xFFFFC000  }
0xf8: {  	[hbm4b:s20+s4] =	stream.linear.scatter [tilespmem:s0], [sflag:$0xE], $0x4000, $0x38;
	[tilespmem:$0x1D900] =	vst v63  }
0xf9: {  	_ =	swait.ge [sflag:s29], $0x4000  }
0xfa: {  	[sflag:s29] =	ssyncset.done $0x0  }
0xfb: {  	s21 =	rddreg [dreg:$0x17];
	[sflag:s29] =	ssyncadd.s32 $0xFFFFC000  }
0xfc: {  	[hbm4b:s21+s4] =	stream.linear.scatter [tilespmem:s24], [sflag:$0x8], $0x4000, $0x38;
	[tilespmem:$0x1D900] =	vst v63  }
0xfd: {  	_ =	swait.ge [sflag:s5], $0x4000  }
0xfe: {  	[sflag:s5] =	ssyncset.done $0x0  }
0xff: {  	[sflag:s5] =	ssyncadd.s32 $0xFFFFC000  }
0x100: {  	_ =	swait.ge [sflag:s8], $0x4000  }
0x101: {  	[sflag:s8] =	ssyncset.done $0x0  }
0x102: {  	[sflag:s8] =	ssyncadd.s32 $0xFFFFC000  }
0x103: {  	_ =	swait.ge [sflag:s10], $0x4000  }
0x104: {  	[sflag:s10] =	ssyncset.done $0x0  }
0x105: {  	[sflag:s10] =	ssyncadd.s32 $0xFFFFC000  }
0x106: {  	_ =	swait.ge [sflag:s12], $0x4000  }
0x107: {  	[sflag:s12] =	ssyncset.done $0x0  }
0x108: {  	[sflag:s12] =	ssyncadd.s32 $0xFFFFC000  }
0x109: {  	_ =	swait.ge [sflag:s14], $0x4000  }
0x10a: {  	[sflag:s14] =	ssyncset.done $0x0  }
0x10b: {  	[sflag:s14] =	ssyncadd.s32 $0xFFFFC000  }
0x10c: {  	_ =	swait.ge [sflag:s6], $0x4000  }
0x10d: {  	[sflag:s6] =	ssyncset.done $0x0  }
0x10e: {  	[sflag:s6] =	ssyncadd.s32 $0xFFFFC000  }
0x10f: {  	_ =	swait.ge [sflag:s16], $0x4000  }
0x110: {  	s17 =	sadd.s32 $0x1, s17;
	s22 =	rddreg [dreg:$0x18]  }
0x111: {  	p0 =	sne.s32 s17, s22  }
.Ltmp1:
0x112: {  	_ = 	snop;
	(pc) =	sbr.rel @p0 .LBB2_1-.Ltmp1, $3  }
0x113: {  	_ =	sdelay $0x1  }
0x114: {  	[sflag:s16] =	ssyncset.done $0x0  }
0x115: {  	[sflag:s16] =	ssyncadd.s32 $0xFFFFC000  }
0x116: {  	_ =	sfence.sel $0x180000  }
0x117: {  	[bflag:$0x0] =	sbarrier.arrive $0xFFFF  }
0x118: {  	_ =	strace $0x90000047  }
0x119: {  	s0 =	stileid.u32;
	[bflag:$0x2] =	sbarrier.arrive $0xFFFF  }
0x11a: {  	p0 =	sne.s32 s0, $0x0;
	s0 =	rddreg [dreg:$0x3]  }
0x11b: {  	s0 =	sadd.s32 @!p0 $0x100000, s0  }
0x11c: {  	[sflag:s0] =	ssyncadd.tile.s32 @!p0 $0x1;
	_ =	shalt  }
.Lfunc_end2:
_tile_overlayer_lowered:
.L_overlay_start_2:
0x11d: {  	(tag) =	ssettag $0x2  }
0x11e: {  	s0 =	rddreg [dreg:$0x0];
	s2 =	stileid.u32  }
0x11f: {  	s1 =	rddreg [dreg:$0x1];
	p0 =	sne.s32 s2, $0x0  }
0x120: {  	s3 =	rddreg [dreg:$0x2];
	[bflag:$0x3] =	sbarrier.arrive $0xFFFF;
	s2 =	simm.s32 @!p0 $0x1C0F  }
0x121: {  	[timem:s3], [sflag:s2] =	dma.local @!p0 [hbm:s0], s1  }
0x122: {  	s0 =	simm.s32 @!p0 $0xF  }
0x123: {  	_ =	swait.ge @!p0 [sflag:s0], s1  }
0x124: {  	s1 =	ssub.s32 @!p0 $0x0, s1;
	[sflag:s0] =	ssyncset.done @!p0 $0x0  }
0x125: {  	[sflag:s0] =	ssyncadd.s32 @!p0 s1  }
0x126: {  	[bflag:$0x3] =	sbarrier.arrive $0xFFFF  }
0x127: {  	_ =	shalt  }

</sc_bundles>
